<compile_context>
chip_gen: v7x
topology: tpu7x:2x2x1
jax: 0.10.2.dev20260603
libtpu: 0.0.44.dev20260713+nightly
codegen_flags: <defaults>
</compile_context>

<pallas_src>
import functools

import numpy as np
import jax
import jax.numpy as jnp
from jax import lax
from jax.experimental import pallas as pl
from jax.experimental.pallas import tpu as pltpu
from jax.experimental.pallas import tpu_sc as plsc

_B = 4
_N = 5000
_L = 16
_NP = 5024
_NCH = _NP // _L
_NCH2 = _NP // (2 * _L)
_MAXOUT = 300
_IOU_THR = 0.6
_SCORE_THR = 0.01
_NEG_INF = float("-inf")
_TARGET = 448
_CMAX = 576
_CCH2 = _CMAX // (2 * _L)
_BS_ITERS = 18
_DEADIDX = _NP - 1
_BIG = 1 << 30
_THR_BITS = int(np.float32(_SCORE_THR).view(np.int32))
_INF_BITS = int(np.float32(np.inf).view(np.int32))

_mesh = plsc.VectorSubcoreMesh(core_axis_name="c", subcore_axis_name="s")


@functools.partial(
    pl.kernel,
    out_type=jax.ShapeDtypeStruct((_B, _MAXOUT * 8), jnp.float32),
    mesh=_mesh,
    compiler_params=pltpu.CompilerParams(needs_layout_passes=False),
    scratch_types=[
        pltpu.VMEM((_NP,), jnp.float32),
        pltpu.VMEM((_NP,), jnp.float32),
        pltpu.VMEM((_NP,), jnp.float32),
        pltpu.VMEM((_NP,), jnp.float32),
        pltpu.VMEM((_NP,), jnp.float32),
        pltpu.VMEM((_NP,), jnp.float32),
        pltpu.VMEM((_NP,), jnp.float32),
        pltpu.VMEM((_NP,), jnp.float32),
        pltpu.VMEM((_NP,), jnp.float32),
        pltpu.VMEM((_NP,), jnp.float32),
        pltpu.VMEM((_NP,), jnp.float32),
        pltpu.VMEM((_CMAX,), jnp.float32),
        pltpu.VMEM((_CMAX,), jnp.float32),
        pltpu.VMEM((_CMAX,), jnp.float32),
        pltpu.VMEM((_CMAX,), jnp.float32),
        pltpu.VMEM((_CMAX,), jnp.float32),
        pltpu.VMEM((_CMAX,), jnp.float32),
        pltpu.VMEM((_CMAX,), jnp.int32),
        pltpu.VMEM((_MAXOUT + 4,), jnp.int32),
        pltpu.VMEM((_MAXOUT * 8,), jnp.float32),
    ],
)
def _nms_sc(x1h, y1h, x2h, y2h, sch, labh, outh,
            x1, y1, x2, y2, sc, labf, bx1, by1, bx2, by2, area,
            cx1, cy1, cx2, cy2, car, csc, corig,
            wlist, outbuf):
    cid = lax.axis_index("c")
    sid = lax.axis_index("s")
    wid = sid * 2 + cid

    @pl.when(wid < _B)
    def _():
        img = wid
        pltpu.sync_copy(x1h.at[img], x1)
        pltpu.sync_copy(y1h.at[img], y1)
        pltpu.sync_copy(x2h.at[img], x2)
        pltpu.sync_copy(y2h.at[img], y2)
        pltpu.sync_copy(sch.at[img], sc)
        pltpu.sync_copy(labh.at[img], labf)

        ninf = jnp.full((_L,), _NEG_INF, jnp.float32)
        zidx = jnp.zeros((_L,), jnp.int32)
        zf = jnp.zeros((_L,), jnp.float32)
        lane = lax.iota(jnp.int32, _L)
        i32 = jnp.int32

        def mc_body(k, acc):
            for u in range(2):
                b = (2 * k + u) * _L
                acc = jnp.maximum(
                    jnp.maximum(acc, jnp.maximum(x1[pl.ds(b, _L)],
                                                 y1[pl.ds(b, _L)])),
                    jnp.maximum(x2[pl.ds(b, _L)], y2[pl.ds(b, _L)]))
            return acc

        mcp1 = jnp.max(lax.fori_loop(0, _NCH2, mc_body, ninf)) \
            + jnp.float32(1.0)

        def stage_body(k, carry):
            for u in range(2):
                b = (2 * k + u) * _L
                l = labf[pl.ds(b, _L)] * mcp1
                a1 = x1[pl.ds(b, _L)] + l
                a2 = y1[pl.ds(b, _L)] + l
                a3 = x2[pl.ds(b, _L)] + l
                a4 = y2[pl.ds(b, _L)] + l
                bx1[pl.ds(b, _L)] = a1
                by1[pl.ds(b, _L)] = a2
                bx2[pl.ds(b, _L)] = a3
                by2[pl.ds(b, _L)] = a4
                area[pl.ds(b, _L)] = (a3 - a1) * (a4 - a2)
                s0 = sc[pl.ds(b, _L)]
                sc[pl.ds(b, _L)] = jnp.where(s0 >= _SCORE_THR, s0, _NEG_INF)
            return carry

        lax.fori_loop(0, _NCH2, stage_body, i32(0))

        def bs_body(_, c):
            lo, hi, best = c
            mid = (lo + hi) >> 1
            tv = lax.bitcast_convert_type(jnp.full((_L,), mid, i32),
                                          jnp.float32)

            def cnt_body(kk, acc):
                for u in range(2):
                    b = (2 * kk + u) * _L
                    acc = acc + jnp.where(sc[pl.ds(b, _L)] >= tv,
                                          i32(1), i32(0))
                return acc

            cnt = jnp.sum(lax.fori_loop(0, _NCH2, cnt_body, zidx))
            ok = cnt >= i32(_TARGET)
            best = jnp.where(ok, mid, best)
            lo = jnp.where(ok, mid + 1, lo)
            hi = jnp.where(ok, hi, mid)
            return lo, hi, best

        _, _, bestb = lax.fori_loop(
            0, _BS_ITERS, bs_body,
            (i32(_THR_BITS), i32(_INF_BITS), i32(_THR_BITS)))
        thr0 = lax.bitcast_convert_type(jnp.full((_L,), bestb, i32),
                                        jnp.float32)

        def fill_body(k, carry):
            for u in range(2):
                b = (2 * k + u) * _L
                cx1[pl.ds(b, _L)] = zf
                cy1[pl.ds(b, _L)] = zf
                cx2[pl.ds(b, _L)] = zf
                cy2[pl.ds(b, _L)] = zf
                car[pl.ds(b, _L)] = zf
                csc[pl.ds(b, _L)] = ninf
                corig[pl.ds(b, _L)] = jnp.full((_L,), i32(_DEADIDX), i32)
            return carry

        lax.fori_loop(0, _CCH2, fill_body, i32(0))

        def comp_body(k, c):
            off, cbv, cbi = c
            b = k * _L
            s0 = sc[pl.ds(b, _L)]
            mask = s0 >= thr0
            cnt = plsc.all_reduce_population_count(mask)
            pos = off + plsc.cumsum(jnp.where(mask, i32(1), i32(0))) - 1
            maskw = mask & (pos < i32(_CMAX))
            idxv = b + lane
            plsc.store_scatter(csc, [pos], s0, mask=maskw)
            plsc.store_scatter(cx1, [pos], bx1[pl.ds(b, _L)], mask=maskw)
            plsc.store_scatter(cy1, [pos], by1[pl.ds(b, _L)], mask=maskw)
            plsc.store_scatter(cx2, [pos], bx2[pl.ds(b, _L)], mask=maskw)
            plsc.store_scatter(cy2, [pos], by2[pl.ds(b, _L)], mask=maskw)
            plsc.store_scatter(car, [pos], area[pl.ds(b, _L)], mask=maskw)
            plsc.store_scatter(corig, [pos], idxv, mask=maskw)
            sm = jnp.where(maskw, s0, ninf)
            upd = sm > cbv
            return (off + cnt, jnp.where(upd, sm, cbv),
                    jnp.where(upd, pos, cbi))

        offv, cbv0, cbi0 = lax.fori_loop(0, _NCH, comp_body,
                                         (zidx, ninf, zidx))
        overflow = jnp.any(offv > i32(_CMAX))

        def emit_row(t, iorig, m, valid):
            g1 = plsc.load_gather(x1, [iorig])
            g2 = plsc.load_gather(y1, [iorig])
            g3 = plsc.load_gather(x2, [iorig])
            g4 = plsc.load_gather(y2, [iorig])
            gl = plsc.load_gather(labf, [iorig])
            row = jnp.where(lane == 0, g1,
                  jnp.where(lane == 1, g2,
                  jnp.where(lane == 2, g3,
                  jnp.where(lane == 3, g4,
                  jnp.where(lane == 4, m,
                  jnp.where(lane == 5, gl, jnp.float32(0.0)))))))
            row = jnp.where(valid, row, jnp.float32(0.0))
            plsc.store_scatter(outbuf, [t * 8 + lane], row, mask=lane < 8)

        def famax_body(k, c):
            fbv, fbi = c
            for u in range(2):
                b = (2 * k + u) * _L
                s0 = sc[pl.ds(b, _L)]
                upd = s0 > fbv
                fbv = jnp.where(upd, s0, fbv)
                fbi = jnp.where(upd, b + lane, fbi)
            return fbv, fbi

        def run_full(t0, bv, bi, nw):
            def fbody(c):
                t, bv, bi, nw = c
                m = jnp.max(bv)
                valid = m > _NEG_INF
                ii = jnp.min(jnp.where(bv == m, bi, i32(_BIG)))
                iiv = jnp.full((_L,), ii, i32)
                emit_row(t, iiv, m, valid)
                plsc.store_scatter(wlist, [jnp.full((_L,), nw, i32)], iiv,
                                   mask=valid & (lane == 0))
                nw = nw + jnp.where(valid, i32(1), i32(0))
                sx1 = plsc.load_gather(bx1, [iiv])
                sy1 = plsc.load_gather(by1, [iiv])
                sx2 = plsc.load_gather(bx2, [iiv])
                sy2 = plsc.load_gather(by2, [iiv])
                sar = plsc.load_gather(area, [iiv])

                def body(k, c2):
                    nbv, nbi = c2
                    for u in range(2):
                        b = (2 * k + u) * _L
                        s0 = sc[pl.ds(b, _L)]
                        xx1 = jnp.maximum(sx1, bx1[pl.ds(b, _L)])
                        yy1 = jnp.maximum(sy1, by1[pl.ds(b, _L)])
                        xx2 = jnp.minimum(sx2, bx2[pl.ds(b, _L)])
                        yy2 = jnp.minimum(sy2, by2[pl.ds(b, _L)])
                        w = jnp.maximum(xx2 - xx1, jnp.float32(0.0))
                        h = jnp.maximum(yy2 - yy1, jnp.float32(0.0))
                        inter = w * h
                        iou = inter / (sar + area[pl.ds(b, _L)] - inter
                                       + jnp.float32(1e-9))
                        s0n = jnp.where(iou > _IOU_THR, _NEG_INF, s0)
                        sc[pl.ds(b, _L)] = s0n
                        upd = s0n > nbv
                        nbv = jnp.where(upd, s0n, nbv)
                        nbi = jnp.where(upd, b + lane, nbi)
                    return nbv, nbi

                nbv, nbi = lax.fori_loop(0, _NCH2, body, (ninf, zidx))
                return t + 1, nbv, nbi, nw

            return lax.while_loop(lambda c: c[0] < i32(_MAXOUT), fbody,
                                  (t0, bv, bi, nw))

        def run_compact(_):
            def cbody(c):
                t, bv, bi, nw = c
                m = jnp.max(bv)
                ii = jnp.min(jnp.where(bv == m, bi, i32(_BIG)))
                iiv = jnp.full((_L,), ii, i32)
                iorig = plsc.load_gather(corig, [iiv])
                emit_row(t, iorig, m, True)
                plsc.store_scatter(wlist, [jnp.full((_L,), nw, i32)],
                                   iorig, mask=lane == 0)
                nw = nw + i32(1)
                sx1 = plsc.load_gather(cx1, [iiv])
                sy1 = plsc.load_gather(cy1, [iiv])
                sx2 = plsc.load_gather(cx2, [iiv])
                sy2 = plsc.load_gather(cy2, [iiv])
                sar = plsc.load_gather(car, [iiv])

                def body(k, c2):
                    nbv, nbi = c2
                    for u in range(2):
                        b = (2 * k + u) * _L
                        s0 = csc[pl.ds(b, _L)]
                        xx1 = jnp.maximum(sx1, cx1[pl.ds(b, _L)])
                        yy1 = jnp.maximum(sy1, cy1[pl.ds(b, _L)])
                        xx2 = jnp.minimum(sx2, cx2[pl.ds(b, _L)])
                        yy2 = jnp.minimum(sy2, cy2[pl.ds(b, _L)])
                        w = jnp.maximum(xx2 - xx1, jnp.float32(0.0))
                        h = jnp.maximum(yy2 - yy1, jnp.float32(0.0))
                        inter = w * h
                        iou = inter / (sar + car[pl.ds(b, _L)] - inter
                                       + jnp.float32(1e-9))
                        s0n = jnp.where(iou > _IOU_THR, _NEG_INF, s0)
                        csc[pl.ds(b, _L)] = s0n
                        upd = s0n > nbv
                        nbv = jnp.where(upd, s0n, nbv)
                        nbi = jnp.where(upd, b + lane, nbi)
                    return nbv, nbi

                nbv, nbi = lax.fori_loop(0, _CCH2, body, (ninf, zidx))
                return t + 1, nbv, nbi, nw

            t, bv, bi, nw = lax.while_loop(
                lambda c: (c[0] < i32(_MAXOUT)) & jnp.any(c[1] > _NEG_INF),
                cbody, (i32(0), cbv0, cbi0, i32(0)))

            def finish(_):
                def replay_w(j, carry2):
                    wi = plsc.load_gather(wlist, [jnp.full((_L,), j, i32)])
                    wx1 = plsc.load_gather(bx1, [wi])
                    wy1 = plsc.load_gather(by1, [wi])
                    wx2 = plsc.load_gather(bx2, [wi])
                    wy2 = plsc.load_gather(by2, [wi])
                    war = plsc.load_gather(area, [wi])

                    def kbody(k, carry3):
                        for u in range(2):
                            b = (2 * k + u) * _L
                            s0 = sc[pl.ds(b, _L)]
                            xx1 = jnp.maximum(wx1, bx1[pl.ds(b, _L)])
                            yy1 = jnp.maximum(wy1, by1[pl.ds(b, _L)])
                            xx2 = jnp.minimum(wx2, bx2[pl.ds(b, _L)])
                            yy2 = jnp.minimum(wy2, by2[pl.ds(b, _L)])
                            w = jnp.maximum(xx2 - xx1, jnp.float32(0.0))
                            h = jnp.maximum(yy2 - yy1, jnp.float32(0.0))
                            inter = w * h
                            iou = inter / (war + area[pl.ds(b, _L)] - inter
                                           + jnp.float32(1e-9))
                            sc[pl.ds(b, _L)] = jnp.where(iou > _IOU_THR,
                                                         _NEG_INF, s0)
                        return carry3

                    lax.fori_loop(0, _NCH2, kbody, i32(0))
                    return carry2

                lax.fori_loop(0, nw, replay_w, i32(0))
                fbv, fbi = lax.fori_loop(0, _NCH2, famax_body, (ninf, zidx))
                return run_full(t, fbv, fbi, nw)

            return lax.cond(t < i32(_MAXOUT), finish, lambda _: (t, bv, bi, nw), 0)

        def run_full_from_start(_):
            fbv, fbi = lax.fori_loop(0, _NCH2, famax_body, (ninf, zidx))
            return run_full(i32(0), fbv, fbi, i32(0))

        lax.cond(overflow, run_full_from_start, run_compact, 0)
        pltpu.sync_copy(outbuf, outh.at[img])


def kernel(boxes, scores, labels):
    pad = _NP - _N

    def padr(a, v):
        return jnp.pad(a, ((0, 0), (0, pad)), constant_values=v)

    x1p = padr(boxes[..., 0], 0.0)
    y1p = padr(boxes[..., 1], 0.0)
    x2p = padr(boxes[..., 2], 0.0)
    y2p = padr(boxes[..., 3], 0.0)
    scp = padr(scores, 0.0)
    labp = padr(labels.astype(jnp.float32), 0.0)
    out = _nms_sc(x1p, y1p, x2p, y2p, scp, labp)
    return out.reshape(_B, _MAXOUT, 8)[:, :, :6]

# --- scband reference (transcript-rebuilt; emitter-appended) ---
"""Pipeline reference for scband-sam3-detector-wrapper-231928234489 (READ-ONLY COPY).

The authoritative reference and input builder live on the scoring server;
editing this copy changes nothing except your own understanding.
"""

import jax, jax.numpy as jnp
import numpy as np
from jax import lax

IOU_THR = 0.6
SCORE_THR = 0.01
MAX_PER_IMG = 300
NUM_CLASSES = 4


def setup_inputs(seed: int = 0) -> dict:
    key = jax.random.key(seed)
    k1, k2, k3, k4 = jax.random.split(key, 4)
    B, N = 4, 5000
    xy = jax.random.uniform(k1, (B, N, 2), minval=0.0, maxval=900.0)
    wh = jax.random.uniform(k2, (B, N, 2), minval=1.0, maxval=120.0)
    boxes = jnp.concatenate([xy, xy + wh], axis=-1).astype(jnp.float32)
    scores = jax.random.uniform(k3, (B, N), dtype=jnp.float32)
    labels = jax.random.randint(k4, (B, N), 0, NUM_CLASSES)
    return {"boxes": boxes, "scores": scores, "labels": labels}


def _nms_single(boxes, scores, labels):
    # torchvision.ops.batched_nms semantics: offset boxes per class so
    # boxes of different classes never overlap, then greedy NMS.
    N = boxes.shape[0]
    valid = scores >= SCORE_THR
    s = jnp.where(valid, scores, -jnp.inf)
    max_coord = jnp.max(boxes)
    offs = labels.astype(boxes.dtype) * (max_coord + 1.0)
    b = boxes + offs[:, None]
    order = jnp.argsort(-s)
    bs = b[order]
    ss = s[order]
    areas = (bs[:, 2] - bs[:, 0]) * (bs[:, 3] - bs[:, 1])
    idxs = jnp.arange(N)

    def body(i, suppressed):
        xx1 = jnp.maximum(bs[i, 0], bs[:, 0])
        yy1 = jnp.maximum(bs[i, 1], bs[:, 1])
        xx2 = jnp.minimum(bs[i, 2], bs[:, 2])
        yy2 = jnp.minimum(bs[i, 3], bs[:, 3])
        w = jnp.maximum(xx2 - xx1, 0.0)
        h = jnp.maximum(yy2 - yy1, 0.0)
        inter = w * h
        iou = inter / (areas[i] + areas - inter + 1e-9)
        active = jnp.logical_not(suppressed[i]) & jnp.isfinite(ss[i])
        return suppressed | ((iou > IOU_THR) & (idxs > i) & active)

    suppressed = lax.fori_loop(0, N, body, jnp.zeros((N,), dtype=bool))
    keep_score = jnp.where(jnp.logical_not(suppressed) & jnp.isfinite(ss), ss, -jnp.inf)
    top_vals, top_pos = lax.top_k(keep_score, MAX_PER_IMG)
    sel = order[top_pos]
    valid_out = jnp.isfinite(top_vals)
    return sel, valid_out


def reference(boxes, scores, labels):
    # Per-image: score_thr filter -> class-aware NMS -> top max_per_img,
    # then pack YOLO-style [x1, y1, x2, y2, score, cls] rows.
    B = boxes.shape[0]
    preds = []
    for i in range(B):
        bi, si, li = boxes[i], scores[i], labels[i]
        sel, vout = _nms_single(lax.stop_gradient(bi), lax.stop_gradient(si), li)
        ob = jnp.take(bi, sel, axis=0)
        osc = jnp.take(si, sel, axis=0)
        ol = jnp.take(li, sel, axis=0).astype(jnp.float32)
        pred = jnp.concatenate([ob, osc[:, None], ol[:, None]], axis=1)
        pred = jnp.where(vout[:, None], pred, 0.0)
        preds.append(pred)
    return jnp.stack(preds, axis=0)

if __name__ == "__main__":
    import jax
    _d = setup_inputs()
    print(jax.jit(kernel)(*tuple(_d.values())))

</pallas_src>

<mosaic_0001>
#map = affine_map<(d0, d1) -> (0, 0)>
module attributes {stable_mosaic.version = 14 : i64} {
  func.func @_nms_sc(%arg0: i32, %arg1: i32, %arg2: memref<4x5024xf32, #tpu.memory_space<hbm>>, %arg3: memref<4x5024xf32, #tpu.memory_space<hbm>>, %arg4: memref<4x5024xf32, #tpu.memory_space<hbm>>, %arg5: memref<4x5024xf32, #tpu.memory_space<hbm>>, %arg6: memref<4x5024xf32, #tpu.memory_space<hbm>>, %arg7: memref<4x5024xf32, #tpu.memory_space<hbm>>, %arg8: memref<4x2400xf32, #tpu.memory_space<hbm>>, %arg9: memref<5024xf32, #tpu.memory_space<vmem>>, %arg10: memref<5024xf32, #tpu.memory_space<vmem>>, %arg11: memref<5024xf32, #tpu.memory_space<vmem>>, %arg12: memref<5024xf32, #tpu.memory_space<vmem>>, %arg13: memref<5024xf32, #tpu.memory_space<vmem>>, %arg14: memref<5024xf32, #tpu.memory_space<vmem>>, %arg15: memref<5024xf32, #tpu.memory_space<vmem>>, %arg16: memref<5024xf32, #tpu.memory_space<vmem>>, %arg17: memref<5024xf32, #tpu.memory_space<vmem>>, %arg18: memref<5024xf32, #tpu.memory_space<vmem>>, %arg19: memref<5024xf32, #tpu.memory_space<vmem>>, %arg20: memref<576xf32, #tpu.memory_space<vmem>>, %arg21: memref<576xf32, #tpu.memory_space<vmem>>, %arg22: memref<576xf32, #tpu.memory_space<vmem>>, %arg23: memref<576xf32, #tpu.memory_space<vmem>>, %arg24: memref<576xf32, #tpu.memory_space<vmem>>, %arg25: memref<576xf32, #tpu.memory_space<vmem>>, %arg26: memref<576xi32, #tpu.memory_space<vmem>>, %arg27: memref<304xi32, #tpu.memory_space<vmem>>, %arg28: memref<2400xf32, #tpu.memory_space<vmem>>) attributes {dimension_semantics = [#tpu.dimension_semantics<core_parallel>, #tpu.dimension_semantics<subcore_parallel>], iteration_bounds = array<i64: 2, 16>, scalar_prefetch = 0 : i64, scratch_operands = 20 : i64, tpu.core_type = #tpu.core_type<sc_vector_subcore>, window_params = [{transform_indices = #map}, {transform_indices = #map}, {transform_indices = #map}, {transform_indices = #map}, {transform_indices = #map}, {transform_indices = #map}, {transform_indices = #map}]} {
    %mul3A = arith.constant 2 : i32
    %mul3A_0 = arith.muli %arg1, %mul3A : i32
    %add3A = arith.addi %mul3A_0, %arg0 : i32
    %lt3A = arith.constant 4 : i32
    %lt3A_1 = arith.cmpi slt, %add3A, %lt3A : i32
    %convert_element_type3A = arith.extui %lt3A_1 : i1 to i32
    %cond3A = arith.constant 0 : i32
    %cond3A_2 = arith.cmpi ne, %convert_element_type3A, %cond3A : i32
    scf.if %cond3A_2 {
      "tpu.region"() ({
        %run_scoped3A = tpu.sem_alloc : memref<!tpu.dma_semaphore, #tpu.memory_space<semaphore_mem>>
        %dma_start3A = arith.constant 0 : i32
        %dma_start3A_63 = tpu.memref_slice %arg2[%add3A, %dma_start3A] : memref<4x5024xf32, #tpu.memory_space<hbm>> -> memref<1x5024xf32, #tpu.memory_space<hbm>>
        %dma_start3A_64 = tpu.memref_squeeze %dma_start3A_63 : memref<1x5024xf32, #tpu.memory_space<hbm>> -> memref<5024xf32, #tpu.memory_space<hbm>>
        %dma_start3A_65 = arith.constant 0 : i32
        %dma_start3A_66 = tpu.memref_slice %arg2[%add3A, %dma_start3A_65] : memref<4x5024xf32, #tpu.memory_space<hbm>> -> memref<1x5024xf32, #tpu.memory_space<hbm>>
        %dma_start3A_67 = tpu.memref_squeeze %dma_start3A_66 : memref<1x5024xf32, #tpu.memory_space<hbm>> -> memref<5024xf32, #tpu.memory_space<hbm>>
        tpu.enqueue_dma source(%dma_start3A_67 : memref<5024xf32, #tpu.memory_space<hbm>>) target(%arg9 : memref<5024xf32, #tpu.memory_space<vmem>>) target_semaphore(%run_scoped3A : memref<!tpu.dma_semaphore, #tpu.memory_space<semaphore_mem>>)
        %dma_wait3A = arith.constant 0 : i32
        %dma_wait3A_68 = tpu.memref_slice %arg2[%add3A, %dma_wait3A] : memref<4x5024xf32, #tpu.memory_space<hbm>> -> memref<1x5024xf32, #tpu.memory_space<hbm>>
        %dma_wait3A_69 = tpu.memref_squeeze %dma_wait3A_68 : memref<1x5024xf32, #tpu.memory_space<hbm>> -> memref<5024xf32, #tpu.memory_space<hbm>>
        %dma_wait3A_70 = arith.constant 0 : i32
        %dma_wait3A_71 = tpu.memref_slice %arg2[%add3A, %dma_wait3A_70] : memref<4x5024xf32, #tpu.memory_space<hbm>> -> memref<1x5024xf32, #tpu.memory_space<hbm>>
        %dma_wait3A_72 = tpu.memref_squeeze %dma_wait3A_71 : memref<1x5024xf32, #tpu.memory_space<hbm>> -> memref<5024xf32, #tpu.memory_space<hbm>>
        tpu.wait_dma2 semaphore(%run_scoped3A : memref<!tpu.dma_semaphore, #tpu.memory_space<semaphore_mem>>) src(%dma_wait3A_72 : memref<5024xf32, #tpu.memory_space<hbm>>) dst(%arg9 : memref<5024xf32, #tpu.memory_space<vmem>>)
        tpu.yield
      }) : () -> ()
      "tpu.region"() ({
        %run_scoped3A = tpu.sem_alloc : memref<!tpu.dma_semaphore, #tpu.memory_space<semaphore_mem>>
        %dma_start3A = arith.constant 0 : i32
        %dma_start3A_63 = tpu.memref_slice %arg3[%add3A, %dma_start3A] : memref<4x5024xf32, #tpu.memory_space<hbm>> -> memref<1x5024xf32, #tpu.memory_space<hbm>>
        %dma_start3A_64 = tpu.memref_squeeze %dma_start3A_63 : memref<1x5024xf32, #tpu.memory_space<hbm>> -> memref<5024xf32, #tpu.memory_space<hbm>>
        %dma_start3A_65 = arith.constant 0 : i32
        %dma_start3A_66 = tpu.memref_slice %arg3[%add3A, %dma_start3A_65] : memref<4x5024xf32, #tpu.memory_space<hbm>> -> memref<1x5024xf32, #tpu.memory_space<hbm>>
        %dma_start3A_67 = tpu.memref_squeeze %dma_start3A_66 : memref<1x5024xf32, #tpu.memory_space<hbm>> -> memref<5024xf32, #tpu.memory_space<hbm>>
        tpu.enqueue_dma source(%dma_start3A_67 : memref<5024xf32, #tpu.memory_space<hbm>>) target(%arg10 : memref<5024xf32, #tpu.memory_space<vmem>>) target_semaphore(%run_scoped3A : memref<!tpu.dma_semaphore, #tpu.memory_space<semaphore_mem>>)
        %dma_wait3A = arith.constant 0 : i32
        %dma_wait3A_68 = tpu.memref_slice %arg3[%add3A, %dma_wait3A] : memref<4x5024xf32, #tpu.memory_space<hbm>> -> memref<1x5024xf32, #tpu.memory_space<hbm>>
        %dma_wait3A_69 = tpu.memref_squeeze %dma_wait3A_68 : memref<1x5024xf32, #tpu.memory_space<hbm>> -> memref<5024xf32, #tpu.memory_space<hbm>>
        %dma_wait3A_70 = arith.constant 0 : i32
        %dma_wait3A_71 = tpu.memref_slice %arg3[%add3A, %dma_wait3A_70] : memref<4x5024xf32, #tpu.memory_space<hbm>> -> memref<1x5024xf32, #tpu.memory_space<hbm>>
        %dma_wait3A_72 = tpu.memref_squeeze %dma_wait3A_71 : memref<1x5024xf32, #tpu.memory_space<hbm>> -> memref<5024xf32, #tpu.memory_space<hbm>>
        tpu.wait_dma2 semaphore(%run_scoped3A : memref<!tpu.dma_semaphore, #tpu.memory_space<semaphore_mem>>) src(%dma_wait3A_72 : memref<5024xf32, #tpu.memory_space<hbm>>) dst(%arg10 : memref<5024xf32, #tpu.memory_space<vmem>>)
        tpu.yield
      }) : () -> ()
      "tpu.region"() ({
        %run_scoped3A = tpu.sem_alloc : memref<!tpu.dma_semaphore, #tpu.memory_space<semaphore_mem>>
        %dma_start3A = arith.constant 0 : i32
        %dma_start3A_63 = tpu.memref_slice %arg4[%add3A, %dma_start3A] : memref<4x5024xf32, #tpu.memory_space<hbm>> -> memref<1x5024xf32, #tpu.memory_space<hbm>>
        %dma_start3A_64 = tpu.memref_squeeze %dma_start3A_63 : memref<1x5024xf32, #tpu.memory_space<hbm>> -> memref<5024xf32, #tpu.memory_space<hbm>>
        %dma_start3A_65 = arith.constant 0 : i32
        %dma_start3A_66 = tpu.memref_slice %arg4[%add3A, %dma_start3A_65] : memref<4x5024xf32, #tpu.memory_space<hbm>> -> memref<1x5024xf32, #tpu.memory_space<hbm>>
        %dma_start3A_67 = tpu.memref_squeeze %dma_start3A_66 : memref<1x5024xf32, #tpu.memory_space<hbm>> -> memref<5024xf32, #tpu.memory_space<hbm>>
        tpu.enqueue_dma source(%dma_start3A_67 : memref<5024xf32, #tpu.memory_space<hbm>>) target(%arg11 : memref<5024xf32, #tpu.memory_space<vmem>>) target_semaphore(%run_scoped3A : memref<!tpu.dma_semaphore, #tpu.memory_space<semaphore_mem>>)
        %dma_wait3A = arith.constant 0 : i32
        %dma_wait3A_68 = tpu.memref_slice %arg4[%add3A, %dma_wait3A] : memref<4x5024xf32, #tpu.memory_space<hbm>> -> memref<1x5024xf32, #tpu.memory_space<hbm>>
        %dma_wait3A_69 = tpu.memref_squeeze %dma_wait3A_68 : memref<1x5024xf32, #tpu.memory_space<hbm>> -> memref<5024xf32, #tpu.memory_space<hbm>>
        %dma_wait3A_70 = arith.constant 0 : i32
        %dma_wait3A_71 = tpu.memref_slice %arg4[%add3A, %dma_wait3A_70] : memref<4x5024xf32, #tpu.memory_space<hbm>> -> memref<1x5024xf32, #tpu.memory_space<hbm>>
        %dma_wait3A_72 = tpu.memref_squeeze %dma_wait3A_71 : memref<1x5024xf32, #tpu.memory_space<hbm>> -> memref<5024xf32, #tpu.memory_space<hbm>>
        tpu.wait_dma2 semaphore(%run_scoped3A : memref<!tpu.dma_semaphore, #tpu.memory_space<semaphore_mem>>) src(%dma_wait3A_72 : memref<5024xf32, #tpu.memory_space<hbm>>) dst(%arg11 : memref<5024xf32, #tpu.memory_space<vmem>>)
        tpu.yield
      }) : () -> ()
      "tpu.region"() ({
        %run_scoped3A = tpu.sem_alloc : memref<!tpu.dma_semaphore, #tpu.memory_space<semaphore_mem>>
        %dma_start3A = arith.constant 0 : i32
        %dma_start3A_63 = tpu.memref_slice %arg5[%add3A, %dma_start3A] : memref<4x5024xf32, #tpu.memory_space<hbm>> -> memref<1x5024xf32, #tpu.memory_space<hbm>>
        %dma_start3A_64 = tpu.memref_squeeze %dma_start3A_63 : memref<1x5024xf32, #tpu.memory_space<hbm>> -> memref<5024xf32, #tpu.memory_space<hbm>>
        %dma_start3A_65 = arith.constant 0 : i32
        %dma_start3A_66 = tpu.memref_slice %arg5[%add3A, %dma_start3A_65] : memref<4x5024xf32, #tpu.memory_space<hbm>> -> memref<1x5024xf32, #tpu.memory_space<hbm>>
        %dma_start3A_67 = tpu.memref_squeeze %dma_start3A_66 : memref<1x5024xf32, #tpu.memory_space<hbm>> -> memref<5024xf32, #tpu.memory_space<hbm>>
        tpu.enqueue_dma source(%dma_start3A_67 : memref<5024xf32, #tpu.memory_space<hbm>>) target(%arg12 : memref<5024xf32, #tpu.memory_space<vmem>>) target_semaphore(%run_scoped3A : memref<!tpu.dma_semaphore, #tpu.memory_space<semaphore_mem>>)
        %dma_wait3A = arith.constant 0 : i32
        %dma_wait3A_68 = tpu.memref_slice %arg5[%add3A, %dma_wait3A] : memref<4x5024xf32, #tpu.memory_space<hbm>> -> memref<1x5024xf32, #tpu.memory_space<hbm>>
        %dma_wait3A_69 = tpu.memref_squeeze %dma_wait3A_68 : memref<1x5024xf32, #tpu.memory_space<hbm>> -> memref<5024xf32, #tpu.memory_space<hbm>>
        %dma_wait3A_70 = arith.constant 0 : i32
        %dma_wait3A_71 = tpu.memref_slice %arg5[%add3A, %dma_wait3A_70] : memref<4x5024xf32, #tpu.memory_space<hbm>> -> memref<1x5024xf32, #tpu.memory_space<hbm>>
        %dma_wait3A_72 = tpu.memref_squeeze %dma_wait3A_71 : memref<1x5024xf32, #tpu.memory_space<hbm>> -> memref<5024xf32, #tpu.memory_space<hbm>>
        tpu.wait_dma2 semaphore(%run_scoped3A : memref<!tpu.dma_semaphore, #tpu.memory_space<semaphore_mem>>) src(%dma_wait3A_72 : memref<5024xf32, #tpu.memory_space<hbm>>) dst(%arg12 : memref<5024xf32, #tpu.memory_space<vmem>>)
        tpu.yield
      }) : () -> ()
      "tpu.region"() ({
        %run_scoped3A = tpu.sem_alloc : memref<!tpu.dma_semaphore, #tpu.memory_space<semaphore_mem>>
        %dma_start3A = arith.constant 0 : i32
        %dma_start3A_63 = tpu.memref_slice %arg6[%add3A, %dma_start3A] : memref<4x5024xf32, #tpu.memory_space<hbm>> -> memref<1x5024xf32, #tpu.memory_space<hbm>>
        %dma_start3A_64 = tpu.memref_squeeze %dma_start3A_63 : memref<1x5024xf32, #tpu.memory_space<hbm>> -> memref<5024xf32, #tpu.memory_space<hbm>>
        %dma_start3A_65 = arith.constant 0 : i32
        %dma_start3A_66 = tpu.memref_slice %arg6[%add3A, %dma_start3A_65] : memref<4x5024xf32, #tpu.memory_space<hbm>> -> memref<1x5024xf32, #tpu.memory_space<hbm>>
        %dma_start3A_67 = tpu.memref_squeeze %dma_start3A_66 : memref<1x5024xf32, #tpu.memory_space<hbm>> -> memref<5024xf32, #tpu.memory_space<hbm>>
        tpu.enqueue_dma source(%dma_start3A_67 : memref<5024xf32, #tpu.memory_space<hbm>>) target(%arg13 : memref<5024xf32, #tpu.memory_space<vmem>>) target_semaphore(%run_scoped3A : memref<!tpu.dma_semaphore, #tpu.memory_space<semaphore_mem>>)
        %dma_wait3A = arith.constant 0 : i32
        %dma_wait3A_68 = tpu.memref_slice %arg6[%add3A, %dma_wait3A] : memref<4x5024xf32, #tpu.memory_space<hbm>> -> memref<1x5024xf32, #tpu.memory_space<hbm>>
        %dma_wait3A_69 = tpu.memref_squeeze %dma_wait3A_68 : memref<1x5024xf32, #tpu.memory_space<hbm>> -> memref<5024xf32, #tpu.memory_space<hbm>>
        %dma_wait3A_70 = arith.constant 0 : i32
        %dma_wait3A_71 = tpu.memref_slice %arg6[%add3A, %dma_wait3A_70] : memref<4x5024xf32, #tpu.memory_space<hbm>> -> memref<1x5024xf32, #tpu.memory_space<hbm>>
        %dma_wait3A_72 = tpu.memref_squeeze %dma_wait3A_71 : memref<1x5024xf32, #tpu.memory_space<hbm>> -> memref<5024xf32, #tpu.memory_space<hbm>>
        tpu.wait_dma2 semaphore(%run_scoped3A : memref<!tpu.dma_semaphore, #tpu.memory_space<semaphore_mem>>) src(%dma_wait3A_72 : memref<5024xf32, #tpu.memory_space<hbm>>) dst(%arg13 : memref<5024xf32, #tpu.memory_space<vmem>>)
        tpu.yield
      }) : () -> ()
      "tpu.region"() ({
        %run_scoped3A = tpu.sem_alloc : memref<!tpu.dma_semaphore, #tpu.memory_space<semaphore_mem>>
        %dma_start3A = arith.constant 0 : i32
        %dma_start3A_63 = tpu.memref_slice %arg7[%add3A, %dma_start3A] : memref<4x5024xf32, #tpu.memory_space<hbm>> -> memref<1x5024xf32, #tpu.memory_space<hbm>>
        %dma_start3A_64 = tpu.memref_squeeze %dma_start3A_63 : memref<1x5024xf32, #tpu.memory_space<hbm>> -> memref<5024xf32, #tpu.memory_space<hbm>>
        %dma_start3A_65 = arith.constant 0 : i32
        %dma_start3A_66 = tpu.memref_slice %arg7[%add3A, %dma_start3A_65] : memref<4x5024xf32, #tpu.memory_space<hbm>> -> memref<1x5024xf32, #tpu.memory_space<hbm>>
        %dma_start3A_67 = tpu.memref_squeeze %dma_start3A_66 : memref<1x5024xf32, #tpu.memory_space<hbm>> -> memref<5024xf32, #tpu.memory_space<hbm>>
        tpu.enqueue_dma source(%dma_start3A_67 : memref<5024xf32, #tpu.memory_space<hbm>>) target(%arg14 : memref<5024xf32, #tpu.memory_space<vmem>>) target_semaphore(%run_scoped3A : memref<!tpu.dma_semaphore, #tpu.memory_space<semaphore_mem>>)
        %dma_wait3A = arith.constant 0 : i32
        %dma_wait3A_68 = tpu.memref_slice %arg7[%add3A, %dma_wait3A] : memref<4x5024xf32, #tpu.memory_space<hbm>> -> memref<1x5024xf32, #tpu.memory_space<hbm>>
        %dma_wait3A_69 = tpu.memref_squeeze %dma_wait3A_68 : memref<1x5024xf32, #tpu.memory_space<hbm>> -> memref<5024xf32, #tpu.memory_space<hbm>>
        %dma_wait3A_70 = arith.constant 0 : i32
        %dma_wait3A_71 = tpu.memref_slice %arg7[%add3A, %dma_wait3A_70] : memref<4x5024xf32, #tpu.memory_space<hbm>> -> memref<1x5024xf32, #tpu.memory_space<hbm>>
        %dma_wait3A_72 = tpu.memref_squeeze %dma_wait3A_71 : memref<1x5024xf32, #tpu.memory_space<hbm>> -> memref<5024xf32, #tpu.memory_space<hbm>>
        tpu.wait_dma2 semaphore(%run_scoped3A : memref<!tpu.dma_semaphore, #tpu.memory_space<semaphore_mem>>) src(%dma_wait3A_72 : memref<5024xf32, #tpu.memory_space<hbm>>) dst(%arg14 : memref<5024xf32, #tpu.memory_space<vmem>>)
        tpu.yield
      }) : () -> ()
      %broadcast_in_dim3A = arith.constant 0xFF800000 : f32
      %broadcast_in_dim3A_3 = vector.broadcast %broadcast_in_dim3A : f32 to vector<16xf32>
      %broadcast_in_dim3A_4 = arith.constant 0 : i32
      %broadcast_in_dim3A_5 = vector.broadcast %broadcast_in_dim3A_4 : i32 to vector<16xi32>
      %broadcast_in_dim3A_6 = arith.constant 0.000000e+00 : f32
      %broadcast_in_dim3A_7 = vector.broadcast %broadcast_in_dim3A_6 : f32 to vector<16xf32>
      %iota3A = tpu.iota {dimensions = array<i32: 0>} : vector<16xi32>
      %scan3A = arith.constant 0 : i32
      %scan3A_8 = arith.constant 157 : i32
      %scan3A_9 = arith.addi %scan3A, %scan3A_8 : i32
      %scan3A_10 = arith.constant 1 : i32
      %scan3A_11 = scf.for %scan3A_63 = %scan3A to %scan3A_9 step %scan3A_10 iter_args(%scan3A_64 = %broadcast_in_dim3A_3) -> (vector<16xf32>)  : i32 {
        %mul3A_65 = arith.constant 2 : i32
        %mul3A_66 = arith.muli %mul3A_65, %scan3A_63 : i32
        %add3A_67 = arith.constant 0 : i32
        %add3A_68 = arith.addi %mul3A_66, %add3A_67 : i32
        %mul3A_69 = arith.constant 16 : i32
        %mul3A_70 = arith.muli %add3A_68, %mul3A_69 : i32
        %get3A = arith.index_cast %mul3A_70 : i32 to index
        %get3A_71 = tpu.vector_load %arg9[%get3A] {strides = array<i32>} : memref<5024xf32, #tpu.memory_space<vmem>>, vector<16xf32>,
        %get3A_72 = arith.index_cast %mul3A_70 : i32 to index
        %get3A_73 = tpu.vector_load %arg10[%get3A_72] {strides = array<i32>} : memref<5024xf32, #tpu.memory_space<vmem>>, vector<16xf32>,
        %max3A = arith.maximumf %get3A_71, %get3A_73 : vector<16xf32>
        %max3A_74 = arith.maximumf %scan3A_64, %max3A : vector<16xf32>
        %get3A_75 = arith.index_cast %mul3A_70 : i32 to index
        %get3A_76 = tpu.vector_load %arg11[%get3A_75] {strides = array<i32>} : memref<5024xf32, #tpu.memory_space<vmem>>, vector<16xf32>,
        %get3A_77 = arith.index_cast %mul3A_70 : i32 to index
        %get3A_78 = tpu.vector_load %arg12[%get3A_77] {strides = array<i32>} : memref<5024xf32, #tpu.memory_space<vmem>>, vector<16xf32>,
        %max3A_79 = arith.maximumf %get3A_76, %get3A_78 : vector<16xf32>
        %max3A_80 = arith.maximumf %max3A_74, %max3A_79 : vector<16xf32>
        %mul3A_81 = arith.constant 2 : i32
        %mul3A_82 = arith.muli %mul3A_81, %scan3A_63 : i32
        %add3A_83 = arith.constant 1 : i32
        %add3A_84 = arith.addi %mul3A_82, %add3A_83 : i32
        %mul3A_85 = arith.constant 16 : i32
        %mul3A_86 = arith.muli %add3A_84, %mul3A_85 : i32
        %get3A_87 = arith.index_cast %mul3A_86 : i32 to index
        %get3A_88 = tpu.vector_load %arg9[%get3A_87] {strides = array<i32>} : memref<5024xf32, #tpu.memory_space<vmem>>, vector<16xf32>,
        %get3A_89 = arith.index_cast %mul3A_86 : i32 to index
        %get3A_90 = tpu.vector_load %arg10[%get3A_89] {strides = array<i32>} : memref<5024xf32, #tpu.memory_space<vmem>>, vector<16xf32>,
        %max3A_91 = arith.maximumf %get3A_88, %get3A_90 : vector<16xf32>
        %max3A_92 = arith.maximumf %max3A_80, %max3A_91 : vector<16xf32>
        %get3A_93 = arith.index_cast %mul3A_86 : i32 to index
        %get3A_94 = tpu.vector_load %arg11[%get3A_93] {strides = array<i32>} : memref<5024xf32, #tpu.memory_space<vmem>>, vector<16xf32>,
        %get3A_95 = arith.index_cast %mul3A_86 : i32 to index
        %get3A_96 = tpu.vector_load %arg12[%get3A_95] {strides = array<i32>} : memref<5024xf32, #tpu.memory_space<vmem>>, vector<16xf32>,
        %max3A_97 = arith.maximumf %get3A_94, %get3A_96 : vector<16xf32>
        %max3A_98 = arith.maximumf %max3A_92, %max3A_97 : vector<16xf32>
        scf.yield %max3A_98 : vector<16xf32>
      }
      %scan3A_12 = arith.constant 157 : i32
      %reduce_max3A = arith.constant true
      %reduce_max3A_13 = vector.broadcast %reduce_max3A : i1 to vector<16xi1>
      %reduce_max3A_14 = tpu.scan <max>, %scan3A_11 masked %reduce_max3A_13 : vector<16xf32>, vector<16xi1> -> vector<16xf32>
      %reduce_max3A_15 = vector.extract %reduce_max3A_14[15] : f32 from vector<16xf32>
      %add3A_16 = arith.constant 1.000000e+00 : f32
      %add3A_17 = arith.addf %reduce_max3A_15, %add3A_16 : f32
      %scan3A_18 = arith.constant 0 : i32
      %scan3A_19 = arith.constant 0 : i32
      %scan3A_20 = arith.constant 157 : i32
      %scan3A_21 = arith.addi %scan3A_19, %scan3A_20 : i32
      %scan3A_22 = arith.constant 1 : i32
      scf.for %scan3A_63 = %scan3A_19 to %scan3A_21 step %scan3A_22  : i32 {
        %mul3A_64 = arith.constant 2 : i32
        %mul3A_65 = arith.muli %mul3A_64, %scan3A_63 : i32
        %add3A_66 = arith.constant 0 : i32
        %add3A_67 = arith.addi %mul3A_65, %add3A_66 : i32
        %mul3A_68 = arith.constant 16 : i32
        %mul3A_69 = arith.muli %add3A_67, %mul3A_68 : i32
        %get3A = arith.index_cast %mul3A_69 : i32 to index
        %get3A_70 = tpu.vector_load %arg14[%get3A] {strides = array<i32>} : memref<5024xf32, #tpu.memory_space<vmem>>, vector<16xf32>,
        %mul3A_71 = vector.broadcast %add3A_17 : f32 to vector<16xf32>
        %mul3A_72 = arith.mulf %get3A_70, %mul3A_71 : vector<16xf32>
        %get3A_73 = arith.index_cast %mul3A_69 : i32 to index
        %get3A_74 = tpu.vector_load %arg9[%get3A_73] {strides = array<i32>} : memref<5024xf32, #tpu.memory_space<vmem>>, vector<16xf32>,
        %add3A_75 = arith.addf %get3A_74, %mul3A_72 : vector<16xf32>
        %get3A_76 = arith.index_cast %mul3A_69 : i32 to index
        %get3A_77 = tpu.vector_load %arg10[%get3A_76] {strides = array<i32>} : memref<5024xf32, #tpu.memory_space<vmem>>, vector<16xf32>,
        %add3A_78 = arith.addf %get3A_77, %mul3A_72 : vector<16xf32>
        %get3A_79 = arith.index_cast %mul3A_69 : i32 to index
        %get3A_80 = tpu.vector_load %arg11[%get3A_79] {strides = array<i32>} : memref<5024xf32, #tpu.memory_space<vmem>>, vector<16xf32>,
        %add3A_81 = arith.addf %get3A_80, %mul3A_72 : vector<16xf32>
        %get3A_82 = arith.index_cast %mul3A_69 : i32 to index
        %get3A_83 = tpu.vector_load %arg12[%get3A_82] {strides = array<i32>} : memref<5024xf32, #tpu.memory_space<vmem>>, vector<16xf32>,
        %add3A_84 = arith.addf %get3A_83, %mul3A_72 : vector<16xf32>
        %swap3A = arith.index_cast %mul3A_69 : i32 to index
        %swap3A_85 = tpu.vector_load %arg15[%swap3A] {strides = array<i32>} : memref<5024xf32, #tpu.memory_space<vmem>>, vector<16xf32>,
        tpu.vector_store %arg15[%swap3A], %add3A_75 {strides = array<i32>} : memref<5024xf32, #tpu.memory_space<vmem>>, vector<16xf32>,
        %swap3A_86 = arith.index_cast %mul3A_69 : i32 to index
        %swap3A_87 = tpu.vector_load %arg16[%swap3A_86] {strides = array<i32>} : memref<5024xf32, #tpu.memory_space<vmem>>, vector<16xf32>,
        tpu.vector_store %arg16[%swap3A_86], %add3A_78 {strides = array<i32>} : memref<5024xf32, #tpu.memory_space<vmem>>, vector<16xf32>,
        %swap3A_88 = arith.index_cast %mul3A_69 : i32 to index
        %swap3A_89 = tpu.vector_load %arg17[%swap3A_88] {strides = array<i32>} : memref<5024xf32, #tpu.memory_space<vmem>>, vector<16xf32>,
        tpu.vector_store %arg17[%swap3A_88], %add3A_81 {strides = array<i32>} : memref<5024xf32, #tpu.memory_space<vmem>>, vector<16xf32>,
        %swap3A_90 = arith.index_cast %mul3A_69 : i32 to index
        %swap3A_91 = tpu.vector_load %arg18[%swap3A_90] {strides = array<i32>} : memref<5024xf32, #tpu.memory_space<vmem>>, vector<16xf32>,
        tpu.vector_store %arg18[%swap3A_90], %add3A_84 {strides = array<i32>} : memref<5024xf32, #tpu.memory_space<vmem>>, vector<16xf32>,
        %sub3A = arith.subf %add3A_81, %add3A_75 : vector<16xf32>
        %sub3A_92 = arith.subf %add3A_84, %add3A_78 : vector<16xf32>
        %mul3A_93 = arith.mulf %sub3A, %sub3A_92 : vector<16xf32>
        %swap3A_94 = arith.index_cast %mul3A_69 : i32 to index
        %swap3A_95 = tpu.vector_load %arg19[%swap3A_94] {strides = array<i32>} : memref<5024xf32, #tpu.memory_space<vmem>>, vector<16xf32>,
        tpu.vector_store %arg19[%swap3A_94], %mul3A_93 {strides = array<i32>} : memref<5024xf32, #tpu.memory_space<vmem>>, vector<16xf32>,
        %get3A_96 = arith.index_cast %mul3A_69 : i32 to index
        %get3A_97 = tpu.vector_load %arg13[%get3A_96] {strides = array<i32>} : memref<5024xf32, #tpu.memory_space<vmem>>, vector<16xf32>,
        %ge3A = arith.constant 0.00999999977 : f32
        %ge3A_98 = vector.broadcast %ge3A : f32 to vector<16xf32>
        %ge3A_99 = arith.cmpf oge, %get3A_97, %ge3A_98 : vector<16xf32>
        %jit3A = arith.constant 0xFF800000 : f32
        %broadcast_in_dim3A_100 = vector.broadcast %jit3A : f32 to vector<16xf32>
        %select_n3A = arith.select %ge3A_99, %get3A_97, %broadcast_in_dim3A_100 : vector<16xi1>, vector<16xf32>
        %swap3A_101 = arith.index_cast %mul3A_69 : i32 to index
        %swap3A_102 = tpu.vector_load %arg13[%swap3A_101] {strides = array<i32>} : memref<5024xf32, #tpu.memory_space<vmem>>, vector<16xf32>,
        tpu.vector_store %arg13[%swap3A_101], %select_n3A {strides = array<i32>} : memref<5024xf32, #tpu.memory_space<vmem>>, vector<16xf32>,
        %mul3A_103 = arith.constant 2 : i32
        %mul3A_104 = arith.muli %mul3A_103, %scan3A_63 : i32
        %add3A_105 = arith.constant 1 : i32
        %add3A_106 = arith.addi %mul3A_104, %add3A_105 : i32
        %mul3A_107 = arith.constant 16 : i32
        %mul3A_108 = arith.muli %add3A_106, %mul3A_107 : i32
        %get3A_109 = arith.index_cast %mul3A_108 : i32 to index
        %get3A_110 = tpu.vector_load %arg14[%get3A_109] {strides = array<i32>} : memref<5024xf32, #tpu.memory_space<vmem>>, vector<16xf32>,
        %mul3A_111 = vector.broadcast %add3A_17 : f32 to vector<16xf32>
        %mul3A_112 = arith.mulf %get3A_110, %mul3A_111 : vector<16xf32>
        %get3A_113 = arith.index_cast %mul3A_108 : i32 to index
        %get3A_114 = tpu.vector_load %arg9[%get3A_113] {strides = array<i32>} : memref<5024xf32, #tpu.memory_space<vmem>>, vector<16xf32>,
        %add3A_115 = arith.addf %get3A_114, %mul3A_112 : vector<16xf32>
        %get3A_116 = arith.index_cast %mul3A_108 : i32 to index
        %get3A_117 = tpu.vector_load %arg10[%get3A_116] {strides = array<i32>} : memref<5024xf32, #tpu.memory_space<vmem>>, vector<16xf32>,
        %add3A_118 = arith.addf %get3A_117, %mul3A_112 : vector<16xf32>
        %get3A_119 = arith.index_cast %mul3A_108 : i32 to index
        %get3A_120 = tpu.vector_load %arg11[%get3A_119] {strides = array<i32>} : memref<5024xf32, #tpu.memory_space<vmem>>, vector<16xf32>,
        %add3A_121 = arith.addf %get3A_120, %mul3A_112 : vector<16xf32>
        %get3A_122 = arith.index_cast %mul3A_108 : i32 to index
        %get3A_123 = tpu.vector_load %arg12[%get3A_122] {strides = array<i32>} : memref<5024xf32, #tpu.memory_space<vmem>>, vector<16xf32>,
        %add3A_124 = arith.addf %get3A_123, %mul3A_112 : vector<16xf32>
        %swap3A_125 = arith.index_cast %mul3A_108 : i32 to index
        %swap3A_126 = tpu.vector_load %arg15[%swap3A_125] {strides = array<i32>} : memref<5024xf32, #tpu.memory_space<vmem>>, vector<16xf32>,
        tpu.vector_store %arg15[%swap3A_125], %add3A_115 {strides = array<i32>} : memref<5024xf32, #tpu.memory_space<vmem>>, vector<16xf32>,
        %swap3A_127 = arith.index_cast %mul3A_108 : i32 to index
        %swap3A_128 = tpu.vector_load %arg16[%swap3A_127] {strides = array<i32>} : memref<5024xf32, #tpu.memory_space<vmem>>, vector<16xf32>,
        tpu.vector_store %arg16[%swap3A_127], %add3A_118 {strides = array<i32>} : memref<5024xf32, #tpu.memory_space<vmem>>, vector<16xf32>,
        %swap3A_129 = arith.index_cast %mul3A_108 : i32 to index
        %swap3A_130 = tpu.vector_load %arg17[%swap3A_129] {strides = array<i32>} : memref<5024xf32, #tpu.memory_space<vmem>>, vector<16xf32>,
        tpu.vector_store %arg17[%swap3A_129], %add3A_121 {strides = array<i32>} : memref<5024xf32, #tpu.memory_space<vmem>>, vector<16xf32>,
        %swap3A_131 = arith.index_cast %mul3A_108 : i32 to index
        %swap3A_132 = tpu.vector_load %arg18[%swap3A_131] {strides = array<i32>} : memref<5024xf32, #tpu.memory_space<vmem>>, vector<16xf32>,
        tpu.vector_store %arg18[%swap3A_131], %add3A_124 {strides = array<i32>} : memref<5024xf32, #tpu.memory_space<vmem>>, vector<16xf32>,
        %sub3A_133 = arith.subf %add3A_121, %add3A_115 : vector<16xf32>
        %sub3A_134 = arith.subf %add3A_124, %add3A_118 : vector<16xf32>
        %mul3A_135 = arith.mulf %sub3A_133, %sub3A_134 : vector<16xf32>
        %swap3A_136 = arith.index_cast %mul3A_108 : i32 to index
        %swap3A_137 = tpu.vector_load %arg19[%swap3A_136] {strides = array<i32>} : memref<5024xf32, #tpu.memory_space<vmem>>, vector<16xf32>,
        tpu.vector_store %arg19[%swap3A_136], %mul3A_135 {strides = array<i32>} : memref<5024xf32, #tpu.memory_space<vmem>>, vector<16xf32>,
        %get3A_138 = arith.index_cast %mul3A_108 : i32 to index
        %get3A_139 = tpu.vector_load %arg13[%get3A_138] {strides = array<i32>} : memref<5024xf32, #tpu.memory_space<vmem>>, vector<16xf32>,
        %ge3A_140 = arith.constant 0.00999999977 : f32
        %ge3A_141 = vector.broadcast %ge3A_140 : f32 to vector<16xf32>
        %ge3A_142 = arith.cmpf oge, %get3A_139, %ge3A_141 : vector<16xf32>
        %jit3A_143 = arith.constant 0xFF800000 : f32
        %broadcast_in_dim3A_144 = vector.broadcast %jit3A_143 : f32 to vector<16xf32>
        %select_n3A_145 = arith.select %ge3A_142, %get3A_139, %broadcast_in_dim3A_144 : vector<16xi1>, vector<16xf32>
        %swap3A_146 = arith.index_cast %mul3A_108 : i32 to index
        %swap3A_147 = tpu.vector_load %arg13[%swap3A_146] {strides = array<i32>} : memref<5024xf32, #tpu.memory_space<vmem>>, vector<16xf32>,
        tpu.vector_store %arg13[%swap3A_146], %select_n3A_145 {strides = array<i32>} : memref<5024xf32, #tpu.memory_space<vmem>>, vector<16xf32>,
      }
      %scan3A_23 = arith.constant 157 : i32
      %scan3A_24 = arith.constant 1008981770 : i32
      %scan3A_25 = arith.constant 2139095040 : i32
      %scan3A_26 = arith.constant 1008981770 : i32
      %scan3A_27 = arith.constant 0 : i32
      %scan3A_28 = arith.constant 18 : i32
      %scan3A_29 = arith.addi %scan3A_27, %scan3A_28 : i32
      %scan3A_30 = arith.constant 1 : i32
      %scan3A_31:3 = scf.for %scan3A_63 = %scan3A_27 to %scan3A_29 step %scan3A_30 iter_args(%scan3A_64 = %scan3A_24, %scan3A_65 = %scan3A_25, %scan3A_66 = %scan3A_26) -> (i32, i32, i32)  : i32 {
        %add3A_67 = arith.addi %scan3A_64, %scan3A_65 : i32
        %shift_right_arithmetic3A = arith.constant 1 : i32
        %shift_right_arithmetic3A_68 = arith.shrsi %add3A_67, %shift_right_arithmetic3A : i32
        %broadcast_in_dim3A_69 = vector.broadcast %shift_right_arithmetic3A_68 : i32 to vector<16xi32>
        %bitcast_convert_type3A_70 = tpu.bitcast %broadcast_in_dim3A_69 : vector<16xi32> -> vector<16xf32>
        %scan3A_71 = arith.constant 0 : i32
        %scan3A_72 = arith.constant 157 : i32
        %scan3A_73 = arith.addi %scan3A_71, %scan3A_72 : i32
        %scan3A_74 = arith.constant 1 : i32
        %scan3A_75 = scf.for %scan3A_85 = %scan3A_71 to %scan3A_73 step %scan3A_74 iter_args(%scan3A_86 = %broadcast_in_dim3A_5) -> (vector<16xi32>)  : i32 {
          %mul3A_87 = arith.constant 2 : i32
          %mul3A_88 = arith.muli %mul3A_87, %scan3A_85 : i32
          %add3A_89 = arith.constant 0 : i32
          %add3A_90 = arith.addi %mul3A_88, %add3A_89 : i32
          %mul3A_91 = arith.constant 16 : i32
          %mul3A_92 = arith.muli %add3A_90, %mul3A_91 : i32
          %get3A = arith.index_cast %mul3A_92 : i32 to index
          %get3A_93 = tpu.vector_load %arg13[%get3A] {strides = array<i32>} : memref<5024xf32, #tpu.memory_space<vmem>>, vector<16xf32>,
          %ge3A_94 = arith.cmpf oge, %get3A_93, %bitcast_convert_type3A_70 : vector<16xf32>
          %jit3A = arith.constant 1 : i32
          %jit3A_95 = arith.constant 0 : i32
          %broadcast_in_dim3A_96 = vector.broadcast %jit3A : i32 to vector<16xi32>
          %broadcast_in_dim3A_97 = vector.broadcast %jit3A_95 : i32 to vector<16xi32>
          %select_n3A_98 = arith.select %ge3A_94, %broadcast_in_dim3A_96, %broadcast_in_dim3A_97 : vector<16xi1>, vector<16xi32>
          %add3A_99 = arith.addi %scan3A_86, %select_n3A_98 : vector<16xi32>
          %mul3A_100 = arith.constant 2 : i32
          %mul3A_101 = arith.muli %mul3A_100, %scan3A_85 : i32
          %add3A_102 = arith.constant 1 : i32
          %add3A_103 = arith.addi %mul3A_101, %add3A_102 : i32
          %mul3A_104 = arith.constant 16 : i32
          %mul3A_105 = arith.muli %add3A_103, %mul3A_104 : i32
          %get3A_106 = arith.index_cast %mul3A_105 : i32 to index
          %get3A_107 = tpu.vector_load %arg13[%get3A_106] {strides = array<i32>} : memref<5024xf32, #tpu.memory_space<vmem>>, vector<16xf32>,
          %ge3A_108 = arith.cmpf oge, %get3A_107, %bitcast_convert_type3A_70 : vector<16xf32>
          %jit3A_109 = arith.constant 1 : i32
          %jit3A_110 = arith.constant 0 : i32
          %broadcast_in_dim3A_111 = vector.broadcast %jit3A_109 : i32 to vector<16xi32>
          %broadcast_in_dim3A_112 = vector.broadcast %jit3A_110 : i32 to vector<16xi32>
          %select_n3A_113 = arith.select %ge3A_108, %broadcast_in_dim3A_111, %broadcast_in_dim3A_112 : vector<16xi1>, vector<16xi32>
          %add3A_114 = arith.addi %add3A_99, %select_n3A_113 : vector<16xi32>
          scf.yield %add3A_114 : vector<16xi32>
        }
        %scan3A_76 = arith.constant 157 : i32
        %reduce_sum3A = arith.constant true
        %reduce_sum3A_77 = vector.broadcast %reduce_sum3A : i1 to vector<16xi1>
        %reduce_sum3A_78 = tpu.scan <sum>, %scan3A_75 masked %reduce_sum3A_77 : vector<16xi32>, vector<16xi1> -> vector<16xi32>
        %reduce_sum3A_79 = vector.extract %reduce_sum3A_78[15] : i32 from vector<16xi32>
        %ge3A = arith.constant 448 : i32
        %ge3A_80 = arith.cmpi sge, %reduce_sum3A_79, %ge3A : i32
        %select_n3A = arith.select %ge3A_80, %shift_right_arithmetic3A_68, %scan3A_66 : i32
        %add3A_81 = arith.constant 1 : i32
        %add3A_82 = arith.addi %shift_right_arithmetic3A_68, %add3A_81 : i32
        %select_n3A_83 = arith.select %ge3A_80, %add3A_82, %scan3A_64 : i32
        %select_n3A_84 = arith.select %ge3A_80, %scan3A_65, %shift_right_arithmetic3A_68 : i32
        scf.yield %select_n3A_83, %select_n3A_84, %select_n3A : i32, i32, i32
      }
      %scan3A_32 = arith.constant 18 : i32
      %broadcast_in_dim3A_33 = vector.broadcast %scan3A_31#2 : i32 to vector<16xi32>
      %bitcast_convert_type3A = tpu.bitcast %broadcast_in_dim3A_33 : vector<16xi32> -> vector<16xf32>
      %scan3A_34 = arith.constant 0 : i32
      %scan3A_35 = arith.constant 0 : i32
      %scan3A_36 = arith.constant 18 : i32
      %scan3A_37 = arith.addi %scan3A_35, %scan3A_36 : i32
      %scan3A_38 = arith.constant 1 : i32
      scf.for %scan3A_63 = %scan3A_35 to %scan3A_37 step %scan3A_38  : i32 {
        %mul3A_64 = arith.constant 2 : i32
        %mul3A_65 = arith.muli %mul3A_64, %scan3A_63 : i32
        %add3A_66 = arith.constant 0 : i32
        %add3A_67 = arith.addi %mul3A_65, %add3A_66 : i32
        %mul3A_68 = arith.constant 16 : i32
        %mul3A_69 = arith.muli %add3A_67, %mul3A_68 : i32
        %swap3A = arith.index_cast %mul3A_69 : i32 to index
        %swap3A_70 = tpu.vector_load %arg20[%swap3A] {strides = array<i32>} : memref<576xf32, #tpu.memory_space<vmem>>, vector<16xf32>,
        tpu.vector_store %arg20[%swap3A], %broadcast_in_dim3A_7 {strides = array<i32>} : memref<576xf32, #tpu.memory_space<vmem>>, vector<16xf32>,
        %swap3A_71 = arith.index_cast %mul3A_69 : i32 to index
        %swap3A_72 = tpu.vector_load %arg21[%swap3A_71] {strides = array<i32>} : memref<576xf32, #tpu.memory_space<vmem>>, vector<16xf32>,
        tpu.vector_store %arg21[%swap3A_71], %broadcast_in_dim3A_7 {strides = array<i32>} : memref<576xf32, #tpu.memory_space<vmem>>, vector<16xf32>,
        %swap3A_73 = arith.index_cast %mul3A_69 : i32 to index
        %swap3A_74 = tpu.vector_load %arg22[%swap3A_73] {strides = array<i32>} : memref<576xf32, #tpu.memory_space<vmem>>, vector<16xf32>,
        tpu.vector_store %arg22[%swap3A_73], %broadcast_in_dim3A_7 {strides = array<i32>} : memref<576xf32, #tpu.memory_space<vmem>>, vector<16xf32>,
        %swap3A_75 = arith.index_cast %mul3A_69 : i32 to index
        %swap3A_76 = tpu.vector_load %arg23[%swap3A_75] {strides = array<i32>} : memref<576xf32, #tpu.memory_space<vmem>>, vector<16xf32>,
        tpu.vector_store %arg23[%swap3A_75], %broadcast_in_dim3A_7 {strides = array<i32>} : memref<576xf32, #tpu.memory_space<vmem>>, vector<16xf32>,
        %swap3A_77 = arith.index_cast %mul3A_69 : i32 to index
        %swap3A_78 = tpu.vector_load %arg24[%swap3A_77] {strides = array<i32>} : memref<576xf32, #tpu.memory_space<vmem>>, vector<16xf32>,
        tpu.vector_store %arg24[%swap3A_77], %broadcast_in_dim3A_7 {strides = array<i32>} : memref<576xf32, #tpu.memory_space<vmem>>, vector<16xf32>,
        %swap3A_79 = arith.index_cast %mul3A_69 : i32 to index
        %swap3A_80 = tpu.vector_load %arg25[%swap3A_79] {strides = array<i32>} : memref<576xf32, #tpu.memory_space<vmem>>, vector<16xf32>,
        tpu.vector_store %arg25[%swap3A_79], %broadcast_in_dim3A_3 {strides = array<i32>} : memref<576xf32, #tpu.memory_space<vmem>>, vector<16xf32>,
        %broadcast_in_dim3A_81 = arith.constant 5023 : i32
        %broadcast_in_dim3A_82 = vector.broadcast %broadcast_in_dim3A_81 : i32 to vector<16xi32>
        %swap3A_83 = arith.index_cast %mul3A_69 : i32 to index
        %swap3A_84 = tpu.vector_load %arg26[%swap3A_83] {strides = array<i32>} : memref<576xi32, #tpu.memory_space<vmem>>, vector<16xi32>,
        tpu.vector_store %arg26[%swap3A_83], %broadcast_in_dim3A_82 {strides = array<i32>} : memref<576xi32, #tpu.memory_space<vmem>>, vector<16xi32>,
        %mul3A_85 = arith.constant 2 : i32
        %mul3A_86 = arith.muli %mul3A_85, %scan3A_63 : i32
        %add3A_87 = arith.constant 1 : i32
        %add3A_88 = arith.addi %mul3A_86, %add3A_87 : i32
        %mul3A_89 = arith.constant 16 : i32
        %mul3A_90 = arith.muli %add3A_88, %mul3A_89 : i32
        %swap3A_91 = arith.index_cast %mul3A_90 : i32 to index
        %swap3A_92 = tpu.vector_load %arg20[%swap3A_91] {strides = array<i32>} : memref<576xf32, #tpu.memory_space<vmem>>, vector<16xf32>,
        tpu.vector_store %arg20[%swap3A_91], %broadcast_in_dim3A_7 {strides = array<i32>} : memref<576xf32, #tpu.memory_space<vmem>>, vector<16xf32>,
        %swap3A_93 = arith.index_cast %mul3A_90 : i32 to index
        %swap3A_94 = tpu.vector_load %arg21[%swap3A_93] {strides = array<i32>} : memref<576xf32, #tpu.memory_space<vmem>>, vector<16xf32>,
        tpu.vector_store %arg21[%swap3A_93], %broadcast_in_dim3A_7 {strides = array<i32>} : memref<576xf32, #tpu.memory_space<vmem>>, vector<16xf32>,
        %swap3A_95 = arith.index_cast %mul3A_90 : i32 to index
        %swap3A_96 = tpu.vector_load %arg22[%swap3A_95] {strides = array<i32>} : memref<576xf32, #tpu.memory_space<vmem>>, vector<16xf32>,
        tpu.vector_store %arg22[%swap3A_95], %broadcast_in_dim3A_7 {strides = array<i32>} : memref<576xf32, #tpu.memory_space<vmem>>, vector<16xf32>,
        %swap3A_97 = arith.index_cast %mul3A_90 : i32 to index
        %swap3A_98 = tpu.vector_load %arg23[%swap3A_97] {strides = array<i32>} : memref<576xf32, #tpu.memory_space<vmem>>, vector<16xf32>,
        tpu.vector_store %arg23[%swap3A_97], %broadcast_in_dim3A_7 {strides = array<i32>} : memref<576xf32, #tpu.memory_space<vmem>>, vector<16xf32>,
        %swap3A_99 = arith.index_cast %mul3A_90 : i32 to index
        %swap3A_100 = tpu.vector_load %arg24[%swap3A_99] {strides = array<i32>} : memref<576xf32, #tpu.memory_space<vmem>>, vector<16xf32>,
        tpu.vector_store %arg24[%swap3A_99], %broadcast_in_dim3A_7 {strides = array<i32>} : memref<576xf32, #tpu.memory_space<vmem>>, vector<16xf32>,
        %swap3A_101 = arith.index_cast %mul3A_90 : i32 to index
        %swap3A_102 = tpu.vector_load %arg25[%swap3A_101] {strides = array<i32>} : memref<576xf32, #tpu.memory_space<vmem>>, vector<16xf32>,
        tpu.vector_store %arg25[%swap3A_101], %broadcast_in_dim3A_3 {strides = array<i32>} : memref<576xf32, #tpu.memory_space<vmem>>, vector<16xf32>,
        %broadcast_in_dim3A_103 = arith.constant 5023 : i32
        %broadcast_in_dim3A_104 = vector.broadcast %broadcast_in_dim3A_103 : i32 to vector<16xi32>
        %swap3A_105 = arith.index_cast %mul3A_90 : i32 to index
        %swap3A_106 = tpu.vector_load %arg26[%swap3A_105] {strides = array<i32>} : memref<576xi32, #tpu.memory_space<vmem>>, vector<16xi32>,
        tpu.vector_store %arg26[%swap3A_105], %broadcast_in_dim3A_104 {strides = array<i32>} : memref<576xi32, #tpu.memory_space<vmem>>, vector<16xi32>,
      }
      %scan3A_39 = arith.constant 18 : i32
      %scan3A_40 = arith.constant 0 : i32
      %scan3A_41 = arith.constant 314 : i32
      %scan3A_42 = arith.addi %scan3A_40, %scan3A_41 : i32
      %scan3A_43 = arith.constant 1 : i32
      %scan3A_44:3 = scf.for %scan3A_63 = %scan3A_40 to %scan3A_42 step %scan3A_43 iter_args(%scan3A_64 = %broadcast_in_dim3A_5, %scan3A_65 = %broadcast_in_dim3A_3, %scan3A_66 = %broadcast_in_dim3A_5) -> (vector<16xi32>, vector<16xf32>, vector<16xi32>)  : i32 {
        %mul3A_67 = arith.constant 16 : i32
        %mul3A_68 = arith.muli %scan3A_63, %mul3A_67 : i32
        %get3A = arith.index_cast %mul3A_68 : i32 to index
        %get3A_69 = tpu.vector_load %arg13[%get3A] {strides = array<i32>} : memref<5024xf32, #tpu.memory_space<vmem>>, vector<16xf32>,
        %ge3A = arith.cmpf oge, %get3A_69, %bitcast_convert_type3A : vector<16xf32>
        %all_reduce_population_count3A = tpu.all_reduce %ge3A {dim = 0 : i64, kind = #tpu.reduction_kind<sum>} : vector<16xi1> -> vector<16xi32>
        %jit3A = arith.constant 1 : i32
        %jit3A_70 = arith.constant 0 : i32
        %broadcast_in_dim3A_71 = vector.broadcast %jit3A : i32 to vector<16xi32>
        %broadcast_in_dim3A_72 = vector.broadcast %jit3A_70 : i32 to vector<16xi32>
        %select_n3A = arith.select %ge3A, %broadcast_in_dim3A_71, %broadcast_in_dim3A_72 : vector<16xi1>, vector<16xi32>
        %broadcast_in_dim3A_73 = arith.constant true
        %broadcast_in_dim3A_74 = vector.broadcast %broadcast_in_dim3A_73 : i1 to vector<16xi1>
        %masked_cumsum3A = tpu.scan <sum>, %select_n3A masked %broadcast_in_dim3A_74 : vector<16xi32>, vector<16xi1> -> vector<16xi32>
        %add3A_75 = arith.addi %scan3A_64, %masked_cumsum3A : vector<16xi32>
        %sub3A = arith.constant 1 : i32
        %sub3A_76 = vector.broadcast %sub3A : i32 to vector<16xi32>
        %sub3A_77 = arith.subi %add3A_75, %sub3A_76 : vector<16xi32>
        %lt3A_78 = arith.constant 576 : i32
        %lt3A_79 = vector.broadcast %lt3A_78 : i32 to vector<16xi32>
        %lt3A_80 = arith.cmpi slt, %sub3A_77, %lt3A_79 : vector<16xi32>
        %and3A = arith.andi %ge3A, %lt3A_80 : vector<16xi1>
        %add3A_81 = vector.broadcast %mul3A_68 : i32 to vector<16xi32>
        %add3A_82 = arith.addi %add3A_81, %iota3A : vector<16xi32>
        tpu.vector_store_idx %arg25[%sub3A_77], %get3A_69 masked %and3A : memref<576xf32, #tpu.memory_space<vmem>>[vector<16xi32>], vector<16xf32>, vector<16xi1>
        %get3A_83 = arith.index_cast %mul3A_68 : i32 to index
        %get3A_84 = tpu.vector_load %arg15[%get3A_83] {strides = array<i32>} : memref<5024xf32, #tpu.memory_space<vmem>>, vector<16xf32>,
        tpu.vector_store_idx %arg20[%sub3A_77], %get3A_84 masked %and3A : memref<576xf32, #tpu.memory_space<vmem>>[vector<16xi32>], vector<16xf32>, vector<16xi1>
        %get3A_85 = arith.index_cast %mul3A_68 : i32 to index
        %get3A_86 = tpu.vector_load %arg16[%get3A_85] {strides = array<i32>} : memref<5024xf32, #tpu.memory_space<vmem>>, vector<16xf32>,
        tpu.vector_store_idx %arg21[%sub3A_77], %get3A_86 masked %and3A : memref<576xf32, #tpu.memory_space<vmem>>[vector<16xi32>], vector<16xf32>, vector<16xi1>
        %get3A_87 = arith.index_cast %mul3A_68 : i32 to index
        %get3A_88 = tpu.vector_load %arg17[%get3A_87] {strides = array<i32>} : memref<5024xf32, #tpu.memory_space<vmem>>, vector<16xf32>,
        tpu.vector_store_idx %arg22[%sub3A_77], %get3A_88 masked %and3A : memref<576xf32, #tpu.memory_space<vmem>>[vector<16xi32>], vector<16xf32>, vector<16xi1>
        %get3A_89 = arith.index_cast %mul3A_68 : i32 to index
        %get3A_90 = tpu.vector_load %arg18[%get3A_89] {strides = array<i32>} : memref<5024xf32, #tpu.memory_space<vmem>>, vector<16xf32>,
        tpu.vector_store_idx %arg23[%sub3A_77], %get3A_90 masked %and3A : memref<576xf32, #tpu.memory_space<vmem>>[vector<16xi32>], vector<16xf32>, vector<16xi1>
        %get3A_91 = arith.index_cast %mul3A_68 : i32 to index
        %get3A_92 = tpu.vector_load %arg19[%get3A_91] {strides = array<i32>} : memref<5024xf32, #tpu.memory_space<vmem>>, vector<16xf32>,
        tpu.vector_store_idx %arg24[%sub3A_77], %get3A_92 masked %and3A : memref<576xf32, #tpu.memory_space<vmem>>[vector<16xi32>], vector<16xf32>, vector<16xi1>
        tpu.vector_store_idx %arg26[%sub3A_77], %add3A_82 masked %and3A : memref<576xi32, #tpu.memory_space<vmem>>[vector<16xi32>], vector<16xi32>, vector<16xi1>
        %select_n3A_93 = arith.select %and3A, %get3A_69, %broadcast_in_dim3A_3 : vector<16xi1>, vector<16xf32>
        %gt3A_94 = arith.cmpf ogt, %select_n3A_93, %scan3A_65 : vector<16xf32>
        %add3A_95 = arith.addi %scan3A_64, %all_reduce_population_count3A : vector<16xi32>
        %select_n3A_96 = arith.select %gt3A_94, %select_n3A_93, %scan3A_65 : vector<16xi1>, vector<16xf32>
        %select_n3A_97 = arith.select %gt3A_94, %sub3A_77, %scan3A_66 : vector<16xi1>, vector<16xi32>
        scf.yield %add3A_95, %select_n3A_96, %select_n3A_97 : vector<16xi32>, vector<16xf32>, vector<16xi32>
      }
      %scan3A_45 = arith.constant 314 : i32
      %gt3A = arith.constant 576 : i32
      %gt3A_46 = vector.broadcast %gt3A : i32 to vector<16xi32>
      %gt3A_47 = arith.cmpi sgt, %scan3A_44#0, %gt3A_46 : vector<16xi32>
      %reduce_or3A = arith.constant 1.000000e+00 : f32
      %reduce_or3A_48 = arith.constant 0.000000e+00 : f32
      %reduce_or3A_49 = vector.broadcast %reduce_or3A : f32 to vector<16xf32>
      %reduce_or3A_50 = vector.broadcast %reduce_or3A_48 : f32 to vector<16xf32>
      %reduce_or3A_51 = arith.select %gt3A_47, %reduce_or3A_49, %reduce_or3A_50 : vector<16xi1>, vector<16xf32>
      %reduce_or3A_52 = arith.constant true
      %reduce_or3A_53 = vector.broadcast %reduce_or3A_52 : i1 to vector<16xi1>
      %reduce_or3A_54 = tpu.scan <max>, %reduce_or3A_51 masked %reduce_or3A_53 : vector<16xf32>, vector<16xi1> -> vector<16xf32>
      %reduce_or3A_55 = vector.extract %reduce_or3A_54[15] : f32 from vector<16xf32>
      %reduce_or3A_56 = arith.constant 0.000000e+00 : f32
      %reduce_or3A_57 = arith.cmpf ogt, %reduce_or3A_55, %reduce_or3A_56 : f32
      %convert_element_type3A_58 = arith.extui %reduce_or3A_57 : i1 to i32
      %cond3A_59 = arith.constant 0 : i32
      %cond3A_60 = arith.constant 0 : i32
      %cond3A_61 = arith.cmpi ne, %convert_element_type3A_58, %cond3A_60 : i32
      %cond3A_62:4 = scf.if %cond3A_61 -> (i32, vector<16xf32>, vector<16xi32>, i32) {
        %scan3A_63 = arith.constant 0 : i32
        %scan3A_64 = arith.constant 157 : i32
        %scan3A_65 = arith.addi %scan3A_63, %scan3A_64 : i32
        %scan3A_66 = arith.constant 1 : i32
        %scan3A_67:2 = scf.for %scan3A_71 = %scan3A_63 to %scan3A_65 step %scan3A_66 iter_args(%scan3A_72 = %broadcast_in_dim3A_3, %scan3A_73 = %broadcast_in_dim3A_5) -> (vector<16xf32>, vector<16xi32>)  : i32 {
          %mul3A_74 = arith.constant 2 : i32
          %mul3A_75 = arith.muli %mul3A_74, %scan3A_71 : i32
          %add3A_76 = arith.constant 0 : i32
          %add3A_77 = arith.addi %mul3A_75, %add3A_76 : i32
          %mul3A_78 = arith.constant 16 : i32
          %mul3A_79 = arith.muli %add3A_77, %mul3A_78 : i32
          %get3A = arith.index_cast %mul3A_79 : i32 to index
          %get3A_80 = tpu.vector_load %arg13[%get3A] {strides = array<i32>} : memref<5024xf32, #tpu.memory_space<vmem>>, vector<16xf32>,
          %gt3A_81 = arith.cmpf ogt, %get3A_80, %scan3A_72 : vector<16xf32>
          %select_n3A = arith.select %gt3A_81, %get3A_80, %scan3A_72 : vector<16xi1>, vector<16xf32>
          %add3A_82 = vector.broadcast %mul3A_79 : i32 to vector<16xi32>
          %add3A_83 = arith.addi %add3A_82, %iota3A : vector<16xi32>
          %select_n3A_84 = arith.select %gt3A_81, %add3A_83, %scan3A_73 : vector<16xi1>, vector<16xi32>
          %mul3A_85 = arith.constant 2 : i32
          %mul3A_86 = arith.muli %mul3A_85, %scan3A_71 : i32
          %add3A_87 = arith.constant 1 : i32
          %add3A_88 = arith.addi %mul3A_86, %add3A_87 : i32
          %mul3A_89 = arith.constant 16 : i32
          %mul3A_90 = arith.muli %add3A_88, %mul3A_89 : i32
          %get3A_91 = arith.index_cast %mul3A_90 : i32 to index
          %get3A_92 = tpu.vector_load %arg13[%get3A_91] {strides = array<i32>} : memref<5024xf32, #tpu.memory_space<vmem>>, vector<16xf32>,
          %gt3A_93 = arith.cmpf ogt, %get3A_92, %select_n3A : vector<16xf32>
          %select_n3A_94 = arith.select %gt3A_93, %get3A_92, %select_n3A : vector<16xi1>, vector<16xf32>
          %add3A_95 = vector.broadcast %mul3A_90 : i32 to vector<16xi32>
          %add3A_96 = arith.addi %add3A_95, %iota3A : vector<16xi32>
          %select_n3A_97 = arith.select %gt3A_93, %add3A_96, %select_n3A_84 : vector<16xi1>, vector<16xi32>
          scf.yield %select_n3A_94, %select_n3A_97 : vector<16xf32>, vector<16xi32>
        }
        %scan3A_68 = arith.constant 157 : i32
        %while3A = arith.constant 0 : i32
        %while3A_69 = arith.constant 0 : i32
        %while3A_70:4 = scf.while (%while3A_71 = %while3A, %while3A_72 = %scan3A_67#0, %while3A_73 = %scan3A_67#1, %while3A_74 = %while3A_69) : (i32, vector<16xf32>, vector<16xi32>, i32) -> (i32, vector<16xf32>, vector<16xi32>, i32) {
          %lt3A_75 = arith.constant 300 : i32
          %lt3A_76 = arith.cmpi slt, %while3A_71, %lt3A_75 : i32
          scf.condition(%lt3A_76) %while3A_71, %while3A_72, %while3A_73, %while3A_74 : i32, vector<16xf32>, vector<16xi32>, i32
        } do {
        ^bb0(%while3A_71: i32, %while3A_72: vector<16xf32>, %while3A_73: vector<16xi32>, %while3A_74: i32):
          %reduce_max3A_75 = arith.constant true
          %reduce_max3A_76 = vector.broadcast %reduce_max3A_75 : i1 to vector<16xi1>
          %reduce_max3A_77 = tpu.scan <max>, %while3A_72 masked %reduce_max3A_76 : vector<16xf32>, vector<16xi1> -> vector<16xf32>
          %reduce_max3A_78 = vector.extract %reduce_max3A_77[15] : f32 from vector<16xf32>
          %gt3A_79 = arith.constant 0xFF800000 : f32
          %gt3A_80 = arith.cmpf ogt, %reduce_max3A_78, %gt3A_79 : f32
          %eq3A = vector.broadcast %reduce_max3A_78 : f32 to vector<16xf32>
          %eq3A_81 = arith.cmpf oeq, %while3A_72, %eq3A : vector<16xf32>
          %jit3A = arith.constant 1073741824 : i32
          %broadcast_in_dim3A_82 = vector.broadcast %jit3A : i32 to vector<16xi32>
          %select_n3A = arith.select %eq3A_81, %while3A_73, %broadcast_in_dim3A_82 : vector<16xi1>, vector<16xi32>
          %reduce_min3A = arith.constant true
          %reduce_min3A_83 = vector.broadcast %reduce_min3A : i1 to vector<16xi1>
          %reduce_min3A_84 = arith.constant -2147483648 : i32
          %reduce_min3A_85 = vector.broadcast %reduce_min3A_84 : i32 to vector<16xi32>
          %reduce_min3A_86 = arith.xori %select_n3A, %reduce_min3A_85 : vector<16xi32>
          %reduce_min3A_87 = tpu.scan <min>, %reduce_min3A_86 masked %reduce_min3A_83 : vector<16xi32>, vector<16xi1> -> vector<16xi32>
          %reduce_min3A_88 = arith.xori %reduce_min3A_87, %reduce_min3A_85 : vector<16xi32>
          %reduce_min3A_89 = vector.extract %reduce_min3A_88[15] : i32 from vector<16xi32>
          %broadcast_in_dim3A_90 = vector.broadcast %reduce_min3A_89 : i32 to vector<16xi32>
          %gather3A = tpu.vector_load_idx %arg9[%broadcast_in_dim3A_90] : memref<5024xf32, #tpu.memory_space<vmem>>[vector<16xi32>], vector<16xf32>,
          %gather3A_91 = tpu.vector_load_idx %arg10[%broadcast_in_dim3A_90] : memref<5024xf32, #tpu.memory_space<vmem>>[vector<16xi32>], vector<16xf32>,
          %gather3A_92 = tpu.vector_load_idx %arg11[%broadcast_in_dim3A_90] : memref<5024xf32, #tpu.memory_space<vmem>>[vector<16xi32>], vector<16xf32>,
          %gather3A_93 = tpu.vector_load_idx %arg12[%broadcast_in_dim3A_90] : memref<5024xf32, #tpu.memory_space<vmem>>[vector<16xi32>], vector<16xf32>,
          %gather3A_94 = tpu.vector_load_idx %arg14[%broadcast_in_dim3A_90] : memref<5024xf32, #tpu.memory_space<vmem>>[vector<16xi32>], vector<16xf32>,
          %eq3A_95 = arith.constant 0 : i32
          %eq3A_96 = vector.broadcast %eq3A_95 : i32 to vector<16xi32>
          %eq3A_97 = arith.cmpi eq, %iota3A, %eq3A_96 : vector<16xi32>
          %eq3A_98 = arith.constant 1 : i32
          %eq3A_99 = vector.broadcast %eq3A_98 : i32 to vector<16xi32>
          %eq3A_100 = arith.cmpi eq, %iota3A, %eq3A_99 : vector<16xi32>
          %eq3A_101 = arith.constant 2 : i32
          %eq3A_102 = vector.broadcast %eq3A_101 : i32 to vector<16xi32>
          %eq3A_103 = arith.cmpi eq, %iota3A, %eq3A_102 : vector<16xi32>
          %eq3A_104 = arith.constant 3 : i32
          %eq3A_105 = vector.broadcast %eq3A_104 : i32 to vector<16xi32>
          %eq3A_106 = arith.cmpi eq, %iota3A, %eq3A_105 : vector<16xi32>
          %eq3A_107 = arith.constant 4 : i32
          %eq3A_108 = vector.broadcast %eq3A_107 : i32 to vector<16xi32>
          %eq3A_109 = arith.cmpi eq, %iota3A, %eq3A_108 : vector<16xi32>
          %eq3A_110 = arith.constant 5 : i32
          %eq3A_111 = vector.broadcast %eq3A_110 : i32 to vector<16xi32>
          %eq3A_112 = arith.cmpi eq, %iota3A, %eq3A_111 : vector<16xi32>
          %jit3A_113 = arith.constant 0.000000e+00 : f32
          %broadcast_in_dim3A_114 = vector.broadcast %jit3A_113 : f32 to vector<16xf32>
          %select_n3A_115 = arith.select %eq3A_112, %gather3A_94, %broadcast_in_dim3A_114 : vector<16xi1>, vector<16xf32>
          %broadcast_in_dim3A_116 = vector.broadcast %reduce_max3A_78 : f32 to vector<16xf32>
          %select_n3A_117 = arith.select %eq3A_109, %broadcast_in_dim3A_116, %select_n3A_115 : vector<16xi1>, vector<16xf32>
          %select_n3A_118 = arith.select %eq3A_106, %gather3A_93, %select_n3A_117 : vector<16xi1>, vector<16xf32>
          %select_n3A_119 = arith.select %eq3A_103, %gather3A_92, %select_n3A_118 : vector<16xi1>, vector<16xf32>
          %select_n3A_120 = arith.select %eq3A_100, %gather3A_91, %select_n3A_119 : vector<16xi1>, vector<16xf32>
          %select_n3A_121 = arith.select %eq3A_97, %gather3A, %select_n3A_120 : vector<16xi1>, vector<16xf32>
          %jit3A_122 = arith.constant 0.000000e+00 : f32
          %broadcast_in_dim3A_123 = vector.broadcast %jit3A_122 : f32 to vector<16xf32>
          %select_n3A_124 = arith.select %gt3A_80, %select_n3A_121, %broadcast_in_dim3A_123 : vector<16xf32>
          %mul3A_125 = arith.constant 8 : i32
          %mul3A_126 = arith.muli %while3A_71, %mul3A_125 : i32
          %add3A_127 = vector.broadcast %mul3A_126 : i32 to vector<16xi32>
          %add3A_128 = arith.addi %add3A_127, %iota3A : vector<16xi32>
          %lt3A_129 = arith.constant 8 : i32
          %lt3A_130 = vector.broadcast %lt3A_129 : i32 to vector<16xi32>
          %lt3A_131 = arith.cmpi slt, %iota3A, %lt3A_130 : vector<16xi32>
          tpu.vector_store_idx %arg28[%add3A_128], %select_n3A_124 masked %lt3A_131 : memref<2400xf32, #tpu.memory_space<vmem>>[vector<16xi32>], vector<16xf32>, vector<16xi1>
          %broadcast_in_dim3A_132 = vector.broadcast %while3A_74 : i32 to vector<16xi32>
          %eq3A_133 = arith.constant 0 : i32
          %eq3A_134 = vector.broadcast %eq3A_133 : i32 to vector<16xi32>
          %eq3A_135 = arith.cmpi eq, %iota3A, %eq3A_134 : vector<16xi32>
          %and3A = vector.broadcast %gt3A_80 : i1 to vector<16xi1>
          %and3A_136 = arith.andi %and3A, %eq3A_135 : vector<16xi1>
          tpu.vector_store_idx %arg27[%broadcast_in_dim3A_132], %broadcast_in_dim3A_90 masked %and3A_136 : memref<304xi32, #tpu.memory_space<vmem>>[vector<16xi32>], vector<16xi32>, vector<16xi1>
          %jit3A_137 = arith.constant 1 : i32
          %jit3A_138 = arith.constant 0 : i32
          %select_n3A_139 = arith.select %gt3A_80, %jit3A_137, %jit3A_138 : i32
          %add3A_140 = arith.addi %while3A_74, %select_n3A_139 : i32
          %gather3A_141 = tpu.vector_load_idx %arg15[%broadcast_in_dim3A_90] : memref<5024xf32, #tpu.memory_space<vmem>>[vector<16xi32>], vector<16xf32>,
          %gather3A_142 = tpu.vector_load_idx %arg16[%broadcast_in_dim3A_90] : memref<5024xf32, #tpu.memory_space<vmem>>[vector<16xi32>], vector<16xf32>,
          %gather3A_143 = tpu.vector_load_idx %arg17[%broadcast_in_dim3A_90] : memref<5024xf32, #tpu.memory_space<vmem>>[vector<16xi32>], vector<16xf32>,
          %gather3A_144 = tpu.vector_load_idx %arg18[%broadcast_in_dim3A_90] : memref<5024xf32, #tpu.memory_space<vmem>>[vector<16xi32>], vector<16xf32>,
          %gather3A_145 = tpu.vector_load_idx %arg19[%broadcast_in_dim3A_90] : memref<5024xf32, #tpu.memory_space<vmem>>[vector<16xi32>], vector<16xf32>,
          %scan3A_146 = arith.constant 0 : i32
          %scan3A_147 = arith.constant 157 : i32
          %scan3A_148 = arith.addi %scan3A_146, %scan3A_147 : i32
          %scan3A_149 = arith.constant 1 : i32
          %scan3A_150:2 = scf.for %scan3A_154 = %scan3A_146 to %scan3A_148 step %scan3A_149 iter_args(%scan3A_155 = %broadcast_in_dim3A_3, %scan3A_156 = %broadcast_in_dim3A_5) -> (vector<16xf32>, vector<16xi32>)  : i32 {
            %mul3A_157 = arith.constant 2 : i32
            %mul3A_158 = arith.muli %mul3A_157, %scan3A_154 : i32
            %add3A_159 = arith.constant 0 : i32
            %add3A_160 = arith.addi %mul3A_158, %add3A_159 : i32
            %mul3A_161 = arith.constant 16 : i32
            %mul3A_162 = arith.muli %add3A_160, %mul3A_161 : i32
            %get3A = arith.index_cast %mul3A_162 : i32 to index
            %get3A_163 = tpu.vector_load %arg13[%get3A] {strides = array<i32>} : memref<5024xf32, #tpu.memory_space<vmem>>, vector<16xf32>,
            %get3A_164 = arith.index_cast %mul3A_162 : i32 to index
            %get3A_165 = tpu.vector_load %arg15[%get3A_164] {strides = array<i32>} : memref<5024xf32, #tpu.memory_space<vmem>>, vector<16xf32>,
            %max3A = arith.maximumf %gather3A_141, %get3A_165 : vector<16xf32>
            %get3A_166 = arith.index_cast %mul3A_162 : i32 to index
            %get3A_167 = tpu.vector_load %arg16[%get3A_166] {strides = array<i32>} : memref<5024xf32, #tpu.memory_space<vmem>>, vector<16xf32>,
            %max3A_168 = arith.maximumf %gather3A_142, %get3A_167 : vector<16xf32>
            %get3A_169 = arith.index_cast %mul3A_162 : i32 to index
            %get3A_170 = tpu.vector_load %arg17[%get3A_169] {strides = array<i32>} : memref<5024xf32, #tpu.memory_space<vmem>>, vector<16xf32>,
            %min3A = arith.minimumf %gather3A_143, %get3A_170 : vector<16xf32>
            %get3A_171 = arith.index_cast %mul3A_162 : i32 to index
            %get3A_172 = tpu.vector_load %arg18[%get3A_171] {strides = array<i32>} : memref<5024xf32, #tpu.memory_space<vmem>>, vector<16xf32>,
            %min3A_173 = arith.minimumf %gather3A_144, %get3A_172 : vector<16xf32>
            %sub3A = arith.subf %min3A, %max3A : vector<16xf32>
            %max3A_174 = arith.constant 0.000000e+00 : f32
            %max3A_175 = vector.broadcast %max3A_174 : f32 to vector<16xf32>
            %max3A_176 = arith.maximumf %sub3A, %max3A_175 : vector<16xf32>
            %sub3A_177 = arith.subf %min3A_173, %max3A_168 : vector<16xf32>
            %max3A_178 = arith.constant 0.000000e+00 : f32
            %max3A_179 = vector.broadcast %max3A_178 : f32 to vector<16xf32>
            %max3A_180 = arith.maximumf %sub3A_177, %max3A_179 : vector<16xf32>
            %mul3A_181 = arith.mulf %max3A_176, %max3A_180 : vector<16xf32>
            %get3A_182 = arith.index_cast %mul3A_162 : i32 to index
            %get3A_183 = tpu.vector_load %arg19[%get3A_182] {strides = array<i32>} : memref<5024xf32, #tpu.memory_space<vmem>>, vector<16xf32>,
            %add3A_184 = arith.addf %gather3A_145, %get3A_183 : vector<16xf32>
            %sub3A_185 = arith.subf %add3A_184, %mul3A_181 : vector<16xf32>
            %add3A_186 = arith.constant 9.99999971E-10 : f32
            %add3A_187 = vector.broadcast %add3A_186 : f32 to vector<16xf32>
            %add3A_188 = arith.addf %sub3A_185, %add3A_187 : vector<16xf32>
            %div3A = arith.divf %mul3A_181, %add3A_188 : vector<16xf32>
            %gt3A_189 = arith.constant 6.000000e-01 : f32
            %gt3A_190 = vector.broadcast %gt3A_189 : f32 to vector<16xf32>
            %gt3A_191 = arith.cmpf ogt, %div3A, %gt3A_190 : vector<16xf32>
            %jit3A_192 = arith.constant 0xFF800000 : f32
            %broadcast_in_dim3A_193 = vector.broadcast %jit3A_192 : f32 to vector<16xf32>
            %select_n3A_194 = arith.select %gt3A_191, %broadcast_in_dim3A_193, %get3A_163 : vector<16xi1>, vector<16xf32>
            %swap3A = arith.index_cast %mul3A_162 : i32 to index
            %swap3A_195 = tpu.vector_load %arg13[%swap3A] {strides = array<i32>} : memref<5024xf32, #tpu.memory_space<vmem>>, vector<16xf32>,
            tpu.vector_store %arg13[%swap3A], %select_n3A_194 {strides = array<i32>} : memref<5024xf32, #tpu.memory_space<vmem>>, vector<16xf32>,
            %gt3A_196 = arith.cmpf ogt, %select_n3A_194, %scan3A_155 : vector<16xf32>
            %select_n3A_197 = arith.select %gt3A_196, %select_n3A_194, %scan3A_155 : vector<16xi1>, vector<16xf32>
            %add3A_198 = vector.broadcast %mul3A_162 : i32 to vector<16xi32>
            %add3A_199 = arith.addi %add3A_198, %iota3A : vector<16xi32>
            %select_n3A_200 = arith.select %gt3A_196, %add3A_199, %scan3A_156 : vector<16xi1>, vector<16xi32>
            %mul3A_201 = arith.constant 2 : i32
            %mul3A_202 = arith.muli %mul3A_201, %scan3A_154 : i32
            %add3A_203 = arith.constant 1 : i32
            %add3A_204 = arith.addi %mul3A_202, %add3A_203 : i32
            %mul3A_205 = arith.constant 16 : i32
            %mul3A_206 = arith.muli %add3A_204, %mul3A_205 : i32
            %get3A_207 = arith.index_cast %mul3A_206 : i32 to index
            %get3A_208 = tpu.vector_load %arg13[%get3A_207] {strides = array<i32>} : memref<5024xf32, #tpu.memory_space<vmem>>, vector<16xf32>,
            %get3A_209 = arith.index_cast %mul3A_206 : i32 to index
            %get3A_210 = tpu.vector_load %arg15[%get3A_209] {strides = array<i32>} : memref<5024xf32, #tpu.memory_space<vmem>>, vector<16xf32>,
            %max3A_211 = arith.maximumf %gather3A_141, %get3A_210 : vector<16xf32>
            %get3A_212 = arith.index_cast %mul3A_206 : i32 to index
            %get3A_213 = tpu.vector_load %arg16[%get3A_212] {strides = array<i32>} : memref<5024xf32, #tpu.memory_space<vmem>>, vector<16xf32>,
            %max3A_214 = arith.maximumf %gather3A_142, %get3A_213 : vector<16xf32>
            %get3A_215 = arith.index_cast %mul3A_206 : i32 to index
            %get3A_216 = tpu.vector_load %arg17[%get3A_215] {strides = array<i32>} : memref<5024xf32, #tpu.memory_space<vmem>>, vector<16xf32>,
            %min3A_217 = arith.minimumf %gather3A_143, %get3A_216 : vector<16xf32>
            %get3A_218 = arith.index_cast %mul3A_206 : i32 to index
            %get3A_219 = tpu.vector_load %arg18[%get3A_218] {strides = array<i32>} : memref<5024xf32, #tpu.memory_space<vmem>>, vector<16xf32>,
            %min3A_220 = arith.minimumf %gather3A_144, %get3A_219 : vector<16xf32>
            %sub3A_221 = arith.subf %min3A_217, %max3A_211 : vector<16xf32>
            %max3A_222 = arith.constant 0.000000e+00 : f32
            %max3A_223 = vector.broadcast %max3A_222 : f32 to vector<16xf32>
            %max3A_224 = arith.maximumf %sub3A_221, %max3A_223 : vector<16xf32>
            %sub3A_225 = arith.subf %min3A_220, %max3A_214 : vector<16xf32>
            %max3A_226 = arith.constant 0.000000e+00 : f32
            %max3A_227 = vector.broadcast %max3A_226 : f32 to vector<16xf32>
            %max3A_228 = arith.maximumf %sub3A_225, %max3A_227 : vector<16xf32>
            %mul3A_229 = arith.mulf %max3A_224, %max3A_228 : vector<16xf32>
            %get3A_230 = arith.index_cast %mul3A_206 : i32 to index
            %get3A_231 = tpu.vector_load %arg19[%get3A_230] {strides = array<i32>} : memref<5024xf32, #tpu.memory_space<vmem>>, vector<16xf32>,
            %add3A_232 = arith.addf %gather3A_145, %get3A_231 : vector<16xf32>
            %sub3A_233 = arith.subf %add3A_232, %mul3A_229 : vector<16xf32>
            %add3A_234 = arith.constant 9.99999971E-10 : f32
            %add3A_235 = vector.broadcast %add3A_234 : f32 to vector<16xf32>
            %add3A_236 = arith.addf %sub3A_233, %add3A_235 : vector<16xf32>
            %div3A_237 = arith.divf %mul3A_229, %add3A_236 : vector<16xf32>
            %gt3A_238 = arith.constant 6.000000e-01 : f32
            %gt3A_239 = vector.broadcast %gt3A_238 : f32 to vector<16xf32>
            %gt3A_240 = arith.cmpf ogt, %div3A_237, %gt3A_239 : vector<16xf32>
            %jit3A_241 = arith.constant 0xFF800000 : f32
            %broadcast_in_dim3A_242 = vector.broadcast %jit3A_241 : f32 to vector<16xf32>
            %select_n3A_243 = arith.select %gt3A_240, %broadcast_in_dim3A_242, %get3A_208 : vector<16xi1>, vector<16xf32>
            %swap3A_244 = arith.index_cast %mul3A_206 : i32 to index
            %swap3A_245 = tpu.vector_load %arg13[%swap3A_244] {strides = array<i32>} : memref<5024xf32, #tpu.memory_space<vmem>>, vector<16xf32>,
            tpu.vector_store %arg13[%swap3A_244], %select_n3A_243 {strides = array<i32>} : memref<5024xf32, #tpu.memory_space<vmem>>, vector<16xf32>,
            %gt3A_246 = arith.cmpf ogt, %select_n3A_243, %select_n3A_197 : vector<16xf32>
            %select_n3A_247 = arith.select %gt3A_246, %select_n3A_243, %select_n3A_197 : vector<16xi1>, vector<16xf32>
            %add3A_248 = vector.broadcast %mul3A_206 : i32 to vector<16xi32>
            %add3A_249 = arith.addi %add3A_248, %iota3A : vector<16xi32>
            %select_n3A_250 = arith.select %gt3A_246, %add3A_249, %select_n3A_200 : vector<16xi1>, vector<16xi32>
            scf.yield %select_n3A_247, %select_n3A_250 : vector<16xf32>, vector<16xi32>
          }
          %scan3A_151 = arith.constant 157 : i32
          %add3A_152 = arith.constant 1 : i32
          %add3A_153 = arith.addi %while3A_71, %add3A_152 : i32
          scf.yield %add3A_153, %scan3A_150#0, %scan3A_150#1, %add3A_140 : i32, vector<16xf32>, vector<16xi32>, i32
        }
        scf.yield %while3A_70#0, %while3A_70#1, %while3A_70#2, %while3A_70#3 : i32, vector<16xf32>, vector<16xi32>, i32
      } else {
        %while3A = arith.constant 0 : i32
        %while3A_63 = arith.constant 0 : i32
        %while3A_64:4 = scf.while (%while3A_72 = %while3A, %while3A_73 = %scan3A_44#1, %while3A_74 = %scan3A_44#2, %while3A_75 = %while3A_63) : (i32, vector<16xf32>, vector<16xi32>, i32) -> (i32, vector<16xf32>, vector<16xi32>, i32) {
          %lt3A_76 = arith.constant 300 : i32
          %lt3A_77 = arith.cmpi slt, %while3A_72, %lt3A_76 : i32
          %gt3A_78 = arith.constant 0xFF800000 : f32
          %gt3A_79 = vector.broadcast %gt3A_78 : f32 to vector<16xf32>
          %gt3A_80 = arith.cmpf ogt, %while3A_73, %gt3A_79 : vector<16xf32>
          %reduce_or3A_81 = arith.constant 1.000000e+00 : f32
          %reduce_or3A_82 = arith.constant 0.000000e+00 : f32
          %reduce_or3A_83 = vector.broadcast %reduce_or3A_81 : f32 to vector<16xf32>
          %reduce_or3A_84 = vector.broadcast %reduce_or3A_82 : f32 to vector<16xf32>
          %reduce_or3A_85 = arith.select %gt3A_80, %reduce_or3A_83, %reduce_or3A_84 : vector<16xi1>, vector<16xf32>
          %reduce_or3A_86 = arith.constant true
          %reduce_or3A_87 = vector.broadcast %reduce_or3A_86 : i1 to vector<16xi1>
          %reduce_or3A_88 = tpu.scan <max>, %reduce_or3A_85 masked %reduce_or3A_87 : vector<16xf32>, vector<16xi1> -> vector<16xf32>
          %reduce_or3A_89 = vector.extract %reduce_or3A_88[15] : f32 from vector<16xf32>
          %reduce_or3A_90 = arith.constant 0.000000e+00 : f32
          %reduce_or3A_91 = arith.cmpf ogt, %reduce_or3A_89, %reduce_or3A_90 : f32
          %and3A = arith.andi %lt3A_77, %reduce_or3A_91 : i1
          scf.condition(%and3A) %while3A_72, %while3A_73, %while3A_74, %while3A_75 : i32, vector<16xf32>, vector<16xi32>, i32
        } do {
        ^bb0(%while3A_72: i32, %while3A_73: vector<16xf32>, %while3A_74: vector<16xi32>, %while3A_75: i32):
          %reduce_max3A_76 = arith.constant true
          %reduce_max3A_77 = vector.broadcast %reduce_max3A_76 : i1 to vector<16xi1>
          %reduce_max3A_78 = tpu.scan <max>, %while3A_73 masked %reduce_max3A_77 : vector<16xf32>, vector<16xi1> -> vector<16xf32>
          %reduce_max3A_79 = vector.extract %reduce_max3A_78[15] : f32 from vector<16xf32>
          %eq3A = vector.broadcast %reduce_max3A_79 : f32 to vector<16xf32>
          %eq3A_80 = arith.cmpf oeq, %while3A_73, %eq3A : vector<16xf32>
          %jit3A = arith.constant 1073741824 : i32
          %broadcast_in_dim3A_81 = vector.broadcast %jit3A : i32 to vector<16xi32>
          %select_n3A = arith.select %eq3A_80, %while3A_74, %broadcast_in_dim3A_81 : vector<16xi1>, vector<16xi32>
          %reduce_min3A = arith.constant true
          %reduce_min3A_82 = vector.broadcast %reduce_min3A : i1 to vector<16xi1>
          %reduce_min3A_83 = arith.constant -2147483648 : i32
          %reduce_min3A_84 = vector.broadcast %reduce_min3A_83 : i32 to vector<16xi32>
          %reduce_min3A_85 = arith.xori %select_n3A, %reduce_min3A_84 : vector<16xi32>
          %reduce_min3A_86 = tpu.scan <min>, %reduce_min3A_85 masked %reduce_min3A_82 : vector<16xi32>, vector<16xi1> -> vector<16xi32>
          %reduce_min3A_87 = arith.xori %reduce_min3A_86, %reduce_min3A_84 : vector<16xi32>
          %reduce_min3A_88 = vector.extract %reduce_min3A_87[15] : i32 from vector<16xi32>
          %broadcast_in_dim3A_89 = vector.broadcast %reduce_min3A_88 : i32 to vector<16xi32>
          %gather3A = tpu.vector_load_idx %arg26[%broadcast_in_dim3A_89] : memref<576xi32, #tpu.memory_space<vmem>>[vector<16xi32>], vector<16xi32>,
          %gather3A_90 = tpu.vector_load_idx %arg9[%gather3A] : memref<5024xf32, #tpu.memory_space<vmem>>[vector<16xi32>], vector<16xf32>,
          %gather3A_91 = tpu.vector_load_idx %arg10[%gather3A] : memref<5024xf32, #tpu.memory_space<vmem>>[vector<16xi32>], vector<16xf32>,
          %gather3A_92 = tpu.vector_load_idx %arg11[%gather3A] : memref<5024xf32, #tpu.memory_space<vmem>>[vector<16xi32>], vector<16xf32>,
          %gather3A_93 = tpu.vector_load_idx %arg12[%gather3A] : memref<5024xf32, #tpu.memory_space<vmem>>[vector<16xi32>], vector<16xf32>,
          %gather3A_94 = tpu.vector_load_idx %arg14[%gather3A] : memref<5024xf32, #tpu.memory_space<vmem>>[vector<16xi32>], vector<16xf32>,
          %eq3A_95 = arith.constant 0 : i32
          %eq3A_96 = vector.broadcast %eq3A_95 : i32 to vector<16xi32>
          %eq3A_97 = arith.cmpi eq, %iota3A, %eq3A_96 : vector<16xi32>
          %eq3A_98 = arith.constant 1 : i32
          %eq3A_99 = vector.broadcast %eq3A_98 : i32 to vector<16xi32>
          %eq3A_100 = arith.cmpi eq, %iota3A, %eq3A_99 : vector<16xi32>
          %eq3A_101 = arith.constant 2 : i32
          %eq3A_102 = vector.broadcast %eq3A_101 : i32 to vector<16xi32>
          %eq3A_103 = arith.cmpi eq, %iota3A, %eq3A_102 : vector<16xi32>
          %eq3A_104 = arith.constant 3 : i32
          %eq3A_105 = vector.broadcast %eq3A_104 : i32 to vector<16xi32>
          %eq3A_106 = arith.cmpi eq, %iota3A, %eq3A_105 : vector<16xi32>
          %eq3A_107 = arith.constant 4 : i32
          %eq3A_108 = vector.broadcast %eq3A_107 : i32 to vector<16xi32>
          %eq3A_109 = arith.cmpi eq, %iota3A, %eq3A_108 : vector<16xi32>
          %eq3A_110 = arith.constant 5 : i32
          %eq3A_111 = vector.broadcast %eq3A_110 : i32 to vector<16xi32>
          %eq3A_112 = arith.cmpi eq, %iota3A, %eq3A_111 : vector<16xi32>
          %jit3A_113 = arith.constant 0.000000e+00 : f32
          %broadcast_in_dim3A_114 = vector.broadcast %jit3A_113 : f32 to vector<16xf32>
          %select_n3A_115 = arith.select %eq3A_112, %gather3A_94, %broadcast_in_dim3A_114 : vector<16xi1>, vector<16xf32>
          %broadcast_in_dim3A_116 = vector.broadcast %reduce_max3A_79 : f32 to vector<16xf32>
          %select_n3A_117 = arith.select %eq3A_109, %broadcast_in_dim3A_116, %select_n3A_115 : vector<16xi1>, vector<16xf32>
          %select_n3A_118 = arith.select %eq3A_106, %gather3A_93, %select_n3A_117 : vector<16xi1>, vector<16xf32>
          %select_n3A_119 = arith.select %eq3A_103, %gather3A_92, %select_n3A_118 : vector<16xi1>, vector<16xf32>
          %select_n3A_120 = arith.select %eq3A_100, %gather3A_91, %select_n3A_119 : vector<16xi1>, vector<16xf32>
          %select_n3A_121 = arith.select %eq3A_97, %gather3A_90, %select_n3A_120 : vector<16xi1>, vector<16xf32>
          %jit3A_122 = arith.constant true
          %jit3A_123 = arith.constant 0.000000e+00 : f32
          %broadcast_in_dim3A_124 = vector.broadcast %jit3A_123 : f32 to vector<16xf32>
          %select_n3A_125 = arith.select %jit3A_122, %select_n3A_121, %broadcast_in_dim3A_124 : vector<16xf32>
          %mul3A_126 = arith.constant 8 : i32
          %mul3A_127 = arith.muli %while3A_72, %mul3A_126 : i32
          %add3A_128 = vector.broadcast %mul3A_127 : i32 to vector<16xi32>
          %add3A_129 = arith.addi %add3A_128, %iota3A : vector<16xi32>
          %lt3A_130 = arith.constant 8 : i32
          %lt3A_131 = vector.broadcast %lt3A_130 : i32 to vector<16xi32>
          %lt3A_132 = arith.cmpi slt, %iota3A, %lt3A_131 : vector<16xi32>
          tpu.vector_store_idx %arg28[%add3A_129], %select_n3A_125 masked %lt3A_132 : memref<2400xf32, #tpu.memory_space<vmem>>[vector<16xi32>], vector<16xf32>, vector<16xi1>
          %broadcast_in_dim3A_133 = vector.broadcast %while3A_75 : i32 to vector<16xi32>
          %eq3A_134 = arith.constant 0 : i32
          %eq3A_135 = vector.broadcast %eq3A_134 : i32 to vector<16xi32>
          %eq3A_136 = arith.cmpi eq, %iota3A, %eq3A_135 : vector<16xi32>
          tpu.vector_store_idx %arg27[%broadcast_in_dim3A_133], %gather3A masked %eq3A_136 : memref<304xi32, #tpu.memory_space<vmem>>[vector<16xi32>], vector<16xi32>, vector<16xi1>
          %add3A_137 = arith.constant 1 : i32
          %add3A_138 = arith.addi %while3A_75, %add3A_137 : i32
          %gather3A_139 = tpu.vector_load_idx %arg20[%broadcast_in_dim3A_89] : memref<576xf32, #tpu.memory_space<vmem>>[vector<16xi32>], vector<16xf32>,
          %gather3A_140 = tpu.vector_load_idx %arg21[%broadcast_in_dim3A_89] : memref<576xf32, #tpu.memory_space<vmem>>[vector<16xi32>], vector<16xf32>,
          %gather3A_141 = tpu.vector_load_idx %arg22[%broadcast_in_dim3A_89] : memref<576xf32, #tpu.memory_space<vmem>>[vector<16xi32>], vector<16xf32>,
          %gather3A_142 = tpu.vector_load_idx %arg23[%broadcast_in_dim3A_89] : memref<576xf32, #tpu.memory_space<vmem>>[vector<16xi32>], vector<16xf32>,
          %gather3A_143 = tpu.vector_load_idx %arg24[%broadcast_in_dim3A_89] : memref<576xf32, #tpu.memory_space<vmem>>[vector<16xi32>], vector<16xf32>,
          %scan3A_144 = arith.constant 0 : i32
          %scan3A_145 = arith.constant 18 : i32
          %scan3A_146 = arith.addi %scan3A_144, %scan3A_145 : i32
          %scan3A_147 = arith.constant 1 : i32
          %scan3A_148:2 = scf.for %scan3A_152 = %scan3A_144 to %scan3A_146 step %scan3A_147 iter_args(%scan3A_153 = %broadcast_in_dim3A_3, %scan3A_154 = %broadcast_in_dim3A_5) -> (vector<16xf32>, vector<16xi32>)  : i32 {
            %mul3A_155 = arith.constant 2 : i32
            %mul3A_156 = arith.muli %mul3A_155, %scan3A_152 : i32
            %add3A_157 = arith.constant 0 : i32
            %add3A_158 = arith.addi %mul3A_156, %add3A_157 : i32
            %mul3A_159 = arith.constant 16 : i32
            %mul3A_160 = arith.muli %add3A_158, %mul3A_159 : i32
            %get3A = arith.index_cast %mul3A_160 : i32 to index
            %get3A_161 = tpu.vector_load %arg25[%get3A] {strides = array<i32>} : memref<576xf32, #tpu.memory_space<vmem>>, vector<16xf32>,
            %get3A_162 = arith.index_cast %mul3A_160 : i32 to index
            %get3A_163 = tpu.vector_load %arg20[%get3A_162] {strides = array<i32>} : memref<576xf32, #tpu.memory_space<vmem>>, vector<16xf32>,
            %max3A = arith.maximumf %gather3A_139, %get3A_163 : vector<16xf32>
            %get3A_164 = arith.index_cast %mul3A_160 : i32 to index
            %get3A_165 = tpu.vector_load %arg21[%get3A_164] {strides = array<i32>} : memref<576xf32, #tpu.memory_space<vmem>>, vector<16xf32>,
            %max3A_166 = arith.maximumf %gather3A_140, %get3A_165 : vector<16xf32>
            %get3A_167 = arith.index_cast %mul3A_160 : i32 to index
            %get3A_168 = tpu.vector_load %arg22[%get3A_167] {strides = array<i32>} : memref<576xf32, #tpu.memory_space<vmem>>, vector<16xf32>,
            %min3A = arith.minimumf %gather3A_141, %get3A_168 : vector<16xf32>
            %get3A_169 = arith.index_cast %mul3A_160 : i32 to index
            %get3A_170 = tpu.vector_load %arg23[%get3A_169] {strides = array<i32>} : memref<576xf32, #tpu.memory_space<vmem>>, vector<16xf32>,
            %min3A_171 = arith.minimumf %gather3A_142, %get3A_170 : vector<16xf32>
            %sub3A = arith.subf %min3A, %max3A : vector<16xf32>
            %max3A_172 = arith.constant 0.000000e+00 : f32
            %max3A_173 = vector.broadcast %max3A_172 : f32 to vector<16xf32>
            %max3A_174 = arith.maximumf %sub3A, %max3A_173 : vector<16xf32>
            %sub3A_175 = arith.subf %min3A_171, %max3A_166 : vector<16xf32>
            %max3A_176 = arith.constant 0.000000e+00 : f32
            %max3A_177 = vector.broadcast %max3A_176 : f32 to vector<16xf32>
            %max3A_178 = arith.maximumf %sub3A_175, %max3A_177 : vector<16xf32>
            %mul3A_179 = arith.mulf %max3A_174, %max3A_178 : vector<16xf32>
            %get3A_180 = arith.index_cast %mul3A_160 : i32 to index
            %get3A_181 = tpu.vector_load %arg24[%get3A_180] {strides = array<i32>} : memref<576xf32, #tpu.memory_space<vmem>>, vector<16xf32>,
            %add3A_182 = arith.addf %gather3A_143, %get3A_181 : vector<16xf32>
            %sub3A_183 = arith.subf %add3A_182, %mul3A_179 : vector<16xf32>
            %add3A_184 = arith.constant 9.99999971E-10 : f32
            %add3A_185 = vector.broadcast %add3A_184 : f32 to vector<16xf32>
            %add3A_186 = arith.addf %sub3A_183, %add3A_185 : vector<16xf32>
            %div3A = arith.divf %mul3A_179, %add3A_186 : vector<16xf32>
            %gt3A_187 = arith.constant 6.000000e-01 : f32
            %gt3A_188 = vector.broadcast %gt3A_187 : f32 to vector<16xf32>
            %gt3A_189 = arith.cmpf ogt, %div3A, %gt3A_188 : vector<16xf32>
            %jit3A_190 = arith.constant 0xFF800000 : f32
            %broadcast_in_dim3A_191 = vector.broadcast %jit3A_190 : f32 to vector<16xf32>
            %select_n3A_192 = arith.select %gt3A_189, %broadcast_in_dim3A_191, %get3A_161 : vector<16xi1>, vector<16xf32>
            %swap3A = arith.index_cast %mul3A_160 : i32 to index
            %swap3A_193 = tpu.vector_load %arg25[%swap3A] {strides = array<i32>} : memref<576xf32, #tpu.memory_space<vmem>>, vector<16xf32>,
            tpu.vector_store %arg25[%swap3A], %select_n3A_192 {strides = array<i32>} : memref<576xf32, #tpu.memory_space<vmem>>, vector<16xf32>,
            %gt3A_194 = arith.cmpf ogt, %select_n3A_192, %scan3A_153 : vector<16xf32>
            %select_n3A_195 = arith.select %gt3A_194, %select_n3A_192, %scan3A_153 : vector<16xi1>, vector<16xf32>
            %add3A_196 = vector.broadcast %mul3A_160 : i32 to vector<16xi32>
            %add3A_197 = arith.addi %add3A_196, %iota3A : vector<16xi32>
            %select_n3A_198 = arith.select %gt3A_194, %add3A_197, %scan3A_154 : vector<16xi1>, vector<16xi32>
            %mul3A_199 = arith.constant 2 : i32
            %mul3A_200 = arith.muli %mul3A_199, %scan3A_152 : i32
            %add3A_201 = arith.constant 1 : i32
            %add3A_202 = arith.addi %mul3A_200, %add3A_201 : i32
            %mul3A_203 = arith.constant 16 : i32
            %mul3A_204 = arith.muli %add3A_202, %mul3A_203 : i32
            %get3A_205 = arith.index_cast %mul3A_204 : i32 to index
            %get3A_206 = tpu.vector_load %arg25[%get3A_205] {strides = array<i32>} : memref<576xf32, #tpu.memory_space<vmem>>, vector<16xf32>,
            %get3A_207 = arith.index_cast %mul3A_204 : i32 to index
            %get3A_208 = tpu.vector_load %arg20[%get3A_207] {strides = array<i32>} : memref<576xf32, #tpu.memory_space<vmem>>, vector<16xf32>,
            %max3A_209 = arith.maximumf %gather3A_139, %get3A_208 : vector<16xf32>
            %get3A_210 = arith.index_cast %mul3A_204 : i32 to index
            %get3A_211 = tpu.vector_load %arg21[%get3A_210] {strides = array<i32>} : memref<576xf32, #tpu.memory_space<vmem>>, vector<16xf32>,
            %max3A_212 = arith.maximumf %gather3A_140, %get3A_211 : vector<16xf32>
            %get3A_213 = arith.index_cast %mul3A_204 : i32 to index
            %get3A_214 = tpu.vector_load %arg22[%get3A_213] {strides = array<i32>} : memref<576xf32, #tpu.memory_space<vmem>>, vector<16xf32>,
            %min3A_215 = arith.minimumf %gather3A_141, %get3A_214 : vector<16xf32>
            %get3A_216 = arith.index_cast %mul3A_204 : i32 to index
            %get3A_217 = tpu.vector_load %arg23[%get3A_216] {strides = array<i32>} : memref<576xf32, #tpu.memory_space<vmem>>, vector<16xf32>,
            %min3A_218 = arith.minimumf %gather3A_142, %get3A_217 : vector<16xf32>
            %sub3A_219 = arith.subf %min3A_215, %max3A_209 : vector<16xf32>
            %max3A_220 = arith.constant 0.000000e+00 : f32
            %max3A_221 = vector.broadcast %max3A_220 : f32 to vector<16xf32>
            %max3A_222 = arith.maximumf %sub3A_219, %max3A_221 : vector<16xf32>
            %sub3A_223 = arith.subf %min3A_218, %max3A_212 : vector<16xf32>
            %max3A_224 = arith.constant 0.000000e+00 : f32
            %max3A_225 = vector.broadcast %max3A_224 : f32 to vector<16xf32>
            %max3A_226 = arith.maximumf %sub3A_223, %max3A_225 : vector<16xf32>
            %mul3A_227 = arith.mulf %max3A_222, %max3A_226 : vector<16xf32>
            %get3A_228 = arith.index_cast %mul3A_204 : i32 to index
            %get3A_229 = tpu.vector_load %arg24[%get3A_228] {strides = array<i32>} : memref<576xf32, #tpu.memory_space<vmem>>, vector<16xf32>,
            %add3A_230 = arith.addf %gather3A_143, %get3A_229 : vector<16xf32>
            %sub3A_231 = arith.subf %add3A_230, %mul3A_227 : vector<16xf32>
            %add3A_232 = arith.constant 9.99999971E-10 : f32
            %add3A_233 = vector.broadcast %add3A_232 : f32 to vector<16xf32>
            %add3A_234 = arith.addf %sub3A_231, %add3A_233 : vector<16xf32>
            %div3A_235 = arith.divf %mul3A_227, %add3A_234 : vector<16xf32>
            %gt3A_236 = arith.constant 6.000000e-01 : f32
            %gt3A_237 = vector.broadcast %gt3A_236 : f32 to vector<16xf32>
            %gt3A_238 = arith.cmpf ogt, %div3A_235, %gt3A_237 : vector<16xf32>
            %jit3A_239 = arith.constant 0xFF800000 : f32
            %broadcast_in_dim3A_240 = vector.broadcast %jit3A_239 : f32 to vector<16xf32>
            %select_n3A_241 = arith.select %gt3A_238, %broadcast_in_dim3A_240, %get3A_206 : vector<16xi1>, vector<16xf32>
            %swap3A_242 = arith.index_cast %mul3A_204 : i32 to index
            %swap3A_243 = tpu.vector_load %arg25[%swap3A_242] {strides = array<i32>} : memref<576xf32, #tpu.memory_space<vmem>>, vector<16xf32>,
            tpu.vector_store %arg25[%swap3A_242], %select_n3A_241 {strides = array<i32>} : memref<576xf32, #tpu.memory_space<vmem>>, vector<16xf32>,
            %gt3A_244 = arith.cmpf ogt, %select_n3A_241, %select_n3A_195 : vector<16xf32>
            %select_n3A_245 = arith.select %gt3A_244, %select_n3A_241, %select_n3A_195 : vector<16xi1>, vector<16xf32>
            %add3A_246 = vector.broadcast %mul3A_204 : i32 to vector<16xi32>
            %add3A_247 = arith.addi %add3A_246, %iota3A : vector<16xi32>
            %select_n3A_248 = arith.select %gt3A_244, %add3A_247, %select_n3A_198 : vector<16xi1>, vector<16xi32>
            scf.yield %select_n3A_245, %select_n3A_248 : vector<16xf32>, vector<16xi32>
          }
          %scan3A_149 = arith.constant 18 : i32
          %add3A_150 = arith.constant 1 : i32
          %add3A_151 = arith.addi %while3A_72, %add3A_150 : i32
          scf.yield %add3A_151, %scan3A_148#0, %scan3A_148#1, %add3A_138 : i32, vector<16xf32>, vector<16xi32>, i32
        }
        %lt3A_65 = arith.constant 300 : i32
        %lt3A_66 = arith.cmpi slt, %while3A_64#0, %lt3A_65 : i32
        %convert_element_type3A_67 = arith.extui %lt3A_66 : i1 to i32
        %cond3A_68 = arith.constant 0 : i32
        %cond3A_69 = arith.constant 0 : i32
        %cond3A_70 = arith.cmpi ne, %convert_element_type3A_67, %cond3A_69 : i32
        %cond3A_71:4 = scf.if %cond3A_70 -> (i32, vector<16xf32>, vector<16xi32>, i32) {
          %while3A_72 = arith.constant 0 : i32
          %while3A_73 = arith.constant 0 : i32
          %while3A_74 = arith.subi %while3A_64#3, %while3A_73 : i32
          %while3A_75 = arith.addi %while3A_73, %while3A_74 : i32
          %while3A_76 = arith.constant 1 : i32
          %while3A_77 = arith.divsi %while3A_74, %while3A_76 : i32
          %while3A_78 = arith.muli %while3A_77, %while3A_76 : i32
          %while3A_79 = arith.addi %while3A_73, %while3A_78 : i32
          %while3A_80 = arith.constant 1 : i32
          scf.for %while3A_89 = %while3A_73 to %while3A_79 step %while3A_80  : i32 {
            %broadcast_in_dim3A_90 = vector.broadcast %while3A_89 : i32 to vector<16xi32>
            %gather3A = tpu.vector_load_idx %arg27[%broadcast_in_dim3A_90] : memref<304xi32, #tpu.memory_space<vmem>>[vector<16xi32>], vector<16xi32>,
            %gather3A_91 = tpu.vector_load_idx %arg15[%gather3A] : memref<5024xf32, #tpu.memory_space<vmem>>[vector<16xi32>], vector<16xf32>,
            %gather3A_92 = tpu.vector_load_idx %arg16[%gather3A] : memref<5024xf32, #tpu.memory_space<vmem>>[vector<16xi32>], vector<16xf32>,
            %gather3A_93 = tpu.vector_load_idx %arg17[%gather3A] : memref<5024xf32, #tpu.memory_space<vmem>>[vector<16xi32>], vector<16xf32>,
            %gather3A_94 = tpu.vector_load_idx %arg18[%gather3A] : memref<5024xf32, #tpu.memory_space<vmem>>[vector<16xi32>], vector<16xf32>,
            %gather3A_95 = tpu.vector_load_idx %arg19[%gather3A] : memref<5024xf32, #tpu.memory_space<vmem>>[vector<16xi32>], vector<16xf32>,
            %scan3A_96 = arith.constant 0 : i32
            %scan3A_97 = arith.constant 0 : i32
            %scan3A_98 = arith.constant 157 : i32
            %scan3A_99 = arith.addi %scan3A_97, %scan3A_98 : i32
            %scan3A_100 = arith.constant 1 : i32
            scf.for %scan3A_102 = %scan3A_97 to %scan3A_99 step %scan3A_100  : i32 {
              %mul3A_103 = arith.constant 2 : i32
              %mul3A_104 = arith.muli %mul3A_103, %scan3A_102 : i32
              %add3A_105 = arith.constant 0 : i32
              %add3A_106 = arith.addi %mul3A_104, %add3A_105 : i32
              %mul3A_107 = arith.constant 16 : i32
              %mul3A_108 = arith.muli %add3A_106, %mul3A_107 : i32
              %get3A = arith.index_cast %mul3A_108 : i32 to index
              %get3A_109 = tpu.vector_load %arg13[%get3A] {strides = array<i32>} : memref<5024xf32, #tpu.memory_space<vmem>>, vector<16xf32>,
              %get3A_110 = arith.index_cast %mul3A_108 : i32 to index
              %get3A_111 = tpu.vector_load %arg15[%get3A_110] {strides = array<i32>} : memref<5024xf32, #tpu.memory_space<vmem>>, vector<16xf32>,
              %max3A = arith.maximumf %gather3A_91, %get3A_111 : vector<16xf32>
              %get3A_112 = arith.index_cast %mul3A_108 : i32 to index
              %get3A_113 = tpu.vector_load %arg16[%get3A_112] {strides = array<i32>} : memref<5024xf32, #tpu.memory_space<vmem>>, vector<16xf32>,
              %max3A_114 = arith.maximumf %gather3A_92, %get3A_113 : vector<16xf32>
              %get3A_115 = arith.index_cast %mul3A_108 : i32 to index
              %get3A_116 = tpu.vector_load %arg17[%get3A_115] {strides = array<i32>} : memref<5024xf32, #tpu.memory_space<vmem>>, vector<16xf32>,
              %min3A = arith.minimumf %gather3A_93, %get3A_116 : vector<16xf32>
              %get3A_117 = arith.index_cast %mul3A_108 : i32 to index
              %get3A_118 = tpu.vector_load %arg18[%get3A_117] {strides = array<i32>} : memref<5024xf32, #tpu.memory_space<vmem>>, vector<16xf32>,
              %min3A_119 = arith.minimumf %gather3A_94, %get3A_118 : vector<16xf32>
              %sub3A = arith.subf %min3A, %max3A : vector<16xf32>
              %max3A_120 = arith.constant 0.000000e+00 : f32
              %max3A_121 = vector.broadcast %max3A_120 : f32 to vector<16xf32>
              %max3A_122 = arith.maximumf %sub3A, %max3A_121 : vector<16xf32>
              %sub3A_123 = arith.subf %min3A_119, %max3A_114 : vector<16xf32>
              %max3A_124 = arith.constant 0.000000e+00 : f32
              %max3A_125 = vector.broadcast %max3A_124 : f32 to vector<16xf32>
              %max3A_126 = arith.maximumf %sub3A_123, %max3A_125 : vector<16xf32>
              %mul3A_127 = arith.mulf %max3A_122, %max3A_126 : vector<16xf32>
              %get3A_128 = arith.index_cast %mul3A_108 : i32 to index
              %get3A_129 = tpu.vector_load %arg19[%get3A_128] {strides = array<i32>} : memref<5024xf32, #tpu.memory_space<vmem>>, vector<16xf32>,
              %add3A_130 = arith.addf %gather3A_95, %get3A_129 : vector<16xf32>
              %sub3A_131 = arith.subf %add3A_130, %mul3A_127 : vector<16xf32>
              %add3A_132 = arith.constant 9.99999971E-10 : f32
              %add3A_133 = vector.broadcast %add3A_132 : f32 to vector<16xf32>
              %add3A_134 = arith.addf %sub3A_131, %add3A_133 : vector<16xf32>
              %div3A = arith.divf %mul3A_127, %add3A_134 : vector<16xf32>
              %gt3A_135 = arith.constant 6.000000e-01 : f32
              %gt3A_136 = vector.broadcast %gt3A_135 : f32 to vector<16xf32>
              %gt3A_137 = arith.cmpf ogt, %div3A, %gt3A_136 : vector<16xf32>
              %jit3A = arith.constant 0xFF800000 : f32
              %broadcast_in_dim3A_138 = vector.broadcast %jit3A : f32 to vector<16xf32>
              %select_n3A = arith.select %gt3A_137, %broadcast_in_dim3A_138, %get3A_109 : vector<16xi1>, vector<16xf32>
              %swap3A = arith.index_cast %mul3A_108 : i32 to index
              %swap3A_139 = tpu.vector_load %arg13[%swap3A] {strides = array<i32>} : memref<5024xf32, #tpu.memory_space<vmem>>, vector<16xf32>,
              tpu.vector_store %arg13[%swap3A], %select_n3A {strides = array<i32>} : memref<5024xf32, #tpu.memory_space<vmem>>, vector<16xf32>,
              %mul3A_140 = arith.constant 2 : i32
              %mul3A_141 = arith.muli %mul3A_140, %scan3A_102 : i32
              %add3A_142 = arith.constant 1 : i32
              %add3A_143 = arith.addi %mul3A_141, %add3A_142 : i32
              %mul3A_144 = arith.constant 16 : i32
              %mul3A_145 = arith.muli %add3A_143, %mul3A_144 : i32
              %get3A_146 = arith.index_cast %mul3A_145 : i32 to index
              %get3A_147 = tpu.vector_load %arg13[%get3A_146] {strides = array<i32>} : memref<5024xf32, #tpu.memory_space<vmem>>, vector<16xf32>,
              %get3A_148 = arith.index_cast %mul3A_145 : i32 to index
              %get3A_149 = tpu.vector_load %arg15[%get3A_148] {strides = array<i32>} : memref<5024xf32, #tpu.memory_space<vmem>>, vector<16xf32>,
              %max3A_150 = arith.maximumf %gather3A_91, %get3A_149 : vector<16xf32>
              %get3A_151 = arith.index_cast %mul3A_145 : i32 to index
              %get3A_152 = tpu.vector_load %arg16[%get3A_151] {strides = array<i32>} : memref<5024xf32, #tpu.memory_space<vmem>>, vector<16xf32>,
              %max3A_153 = arith.maximumf %gather3A_92, %get3A_152 : vector<16xf32>
              %get3A_154 = arith.index_cast %mul3A_145 : i32 to index
              %get3A_155 = tpu.vector_load %arg17[%get3A_154] {strides = array<i32>} : memref<5024xf32, #tpu.memory_space<vmem>>, vector<16xf32>,
              %min3A_156 = arith.minimumf %gather3A_93, %get3A_155 : vector<16xf32>
              %get3A_157 = arith.index_cast %mul3A_145 : i32 to index
              %get3A_158 = tpu.vector_load %arg18[%get3A_157] {strides = array<i32>} : memref<5024xf32, #tpu.memory_space<vmem>>, vector<16xf32>,
              %min3A_159 = arith.minimumf %gather3A_94, %get3A_158 : vector<16xf32>
              %sub3A_160 = arith.subf %min3A_156, %max3A_150 : vector<16xf32>
              %max3A_161 = arith.constant 0.000000e+00 : f32
              %max3A_162 = vector.broadcast %max3A_161 : f32 to vector<16xf32>
              %max3A_163 = arith.maximumf %sub3A_160, %max3A_162 : vector<16xf32>
              %sub3A_164 = arith.subf %min3A_159, %max3A_153 : vector<16xf32>
              %max3A_165 = arith.constant 0.000000e+00 : f32
              %max3A_166 = vector.broadcast %max3A_165 : f32 to vector<16xf32>
              %max3A_167 = arith.maximumf %sub3A_164, %max3A_166 : vector<16xf32>
              %mul3A_168 = arith.mulf %max3A_163, %max3A_167 : vector<16xf32>
              %get3A_169 = arith.index_cast %mul3A_145 : i32 to index
              %get3A_170 = tpu.vector_load %arg19[%get3A_169] {strides = array<i32>} : memref<5024xf32, #tpu.memory_space<vmem>>, vector<16xf32>,
              %add3A_171 = arith.addf %gather3A_95, %get3A_170 : vector<16xf32>
              %sub3A_172 = arith.subf %add3A_171, %mul3A_168 : vector<16xf32>
              %add3A_173 = arith.constant 9.99999971E-10 : f32
              %add3A_174 = vector.broadcast %add3A_173 : f32 to vector<16xf32>
              %add3A_175 = arith.addf %sub3A_172, %add3A_174 : vector<16xf32>
              %div3A_176 = arith.divf %mul3A_168, %add3A_175 : vector<16xf32>
              %gt3A_177 = arith.constant 6.000000e-01 : f32
              %gt3A_178 = vector.broadcast %gt3A_177 : f32 to vector<16xf32>
              %gt3A_179 = arith.cmpf ogt, %div3A_176, %gt3A_178 : vector<16xf32>
              %jit3A_180 = arith.constant 0xFF800000 : f32
              %broadcast_in_dim3A_181 = vector.broadcast %jit3A_180 : f32 to vector<16xf32>
              %select_n3A_182 = arith.select %gt3A_179, %broadcast_in_dim3A_181, %get3A_147 : vector<16xi1>, vector<16xf32>
              %swap3A_183 = arith.index_cast %mul3A_145 : i32 to index
              %swap3A_184 = tpu.vector_load %arg13[%swap3A_183] {strides = array<i32>} : memref<5024xf32, #tpu.memory_space<vmem>>, vector<16xf32>,
              tpu.vector_store %arg13[%swap3A_183], %select_n3A_182 {strides = array<i32>} : memref<5024xf32, #tpu.memory_space<vmem>>, vector<16xf32>,
            }
            %scan3A_101 = arith.constant 157 : i32
          }
          %while3A_81 = arith.constant 1 : i32
          scf.for %while3A_89 = %while3A_79 to %while3A_75 step %while3A_81  : i32 {
            %broadcast_in_dim3A_90 = vector.broadcast %while3A_89 : i32 to vector<16xi32>
            %gather3A = tpu.vector_load_idx %arg27[%broadcast_in_dim3A_90] : memref<304xi32, #tpu.memory_space<vmem>>[vector<16xi32>], vector<16xi32>,
            %gather3A_91 = tpu.vector_load_idx %arg15[%gather3A] : memref<5024xf32, #tpu.memory_space<vmem>>[vector<16xi32>], vector<16xf32>,
            %gather3A_92 = tpu.vector_load_idx %arg16[%gather3A] : memref<5024xf32, #tpu.memory_space<vmem>>[vector<16xi32>], vector<16xf32>,
            %gather3A_93 = tpu.vector_load_idx %arg17[%gather3A] : memref<5024xf32, #tpu.memory_space<vmem>>[vector<16xi32>], vector<16xf32>,
            %gather3A_94 = tpu.vector_load_idx %arg18[%gather3A] : memref<5024xf32, #tpu.memory_space<vmem>>[vector<16xi32>], vector<16xf32>,
            %gather3A_95 = tpu.vector_load_idx %arg19[%gather3A] : memref<5024xf32, #tpu.memory_space<vmem>>[vector<16xi32>], vector<16xf32>,
            %scan3A_96 = arith.constant 0 : i32
            %scan3A_97 = arith.constant 0 : i32
            %scan3A_98 = arith.constant 157 : i32
            %scan3A_99 = arith.addi %scan3A_97, %scan3A_98 : i32
            %scan3A_100 = arith.constant 1 : i32
            scf.for %scan3A_102 = %scan3A_97 to %scan3A_99 step %scan3A_100  : i32 {
              %mul3A_103 = arith.constant 2 : i32
              %mul3A_104 = arith.muli %mul3A_103, %scan3A_102 : i32
              %add3A_105 = arith.constant 0 : i32
              %add3A_106 = arith.addi %mul3A_104, %add3A_105 : i32
              %mul3A_107 = arith.constant 16 : i32
              %mul3A_108 = arith.muli %add3A_106, %mul3A_107 : i32
              %get3A = arith.index_cast %mul3A_108 : i32 to index
              %get3A_109 = tpu.vector_load %arg13[%get3A] {strides = array<i32>} : memref<5024xf32, #tpu.memory_space<vmem>>, vector<16xf32>,
              %get3A_110 = arith.index_cast %mul3A_108 : i32 to index
              %get3A_111 = tpu.vector_load %arg15[%get3A_110] {strides = array<i32>} : memref<5024xf32, #tpu.memory_space<vmem>>, vector<16xf32>,
              %max3A = arith.maximumf %gather3A_91, %get3A_111 : vector<16xf32>
              %get3A_112 = arith.index_cast %mul3A_108 : i32 to index
              %get3A_113 = tpu.vector_load %arg16[%get3A_112] {strides = array<i32>} : memref<5024xf32, #tpu.memory_space<vmem>>, vector<16xf32>,
              %max3A_114 = arith.maximumf %gather3A_92, %get3A_113 : vector<16xf32>
              %get3A_115 = arith.index_cast %mul3A_108 : i32 to index
              %get3A_116 = tpu.vector_load %arg17[%get3A_115] {strides = array<i32>} : memref<5024xf32, #tpu.memory_space<vmem>>, vector<16xf32>,
              %min3A = arith.minimumf %gather3A_93, %get3A_116 : vector<16xf32>
              %get3A_117 = arith.index_cast %mul3A_108 : i32 to index
              %get3A_118 = tpu.vector_load %arg18[%get3A_117] {strides = array<i32>} : memref<5024xf32, #tpu.memory_space<vmem>>, vector<16xf32>,
              %min3A_119 = arith.minimumf %gather3A_94, %get3A_118 : vector<16xf32>
              %sub3A = arith.subf %min3A, %max3A : vector<16xf32>
              %max3A_120 = arith.constant 0.000000e+00 : f32
              %max3A_121 = vector.broadcast %max3A_120 : f32 to vector<16xf32>
              %max3A_122 = arith.maximumf %sub3A, %max3A_121 : vector<16xf32>
              %sub3A_123 = arith.subf %min3A_119, %max3A_114 : vector<16xf32>
              %max3A_124 = arith.constant 0.000000e+00 : f32
              %max3A_125 = vector.broadcast %max3A_124 : f32 to vector<16xf32>
              %max3A_126 = arith.maximumf %sub3A_123, %max3A_125 : vector<16xf32>
              %mul3A_127 = arith.mulf %max3A_122, %max3A_126 : vector<16xf32>
              %get3A_128 = arith.index_cast %mul3A_108 : i32 to index
              %get3A_129 = tpu.vector_load %arg19[%get3A_128] {strides = array<i32>} : memref<5024xf32, #tpu.memory_space<vmem>>, vector<16xf32>,
              %add3A_130 = arith.addf %gather3A_95, %get3A_129 : vector<16xf32>
              %sub3A_131 = arith.subf %add3A_130, %mul3A_127 : vector<16xf32>
              %add3A_132 = arith.constant 9.99999971E-10 : f32
              %add3A_133 = vector.broadcast %add3A_132 : f32 to vector<16xf32>
              %add3A_134 = arith.addf %sub3A_131, %add3A_133 : vector<16xf32>
              %div3A = arith.divf %mul3A_127, %add3A_134 : vector<16xf32>
              %gt3A_135 = arith.constant 6.000000e-01 : f32
              %gt3A_136 = vector.broadcast %gt3A_135 : f32 to vector<16xf32>
              %gt3A_137 = arith.cmpf ogt, %div3A, %gt3A_136 : vector<16xf32>
              %jit3A = arith.constant 0xFF800000 : f32
              %broadcast_in_dim3A_138 = vector.broadcast %jit3A : f32 to vector<16xf32>
              %select_n3A = arith.select %gt3A_137, %broadcast_in_dim3A_138, %get3A_109 : vector<16xi1>, vector<16xf32>
              %swap3A = arith.index_cast %mul3A_108 : i32 to index
              %swap3A_139 = tpu.vector_load %arg13[%swap3A] {strides = array<i32>} : memref<5024xf32, #tpu.memory_space<vmem>>, vector<16xf32>,
              tpu.vector_store %arg13[%swap3A], %select_n3A {strides = array<i32>} : memref<5024xf32, #tpu.memory_space<vmem>>, vector<16xf32>,
              %mul3A_140 = arith.constant 2 : i32
              %mul3A_141 = arith.muli %mul3A_140, %scan3A_102 : i32
              %add3A_142 = arith.constant 1 : i32
              %add3A_143 = arith.addi %mul3A_141, %add3A_142 : i32
              %mul3A_144 = arith.constant 16 : i32
              %mul3A_145 = arith.muli %add3A_143, %mul3A_144 : i32
              %get3A_146 = arith.index_cast %mul3A_145 : i32 to index
              %get3A_147 = tpu.vector_load %arg13[%get3A_146] {strides = array<i32>} : memref<5024xf32, #tpu.memory_space<vmem>>, vector<16xf32>,
              %get3A_148 = arith.index_cast %mul3A_145 : i32 to index
              %get3A_149 = tpu.vector_load %arg15[%get3A_148] {strides = array<i32>} : memref<5024xf32, #tpu.memory_space<vmem>>, vector<16xf32>,
              %max3A_150 = arith.maximumf %gather3A_91, %get3A_149 : vector<16xf32>
              %get3A_151 = arith.index_cast %mul3A_145 : i32 to index
              %get3A_152 = tpu.vector_load %arg16[%get3A_151] {strides = array<i32>} : memref<5024xf32, #tpu.memory_space<vmem>>, vector<16xf32>,
              %max3A_153 = arith.maximumf %gather3A_92, %get3A_152 : vector<16xf32>
              %get3A_154 = arith.index_cast %mul3A_145 : i32 to index
              %get3A_155 = tpu.vector_load %arg17[%get3A_154] {strides = array<i32>} : memref<5024xf32, #tpu.memory_space<vmem>>, vector<16xf32>,
              %min3A_156 = arith.minimumf %gather3A_93, %get3A_155 : vector<16xf32>
              %get3A_157 = arith.index_cast %mul3A_145 : i32 to index
              %get3A_158 = tpu.vector_load %arg18[%get3A_157] {strides = array<i32>} : memref<5024xf32, #tpu.memory_space<vmem>>, vector<16xf32>,
              %min3A_159 = arith.minimumf %gather3A_94, %get3A_158 : vector<16xf32>
              %sub3A_160 = arith.subf %min3A_156, %max3A_150 : vector<16xf32>
              %max3A_161 = arith.constant 0.000000e+00 : f32
              %max3A_162 = vector.broadcast %max3A_161 : f32 to vector<16xf32>
              %max3A_163 = arith.maximumf %sub3A_160, %max3A_162 : vector<16xf32>
              %sub3A_164 = arith.subf %min3A_159, %max3A_153 : vector<16xf32>
              %max3A_165 = arith.constant 0.000000e+00 : f32
              %max3A_166 = vector.broadcast %max3A_165 : f32 to vector<16xf32>
              %max3A_167 = arith.maximumf %sub3A_164, %max3A_166 : vector<16xf32>
              %mul3A_168 = arith.mulf %max3A_163, %max3A_167 : vector<16xf32>
              %get3A_169 = arith.index_cast %mul3A_145 : i32 to index
              %get3A_170 = tpu.vector_load %arg19[%get3A_169] {strides = array<i32>} : memref<5024xf32, #tpu.memory_space<vmem>>, vector<16xf32>,
              %add3A_171 = arith.addf %gather3A_95, %get3A_170 : vector<16xf32>
              %sub3A_172 = arith.subf %add3A_171, %mul3A_168 : vector<16xf32>
              %add3A_173 = arith.constant 9.99999971E-10 : f32
              %add3A_174 = vector.broadcast %add3A_173 : f32 to vector<16xf32>
              %add3A_175 = arith.addf %sub3A_172, %add3A_174 : vector<16xf32>
              %div3A_176 = arith.divf %mul3A_168, %add3A_175 : vector<16xf32>
              %gt3A_177 = arith.constant 6.000000e-01 : f32
              %gt3A_178 = vector.broadcast %gt3A_177 : f32 to vector<16xf32>
              %gt3A_179 = arith.cmpf ogt, %div3A_176, %gt3A_178 : vector<16xf32>
              %jit3A_180 = arith.constant 0xFF800000 : f32
              %broadcast_in_dim3A_181 = vector.broadcast %jit3A_180 : f32 to vector<16xf32>
              %select_n3A_182 = arith.select %gt3A_179, %broadcast_in_dim3A_181, %get3A_147 : vector<16xi1>, vector<16xf32>
              %swap3A_183 = arith.index_cast %mul3A_145 : i32 to index
              %swap3A_184 = tpu.vector_load %arg13[%swap3A_183] {strides = array<i32>} : memref<5024xf32, #tpu.memory_space<vmem>>, vector<16xf32>,
              tpu.vector_store %arg13[%swap3A_183], %select_n3A_182 {strides = array<i32>} : memref<5024xf32, #tpu.memory_space<vmem>>, vector<16xf32>,
            }
            %scan3A_101 = arith.constant 157 : i32
          }
          %scan3A_82 = arith.constant 0 : i32
          %scan3A_83 = arith.constant 157 : i32
          %scan3A_84 = arith.addi %scan3A_82, %scan3A_83 : i32
          %scan3A_85 = arith.constant 1 : i32
          %scan3A_86:2 = scf.for %scan3A_89 = %scan3A_82 to %scan3A_84 step %scan3A_85 iter_args(%scan3A_90 = %broadcast_in_dim3A_3, %scan3A_91 = %broadcast_in_dim3A_5) -> (vector<16xf32>, vector<16xi32>)  : i32 {
            %mul3A_92 = arith.constant 2 : i32
            %mul3A_93 = arith.muli %mul3A_92, %scan3A_89 : i32
            %add3A_94 = arith.constant 0 : i32
            %add3A_95 = arith.addi %mul3A_93, %add3A_94 : i32
            %mul3A_96 = arith.constant 16 : i32
            %mul3A_97 = arith.muli %add3A_95, %mul3A_96 : i32
            %get3A = arith.index_cast %mul3A_97 : i32 to index
            %get3A_98 = tpu.vector_load %arg13[%get3A] {strides = array<i32>} : memref<5024xf32, #tpu.memory_space<vmem>>, vector<16xf32>,
            %gt3A_99 = arith.cmpf ogt, %get3A_98, %scan3A_90 : vector<16xf32>
            %select_n3A = arith.select %gt3A_99, %get3A_98, %scan3A_90 : vector<16xi1>, vector<16xf32>
            %add3A_100 = vector.broadcast %mul3A_97 : i32 to vector<16xi32>
            %add3A_101 = arith.addi %add3A_100, %iota3A : vector<16xi32>
            %select_n3A_102 = arith.select %gt3A_99, %add3A_101, %scan3A_91 : vector<16xi1>, vector<16xi32>
            %mul3A_103 = arith.constant 2 : i32
            %mul3A_104 = arith.muli %mul3A_103, %scan3A_89 : i32
            %add3A_105 = arith.constant 1 : i32
            %add3A_106 = arith.addi %mul3A_104, %add3A_105 : i32
            %mul3A_107 = arith.constant 16 : i32
            %mul3A_108 = arith.muli %add3A_106, %mul3A_107 : i32
            %get3A_109 = arith.index_cast %mul3A_108 : i32 to index
            %get3A_110 = tpu.vector_load %arg13[%get3A_109] {strides = array<i32>} : memref<5024xf32, #tpu.memory_space<vmem>>, vector<16xf32>,
            %gt3A_111 = arith.cmpf ogt, %get3A_110, %select_n3A : vector<16xf32>
            %select_n3A_112 = arith.select %gt3A_111, %get3A_110, %select_n3A : vector<16xi1>, vector<16xf32>
            %add3A_113 = vector.broadcast %mul3A_108 : i32 to vector<16xi32>
            %add3A_114 = arith.addi %add3A_113, %iota3A : vector<16xi32>
            %select_n3A_115 = arith.select %gt3A_111, %add3A_114, %select_n3A_102 : vector<16xi1>, vector<16xi32>
            scf.yield %select_n3A_112, %select_n3A_115 : vector<16xf32>, vector<16xi32>
          }
          %scan3A_87 = arith.constant 157 : i32
          %while3A_88:4 = scf.while (%while3A_89 = %while3A_64#0, %while3A_90 = %scan3A_86#0, %while3A_91 = %scan3A_86#1, %while3A_92 = %while3A_64#3) : (i32, vector<16xf32>, vector<16xi32>, i32) -> (i32, vector<16xf32>, vector<16xi32>, i32) {
            %lt3A_93 = arith.constant 300 : i32
            %lt3A_94 = arith.cmpi slt, %while3A_89, %lt3A_93 : i32
            scf.condition(%lt3A_94) %while3A_89, %while3A_90, %while3A_91, %while3A_92 : i32, vector<16xf32>, vector<16xi32>, i32
          } do {
          ^bb0(%while3A_89: i32, %while3A_90: vector<16xf32>, %while3A_91: vector<16xi32>, %while3A_92: i32):
            %reduce_max3A_93 = arith.constant true
            %reduce_max3A_94 = vector.broadcast %reduce_max3A_93 : i1 to vector<16xi1>
            %reduce_max3A_95 = tpu.scan <max>, %while3A_90 masked %reduce_max3A_94 : vector<16xf32>, vector<16xi1> -> vector<16xf32>
            %reduce_max3A_96 = vector.extract %reduce_max3A_95[15] : f32 from vector<16xf32>
            %gt3A_97 = arith.constant 0xFF800000 : f32
            %gt3A_98 = arith.cmpf ogt, %reduce_max3A_96, %gt3A_97 : f32
            %eq3A = vector.broadcast %reduce_max3A_96 : f32 to vector<16xf32>
            %eq3A_99 = arith.cmpf oeq, %while3A_90, %eq3A : vector<16xf32>
            %jit3A = arith.constant 1073741824 : i32
            %broadcast_in_dim3A_100 = vector.broadcast %jit3A : i32 to vector<16xi32>
            %select_n3A = arith.select %eq3A_99, %while3A_91, %broadcast_in_dim3A_100 : vector<16xi1>, vector<16xi32>
            %reduce_min3A = arith.constant true
            %reduce_min3A_101 = vector.broadcast %reduce_min3A : i1 to vector<16xi1>
            %reduce_min3A_102 = arith.constant -2147483648 : i32
            %reduce_min3A_103 = vector.broadcast %reduce_min3A_102 : i32 to vector<16xi32>
            %reduce_min3A_104 = arith.xori %select_n3A, %reduce_min3A_103 : vector<16xi32>
            %reduce_min3A_105 = tpu.scan <min>, %reduce_min3A_104 masked %reduce_min3A_101 : vector<16xi32>, vector<16xi1> -> vector<16xi32>
            %reduce_min3A_106 = arith.xori %reduce_min3A_105, %reduce_min3A_103 : vector<16xi32>
            %reduce_min3A_107 = vector.extract %reduce_min3A_106[15] : i32 from vector<16xi32>
            %broadcast_in_dim3A_108 = vector.broadcast %reduce_min3A_107 : i32 to vector<16xi32>
            %gather3A = tpu.vector_load_idx %arg9[%broadcast_in_dim3A_108] : memref<5024xf32, #tpu.memory_space<vmem>>[vector<16xi32>], vector<16xf32>,
            %gather3A_109 = tpu.vector_load_idx %arg10[%broadcast_in_dim3A_108] : memref<5024xf32, #tpu.memory_space<vmem>>[vector<16xi32>], vector<16xf32>,
            %gather3A_110 = tpu.vector_load_idx %arg11[%broadcast_in_dim3A_108] : memref<5024xf32, #tpu.memory_space<vmem>>[vector<16xi32>], vector<16xf32>,
            %gather3A_111 = tpu.vector_load_idx %arg12[%broadcast_in_dim3A_108] : memref<5024xf32, #tpu.memory_space<vmem>>[vector<16xi32>], vector<16xf32>,
            %gather3A_112 = tpu.vector_load_idx %arg14[%broadcast_in_dim3A_108] : memref<5024xf32, #tpu.memory_space<vmem>>[vector<16xi32>], vector<16xf32>,
            %eq3A_113 = arith.constant 0 : i32
            %eq3A_114 = vector.broadcast %eq3A_113 : i32 to vector<16xi32>
            %eq3A_115 = arith.cmpi eq, %iota3A, %eq3A_114 : vector<16xi32>
            %eq3A_116 = arith.constant 1 : i32
            %eq3A_117 = vector.broadcast %eq3A_116 : i32 to vector<16xi32>
            %eq3A_118 = arith.cmpi eq, %iota3A, %eq3A_117 : vector<16xi32>
            %eq3A_119 = arith.constant 2 : i32
            %eq3A_120 = vector.broadcast %eq3A_119 : i32 to vector<16xi32>
            %eq3A_121 = arith.cmpi eq, %iota3A, %eq3A_120 : vector<16xi32>
            %eq3A_122 = arith.constant 3 : i32
            %eq3A_123 = vector.broadcast %eq3A_122 : i32 to vector<16xi32>
            %eq3A_124 = arith.cmpi eq, %iota3A, %eq3A_123 : vector<16xi32>
            %eq3A_125 = arith.constant 4 : i32
            %eq3A_126 = vector.broadcast %eq3A_125 : i32 to vector<16xi32>
            %eq3A_127 = arith.cmpi eq, %iota3A, %eq3A_126 : vector<16xi32>
            %eq3A_128 = arith.constant 5 : i32
            %eq3A_129 = vector.broadcast %eq3A_128 : i32 to vector<16xi32>
            %eq3A_130 = arith.cmpi eq, %iota3A, %eq3A_129 : vector<16xi32>
            %jit3A_131 = arith.constant 0.000000e+00 : f32
            %broadcast_in_dim3A_132 = vector.broadcast %jit3A_131 : f32 to vector<16xf32>
            %select_n3A_133 = arith.select %eq3A_130, %gather3A_112, %broadcast_in_dim3A_132 : vector<16xi1>, vector<16xf32>
            %broadcast_in_dim3A_134 = vector.broadcast %reduce_max3A_96 : f32 to vector<16xf32>
            %select_n3A_135 = arith.select %eq3A_127, %broadcast_in_dim3A_134, %select_n3A_133 : vector<16xi1>, vector<16xf32>
            %select_n3A_136 = arith.select %eq3A_124, %gather3A_111, %select_n3A_135 : vector<16xi1>, vector<16xf32>
            %select_n3A_137 = arith.select %eq3A_121, %gather3A_110, %select_n3A_136 : vector<16xi1>, vector<16xf32>
            %select_n3A_138 = arith.select %eq3A_118, %gather3A_109, %select_n3A_137 : vector<16xi1>, vector<16xf32>
            %select_n3A_139 = arith.select %eq3A_115, %gather3A, %select_n3A_138 : vector<16xi1>, vector<16xf32>
            %jit3A_140 = arith.constant 0.000000e+00 : f32
            %broadcast_in_dim3A_141 = vector.broadcast %jit3A_140 : f32 to vector<16xf32>
            %select_n3A_142 = arith.select %gt3A_98, %select_n3A_139, %broadcast_in_dim3A_141 : vector<16xf32>
            %mul3A_143 = arith.constant 8 : i32
            %mul3A_144 = arith.muli %while3A_89, %mul3A_143 : i32
            %add3A_145 = vector.broadcast %mul3A_144 : i32 to vector<16xi32>
            %add3A_146 = arith.addi %add3A_145, %iota3A : vector<16xi32>
            %lt3A_147 = arith.constant 8 : i32
            %lt3A_148 = vector.broadcast %lt3A_147 : i32 to vector<16xi32>
            %lt3A_149 = arith.cmpi slt, %iota3A, %lt3A_148 : vector<16xi32>
            tpu.vector_store_idx %arg28[%add3A_146], %select_n3A_142 masked %lt3A_149 : memref<2400xf32, #tpu.memory_space<vmem>>[vector<16xi32>], vector<16xf32>, vector<16xi1>
            %broadcast_in_dim3A_150 = vector.broadcast %while3A_92 : i32 to vector<16xi32>
            %eq3A_151 = arith.constant 0 : i32
            %eq3A_152 = vector.broadcast %eq3A_151 : i32 to vector<16xi32>
            %eq3A_153 = arith.cmpi eq, %iota3A, %eq3A_152 : vector<16xi32>
            %and3A = vector.broadcast %gt3A_98 : i1 to vector<16xi1>
            %and3A_154 = arith.andi %and3A, %eq3A_153 : vector<16xi1>
            tpu.vector_store_idx %arg27[%broadcast_in_dim3A_150], %broadcast_in_dim3A_108 masked %and3A_154 : memref<304xi32, #tpu.memory_space<vmem>>[vector<16xi32>], vector<16xi32>, vector<16xi1>
            %jit3A_155 = arith.constant 1 : i32
            %jit3A_156 = arith.constant 0 : i32
            %select_n3A_157 = arith.select %gt3A_98, %jit3A_155, %jit3A_156 : i32
            %add3A_158 = arith.addi %while3A_92, %select_n3A_157 : i32
            %gather3A_159 = tpu.vector_load_idx %arg15[%broadcast_in_dim3A_108] : memref<5024xf32, #tpu.memory_space<vmem>>[vector<16xi32>], vector<16xf32>,
            %gather3A_160 = tpu.vector_load_idx %arg16[%broadcast_in_dim3A_108] : memref<5024xf32, #tpu.memory_space<vmem>>[vector<16xi32>], vector<16xf32>,
            %gather3A_161 = tpu.vector_load_idx %arg17[%broadcast_in_dim3A_108] : memref<5024xf32, #tpu.memory_space<vmem>>[vector<16xi32>], vector<16xf32>,
            %gather3A_162 = tpu.vector_load_idx %arg18[%broadcast_in_dim3A_108] : memref<5024xf32, #tpu.memory_space<vmem>>[vector<16xi32>], vector<16xf32>,
            %gather3A_163 = tpu.vector_load_idx %arg19[%broadcast_in_dim3A_108] : memref<5024xf32, #tpu.memory_space<vmem>>[vector<16xi32>], vector<16xf32>,
            %scan3A_164 = arith.constant 0 : i32
            %scan3A_165 = arith.constant 157 : i32
            %scan3A_166 = arith.addi %scan3A_164, %scan3A_165 : i32
            %scan3A_167 = arith.constant 1 : i32
            %scan3A_168:2 = scf.for %scan3A_172 = %scan3A_164 to %scan3A_166 step %scan3A_167 iter_args(%scan3A_173 = %broadcast_in_dim3A_3, %scan3A_174 = %broadcast_in_dim3A_5) -> (vector<16xf32>, vector<16xi32>)  : i32 {
              %mul3A_175 = arith.constant 2 : i32
              %mul3A_176 = arith.muli %mul3A_175, %scan3A_172 : i32
              %add3A_177 = arith.constant 0 : i32
              %add3A_178 = arith.addi %mul3A_176, %add3A_177 : i32
              %mul3A_179 = arith.constant 16 : i32
              %mul3A_180 = arith.muli %add3A_178, %mul3A_179 : i32
              %get3A = arith.index_cast %mul3A_180 : i32 to index
              %get3A_181 = tpu.vector_load %arg13[%get3A] {strides = array<i32>} : memref<5024xf32, #tpu.memory_space<vmem>>, vector<16xf32>,
              %get3A_182 = arith.index_cast %mul3A_180 : i32 to index
              %get3A_183 = tpu.vector_load %arg15[%get3A_182] {strides = array<i32>} : memref<5024xf32, #tpu.memory_space<vmem>>, vector<16xf32>,
              %max3A = arith.maximumf %gather3A_159, %get3A_183 : vector<16xf32>
              %get3A_184 = arith.index_cast %mul3A_180 : i32 to index
              %get3A_185 = tpu.vector_load %arg16[%get3A_184] {strides = array<i32>} : memref<5024xf32, #tpu.memory_space<vmem>>, vector<16xf32>,
              %max3A_186 = arith.maximumf %gather3A_160, %get3A_185 : vector<16xf32>
              %get3A_187 = arith.index_cast %mul3A_180 : i32 to index
              %get3A_188 = tpu.vector_load %arg17[%get3A_187] {strides = array<i32>} : memref<5024xf32, #tpu.memory_space<vmem>>, vector<16xf32>,
              %min3A = arith.minimumf %gather3A_161, %get3A_188 : vector<16xf32>
              %get3A_189 = arith.index_cast %mul3A_180 : i32 to index
              %get3A_190 = tpu.vector_load %arg18[%get3A_189] {strides = array<i32>} : memref<5024xf32, #tpu.memory_space<vmem>>, vector<16xf32>,
              %min3A_191 = arith.minimumf %gather3A_162, %get3A_190 : vector<16xf32>
              %sub3A = arith.subf %min3A, %max3A : vector<16xf32>
              %max3A_192 = arith.constant 0.000000e+00 : f32
              %max3A_193 = vector.broadcast %max3A_192 : f32 to vector<16xf32>
              %max3A_194 = arith.maximumf %sub3A, %max3A_193 : vector<16xf32>
              %sub3A_195 = arith.subf %min3A_191, %max3A_186 : vector<16xf32>
              %max3A_196 = arith.constant 0.000000e+00 : f32
              %max3A_197 = vector.broadcast %max3A_196 : f32 to vector<16xf32>
              %max3A_198 = arith.maximumf %sub3A_195, %max3A_197 : vector<16xf32>
              %mul3A_199 = arith.mulf %max3A_194, %max3A_198 : vector<16xf32>
              %get3A_200 = arith.index_cast %mul3A_180 : i32 to index
              %get3A_201 = tpu.vector_load %arg19[%get3A_200] {strides = array<i32>} : memref<5024xf32, #tpu.memory_space<vmem>>, vector<16xf32>,
              %add3A_202 = arith.addf %gather3A_163, %get3A_201 : vector<16xf32>
              %sub3A_203 = arith.subf %add3A_202, %mul3A_199 : vector<16xf32>
              %add3A_204 = arith.constant 9.99999971E-10 : f32
              %add3A_205 = vector.broadcast %add3A_204 : f32 to vector<16xf32>
              %add3A_206 = arith.addf %sub3A_203, %add3A_205 : vector<16xf32>
              %div3A = arith.divf %mul3A_199, %add3A_206 : vector<16xf32>
              %gt3A_207 = arith.constant 6.000000e-01 : f32
              %gt3A_208 = vector.broadcast %gt3A_207 : f32 to vector<16xf32>
              %gt3A_209 = arith.cmpf ogt, %div3A, %gt3A_208 : vector<16xf32>
              %jit3A_210 = arith.constant 0xFF800000 : f32
              %broadcast_in_dim3A_211 = vector.broadcast %jit3A_210 : f32 to vector<16xf32>
              %select_n3A_212 = arith.select %gt3A_209, %broadcast_in_dim3A_211, %get3A_181 : vector<16xi1>, vector<16xf32>
              %swap3A = arith.index_cast %mul3A_180 : i32 to index
              %swap3A_213 = tpu.vector_load %arg13[%swap3A] {strides = array<i32>} : memref<5024xf32, #tpu.memory_space<vmem>>, vector<16xf32>,
              tpu.vector_store %arg13[%swap3A], %select_n3A_212 {strides = array<i32>} : memref<5024xf32, #tpu.memory_space<vmem>>, vector<16xf32>,
              %gt3A_214 = arith.cmpf ogt, %select_n3A_212, %scan3A_173 : vector<16xf32>
              %select_n3A_215 = arith.select %gt3A_214, %select_n3A_212, %scan3A_173 : vector<16xi1>, vector<16xf32>
              %add3A_216 = vector.broadcast %mul3A_180 : i32 to vector<16xi32>
              %add3A_217 = arith.addi %add3A_216, %iota3A : vector<16xi32>
              %select_n3A_218 = arith.select %gt3A_214, %add3A_217, %scan3A_174 : vector<16xi1>, vector<16xi32>
              %mul3A_219 = arith.constant 2 : i32
              %mul3A_220 = arith.muli %mul3A_219, %scan3A_172 : i32
              %add3A_221 = arith.constant 1 : i32
              %add3A_222 = arith.addi %mul3A_220, %add3A_221 : i32
              %mul3A_223 = arith.constant 16 : i32
              %mul3A_224 = arith.muli %add3A_222, %mul3A_223 : i32
              %get3A_225 = arith.index_cast %mul3A_224 : i32 to index
              %get3A_226 = tpu.vector_load %arg13[%get3A_225] {strides = array<i32>} : memref<5024xf32, #tpu.memory_space<vmem>>, vector<16xf32>,
              %get3A_227 = arith.index_cast %mul3A_224 : i32 to index
              %get3A_228 = tpu.vector_load %arg15[%get3A_227] {strides = array<i32>} : memref<5024xf32, #tpu.memory_space<vmem>>, vector<16xf32>,
              %max3A_229 = arith.maximumf %gather3A_159, %get3A_228 : vector<16xf32>
              %get3A_230 = arith.index_cast %mul3A_224 : i32 to index
              %get3A_231 = tpu.vector_load %arg16[%get3A_230] {strides = array<i32>} : memref<5024xf32, #tpu.memory_space<vmem>>, vector<16xf32>,
              %max3A_232 = arith.maximumf %gather3A_160, %get3A_231 : vector<16xf32>
              %get3A_233 = arith.index_cast %mul3A_224 : i32 to index
              %get3A_234 = tpu.vector_load %arg17[%get3A_233] {strides = array<i32>} : memref<5024xf32, #tpu.memory_space<vmem>>, vector<16xf32>,
              %min3A_235 = arith.minimumf %gather3A_161, %get3A_234 : vector<16xf32>
              %get3A_236 = arith.index_cast %mul3A_224 : i32 to index
              %get3A_237 = tpu.vector_load %arg18[%get3A_236] {strides = array<i32>} : memref<5024xf32, #tpu.memory_space<vmem>>, vector<16xf32>,
              %min3A_238 = arith.minimumf %gather3A_162, %get3A_237 : vector<16xf32>
              %sub3A_239 = arith.subf %min3A_235, %max3A_229 : vector<16xf32>
              %max3A_240 = arith.constant 0.000000e+00 : f32
              %max3A_241 = vector.broadcast %max3A_240 : f32 to vector<16xf32>
              %max3A_242 = arith.maximumf %sub3A_239, %max3A_241 : vector<16xf32>
              %sub3A_243 = arith.subf %min3A_238, %max3A_232 : vector<16xf32>
              %max3A_244 = arith.constant 0.000000e+00 : f32
              %max3A_245 = vector.broadcast %max3A_244 : f32 to vector<16xf32>
              %max3A_246 = arith.maximumf %sub3A_243, %max3A_245 : vector<16xf32>
              %mul3A_247 = arith.mulf %max3A_242, %max3A_246 : vector<16xf32>
              %get3A_248 = arith.index_cast %mul3A_224 : i32 to index
              %get3A_249 = tpu.vector_load %arg19[%get3A_248] {strides = array<i32>} : memref<5024xf32, #tpu.memory_space<vmem>>, vector<16xf32>,
              %add3A_250 = arith.addf %gather3A_163, %get3A_249 : vector<16xf32>
              %sub3A_251 = arith.subf %add3A_250, %mul3A_247 : vector<16xf32>
              %add3A_252 = arith.constant 9.99999971E-10 : f32
              %add3A_253 = vector.broadcast %add3A_252 : f32 to vector<16xf32>
              %add3A_254 = arith.addf %sub3A_251, %add3A_253 : vector<16xf32>
              %div3A_255 = arith.divf %mul3A_247, %add3A_254 : vector<16xf32>
              %gt3A_256 = arith.constant 6.000000e-01 : f32
              %gt3A_257 = vector.broadcast %gt3A_256 : f32 to vector<16xf32>
              %gt3A_258 = arith.cmpf ogt, %div3A_255, %gt3A_257 : vector<16xf32>
              %jit3A_259 = arith.constant 0xFF800000 : f32
              %broadcast_in_dim3A_260 = vector.broadcast %jit3A_259 : f32 to vector<16xf32>
              %select_n3A_261 = arith.select %gt3A_258, %broadcast_in_dim3A_260, %get3A_226 : vector<16xi1>, vector<16xf32>
              %swap3A_262 = arith.index_cast %mul3A_224 : i32 to index
              %swap3A_263 = tpu.vector_load %arg13[%swap3A_262] {strides = array<i32>} : memref<5024xf32, #tpu.memory_space<vmem>>, vector<16xf32>,
              tpu.vector_store %arg13[%swap3A_262], %select_n3A_261 {strides = array<i32>} : memref<5024xf32, #tpu.memory_space<vmem>>, vector<16xf32>,
              %gt3A_264 = arith.cmpf ogt, %select_n3A_261, %select_n3A_215 : vector<16xf32>
              %select_n3A_265 = arith.select %gt3A_264, %select_n3A_261, %select_n3A_215 : vector<16xi1>, vector<16xf32>
              %add3A_266 = vector.broadcast %mul3A_224 : i32 to vector<16xi32>
              %add3A_267 = arith.addi %add3A_266, %iota3A : vector<16xi32>
              %select_n3A_268 = arith.select %gt3A_264, %add3A_267, %select_n3A_218 : vector<16xi1>, vector<16xi32>
              scf.yield %select_n3A_265, %select_n3A_268 : vector<16xf32>, vector<16xi32>
            }
            %scan3A_169 = arith.constant 157 : i32
            %add3A_170 = arith.constant 1 : i32
            %add3A_171 = arith.addi %while3A_89, %add3A_170 : i32
            scf.yield %add3A_171, %scan3A_168#0, %scan3A_168#1, %add3A_158 : i32, vector<16xf32>, vector<16xi32>, i32
          }
          scf.yield %while3A_88#0, %while3A_88#1, %while3A_88#2, %while3A_88#3 : i32, vector<16xf32>, vector<16xi32>, i32
        } else {
          scf.yield %while3A_64#0, %while3A_64#1, %while3A_64#2, %while3A_64#3 : i32, vector<16xf32>, vector<16xi32>, i32
        }
        scf.yield %cond3A_71#0, %cond3A_71#1, %cond3A_71#2, %cond3A_71#3 : i32, vector<16xf32>, vector<16xi32>, i32
      }
      "tpu.region"() ({
        %run_scoped3A = tpu.sem_alloc : memref<!tpu.dma_semaphore, #tpu.memory_space<semaphore_mem>>
        %dma_start3A = arith.constant 0 : i32
        %dma_start3A_63 = tpu.memref_slice %arg8[%add3A, %dma_start3A] : memref<4x2400xf32, #tpu.memory_space<hbm>> -> memref<1x2400xf32, #tpu.memory_space<hbm>>
        %dma_start3A_64 = tpu.memref_squeeze %dma_start3A_63 : memref<1x2400xf32, #tpu.memory_space<hbm>> -> memref<2400xf32, #tpu.memory_space<hbm>>
        %dma_start3A_65 = arith.constant 0 : i32
        %dma_start3A_66 = tpu.memref_slice %arg8[%add3A, %dma_start3A_65] : memref<4x2400xf32, #tpu.memory_space<hbm>> -> memref<1x2400xf32, #tpu.memory_space<hbm>>
        %dma_start3A_67 = tpu.memref_squeeze %dma_start3A_66 : memref<1x2400xf32, #tpu.memory_space<hbm>> -> memref<2400xf32, #tpu.memory_space<hbm>>
        tpu.enqueue_dma source(%arg28 : memref<2400xf32, #tpu.memory_space<vmem>>) target(%dma_start3A_67 : memref<2400xf32, #tpu.memory_space<hbm>>) target_semaphore(%run_scoped3A : memref<!tpu.dma_semaphore, #tpu.memory_space<semaphore_mem>>)
        %dma_wait3A = arith.constant 0 : i32
        %dma_wait3A_68 = tpu.memref_slice %arg8[%add3A, %dma_wait3A] : memref<4x2400xf32, #tpu.memory_space<hbm>> -> memref<1x2400xf32, #tpu.memory_space<hbm>>
        %dma_wait3A_69 = tpu.memref_squeeze %dma_wait3A_68 : memref<1x2400xf32, #tpu.memory_space<hbm>> -> memref<2400xf32, #tpu.memory_space<hbm>>
        %dma_wait3A_70 = arith.constant 0 : i32
        %dma_wait3A_71 = tpu.memref_slice %arg8[%add3A, %dma_wait3A_70] : memref<4x2400xf32, #tpu.memory_space<hbm>> -> memref<1x2400xf32, #tpu.memory_space<hbm>>
        %dma_wait3A_72 = tpu.memref_squeeze %dma_wait3A_71 : memref<1x2400xf32, #tpu.memory_space<hbm>> -> memref<2400xf32, #tpu.memory_space<hbm>>
        tpu.wait_dma2 semaphore(%run_scoped3A : memref<!tpu.dma_semaphore, #tpu.memory_space<semaphore_mem>>) src(%arg28 : memref<2400xf32, #tpu.memory_space<vmem>>) dst(%dma_wait3A_72 : memref<2400xf32, #tpu.memory_space<hbm>>)
        tpu.yield
      }) : () -> ()
    } else {
    }
    return
  }
}

</mosaic_0001>

<sc_bundles>
// kernel: kernel.3.cloned.1.call-start
scs
__scs_entry_jumppad:
0x0: {  	(pc) =	sbr.rel $0x88, $3  }
0x1: {  	(tag) =	ssettag $0x0;
	lr =	simm.s32 $0x1  }
0x2: {  	[smem:$0x3F9E] =	sst lr;
	_ =	strace $0xD0000000  }
0x3: {  	_ = 	snop  }
0x4: {  	_ = 	snop  }
0x5: {  	_ = 	snop  }
0x6: {  	_ = 	snop  }
0x7: {  	_ = 	snop  }
__scs_overlays_trampoline_lowered:
0x8: {  	[smem:$0x3FAD] =	sst s0  }
0x9: {  	[smem:$0x3FAE] =	sst s1  }
0xa: {  	[smem:$0x3FAF] =	sst s2  }
0xb: {  	[smem:$0x3FB0] =	sst s3  }
0xc: {  	[smem:$0x3FB1] =	sst s4  }
0xd: {  	[smem:$0x3FB2] =	sst s5  }
0xe: {  	[smem:$0x3FB3] =	sst s6  }
0xf: {  	[smem:$0x3FB4] =	sst s7  }
0x10: {  	[smem:$0x3FB5] =	sst s8  }
0x11: {  	[smem:$0x3FB6] =	sst s9;
	s0 =	simm.s32 @!p0 $0x0  }
0x12: {  	s1 =	sld [smem:$0x3F9C];
	s0 =	simm.s32 @p0 $0x1  }
0x13: {  	[smem:$0x3FB7] =	sst s0;
	s0 =	simm.s32 @!p1 $0x0  }
0x14: {  	s2 =	sld [smem:$0x3F9B];
	s0 =	simm.s32 @p1 $0x1  }
0x15: {  	[smem:$0x3FB8] =	sst s0;
	s0 =	simm.s32 @!p2 $0x0  }
0x16: {  	s3 =	sld [smem:$0x3FDB];
	s0 =	simm.s32 @p2 $0x1  }
0x17: {  	s4 =	simm.s32 $0x1BF5;
	[smem:$0x3FBA] =	sst s0  }
0x18: {  	s0 =	sld [smem:$0x3F9D];
	_ =	swait.ge [sflag:s4], $0x0  }
0x19: {  	s7 =	sld [smem:$0x3F9E]  }
0x1a: {  	s8 =	sadd.s32 $0xFFFFE003, lr  }
0x1b: {  	s9 =	sadd.s32 $0xFFFFFEF7, lr;
	s5 =	simm.s32 $0xFFFFFFFF;
	p2 =	slt.u32 s8, $0xFFFFF086  }
0x1c: {  	p1 =	slt.u32 s9, $0xF7A;
	s5 =	simm.s32 @!p2 $0x0  }
0x1d: {  	s5 =	simm.s32 @p1 $0x1;
	p0 =	seq.s32 s7, s2  }
0x1e: {  	s7 =	smul.u32 @!p0 $0xF7A, s2;
	p2 =	seq.s32 @!p0 s5, $0x0  }
0x1f: {  	s9 =	smul.u32 $0xF7A, s1;
	s8 =	simm.s32 @!p0 $0x1BF5;
	p2 =	por !p2, p0  }
0x20: {  	[sflag:s8] =	ssyncset.s32 @!p0 $0xFFFFF086;
	s6 =	sadd.s32 @!p0 s3, s7;
	s7 =	simm.s32 @!p0 $0x108  }
0x21: {  	s3 =	sadd.s32 s3, s9;
	s6 =	sadd.s32 @!p0 $0x88, s6;
	s7 =	simm.s32 @p2 $0x1082  }
0x22: {  	[simem:s7], [sflag:s8] =	dma.local @!p0 [hbm:s6], $0xF7A  }
0x23: {  	s9 =	sor.u32 $0xD0000000, s2;
	s6 =	simm.s32 $0x108;
	_ =	swait.ge @!p0 [sflag:s8], $0x0  }
0x24: {  	s3 =	sadd.s32 $0x88, s3;
	s6 =	simm.s32 @!p1 $0x1082;
	[sflag:s4] =	ssyncset.s32 $0xFFFFF086  }
0x25: {  	[simem:s6], [sflag:s4] =	dma.local [hbm:s3], $0xF7A  }
0x26: {  	[smem:$0x3F9E] =	sst s1;
	(tag) =	ssettag s2;
	_ =	strace s9  }
0x27: {  	s1 =	sld [smem:$0x3FAE]  }
0x28: {  	s2 =	sld [smem:$0x3FAF]  }
0x29: {  	s4 =	sld [smem:$0x3FB1]  }
0x2a: {  	p0 =	seq.s32 s5, $0x0;
	s5 =	sld [smem:$0x3FB2]  }
0x2b: {  	s6 =	sld [smem:$0x3FB3]  }
0x2c: {  	s7 =	sld [smem:$0x3FB4]  }
0x2d: {  	s3 =	simm.s32 $0x108;
	s8 =	sld [smem:$0x3FB5]  }
0x2e: {  	s3 =	simm.s32 @!p0 $0x1082;
	s9 =	sld [smem:$0x3FB6]  }
0x2f: {  	lr =	sadd.s32 s0, s3;
	s0 =	sld [smem:$0x3FAD]  }
0x30: {  	s3 =	sld [smem:$0x3FB0]  }
0x31: {  	[smem:$0x3FB9] =	sst s10  }
0x32: {  	s10 =	sld [smem:$0x3FB7];
	_ =	sdelay $0x3  }
0x33: {  	p0 =	seq.s32 s10, $0x1;
	s10 =	sld [smem:$0x3FB9];
	_ =	sdelay $0x3  }
0x34: {  	[smem:$0x3FB9] =	sst s10  }
0x35: {  	s10 =	sld [smem:$0x3FB8];
	_ =	sdelay $0x3  }
0x36: {  	p1 =	seq.s32 s10, $0x1;
	s10 =	sld [smem:$0x3FB9];
	_ =	sdelay $0x3  }
0x37: {  	[smem:$0x3FB9] =	sst s10  }
0x38: {  	s10 =	sld [smem:$0x3FBA]  }
0x39: {  	_ = 	snop;
	(pc) =	sbr.ind lr, $3  }
0x3a: {  	_ = 	snop  }
0x3b: {  	_ = 	snop  }
0x3c: {  	p2 =	seq.s32 s10, $0x1;
	s10 =	sld [smem:$0x3FB9]  }
0x3d: {  	_ =	shalt  }
0x3e: {  	_ =	shalt  }
0x3f: {  	_ =	shalt  }
0x40: {  	_ =	shalt  }
0x41: {  	_ =	shalt  }
0x42: {  	_ =	shalt  }
0x43: {  	_ =	shalt  }
0x44: {  	_ =	shalt  }
0x45: {  	_ =	shalt  }
0x46: {  	_ =	shalt  }
0x47: {  	_ =	shalt  }
0x48: {  	_ =	shalt  }
0x49: {  	_ =	shalt  }
0x4a: {  	_ =	shalt  }
0x4b: {  	_ =	shalt  }
0x4c: {  	_ =	shalt  }
0x4d: {  	_ =	shalt  }
0x4e: {  	_ =	shalt  }
0x4f: {  	_ =	shalt  }
0x50: {  	_ =	shalt  }
0x51: {  	_ =	shalt  }
0x52: {  	_ =	shalt  }
0x53: {  	_ =	shalt  }
0x54: {  	_ =	shalt  }
0x55: {  	_ =	shalt  }
0x56: {  	_ =	shalt  }
0x57: {  	_ =	shalt  }
0x58: {  	_ =	shalt  }
0x59: {  	_ =	shalt  }
0x5a: {  	_ =	shalt  }
0x5b: {  	_ =	shalt  }
0x5c: {  	_ =	shalt  }
0x5d: {  	_ =	shalt  }
0x5e: {  	_ =	shalt  }
0x5f: {  	_ =	shalt  }
0x60: {  	_ =	shalt  }
0x61: {  	_ =	shalt  }
0x62: {  	_ =	shalt  }
0x63: {  	_ =	shalt  }
0x64: {  	_ =	shalt  }
0x65: {  	_ =	shalt  }
0x66: {  	_ =	shalt  }
0x67: {  	_ =	shalt  }
0x68: {  	_ =	shalt  }
0x69: {  	_ =	shalt  }
0x6a: {  	_ =	shalt  }
0x6b: {  	_ =	shalt  }
0x6c: {  	_ =	shalt  }
0x6d: {  	_ =	shalt  }
0x6e: {  	_ =	shalt  }
0x6f: {  	_ =	shalt  }
0x70: {  	_ =	shalt  }
0x71: {  	_ =	shalt  }
0x72: {  	_ =	shalt  }
0x73: {  	_ =	shalt  }
0x74: {  	_ =	shalt  }
0x75: {  	_ =	shalt  }
0x76: {  	_ =	shalt  }
0x77: {  	_ =	shalt  }
0x78: {  	_ =	shalt  }
0x79: {  	_ =	shalt  }
0x7a: {  	_ =	shalt  }
0x7b: {  	_ =	shalt  }
0x7c: {  	_ =	shalt  }
0x7d: {  	_ =	shalt  }
0x7e: {  	_ =	shalt  }
0x7f: {  	_ =	shalt  }
0x80: {  	_ =	shalt  }
0x81: {  	_ =	shalt  }
0x82: {  	_ =	shalt  }
0x83: {  	_ =	shalt  }
0x84: {  	_ =	shalt  }
0x85: {  	_ =	shalt  }
0x86: {  	_ =	shalt  }
0x87: {  	_ =	shalt  }
.Lfunc_end0:
.L_simem_size_0:
called_computation_lowered:
.L_overlay_start_0:
0x88: {  	s2 =	sld [smem:$0x3FD9]  }
0x89: {  	s3 =	sld [smem:$0x3FFE];
	_ =	sdelay $0x1  }
0x8a: {  	s1 =	srdreg.scid  }
0x8b: {  	s0 =	sand.u32 $0x1, s1  }
0x8c: {  	s16 =	sshll.u32 s0, $0xA;
	s2 =	sadd.s32 s3, s2  }
0x8d: {  	s2 =	sadd.s32 s2, s16  }
0x8e: {  	[smem:$0x3FC5] =	sst s2  }
0x8f: {  	_ = 	snop  }
0x90: {  	(tm) =	ssettm $0x1  }
0x91: {  	s17 =	sld [smem:$0x3FFB];
	_ =	sdelay $0x3  }
0x92: {  	_ =	strace s17  }
0x93: {  	s2 =	sld [smem:$0x3FFC];
	_ =	sdelay $0x3  }
0x94: {  	_ =	strace s2  }
0x95: {  	s2 =	sld [smem:$0x3FFD];
	_ =	sdelay $0x3  }
0x96: {  	_ =	strace s2  }
0x97: {  	_ =	strace $0x8FFFFFFF  }
0x98: {  	s18 =	sld [smem:$0x3FDB];
	_ =	sdelay $0x1  }
0x99: {  	s19 =	simm.s32 $_scs_section_size  }
0x9a: {  	s4 =	simm.s32 $_size__tile_overlayer_lowered;
	s5 =	simm.s32 $_tile_overlayer_lowered  }
0x9b: {  	s22 =	simm.s32 $0x1BFF;
	s21 =	sshll.u32 s5, $0x1;
	s2 =	sadd.s32 s19, s18  }
0x9c: {  	s6 =	simm.s32 $0x0;
	s20 =	sshll.u32 s4, $0x1;
	s4 =	sadd.s32 s21, s2  }
0x9d: {  	[timem:s6], [sflag:s22] =	dma.local [hbm:s4], s20  }
0x9e: {  	_ =	swait.ge [sflag:s22], s20  }
0x9f: {  	s3 =	ssub.s32 $0x0, s20;
	[sflag:s22] =	ssyncset.done $0x0  }
0xa0: {  	[sflag:s22] =	ssyncadd.s32 s3;
	_ =	sdelay $0x1  }
0xa1: {  	s23 =	simm.s32 $0x1B8B  }
0xa2: {  	_ =	swait.ge [sflag:s23], $0x1  }
0xa3: {  	[sflag:s23] =	ssyncset.done $0x0  }
0xa4: {  	s25 =	simm.s32 $0x1B8E;
	s24 =	sld [smem:$0x3FFE];
	[sflag:s23] =	ssyncadd.s32 $0xFFFFFFFF  }
0xa5: {  	s26 =	simm.s32 $execute0_lowered;
	[smem:$0x3FD2] =	sst s25  }
0xa6: {  	s4 =	sshll.u32 s26, $0x1;
	_ =	strace $0x80000046;
	[dreg:$0x1] =	wrdreg $0xFFFFFFFF  }
0xa7: {  	s28 =	simm.s32 $_size_execute0_lowered;
	s2 =	sadd.s32 s2, s4;
	[dreg:$0x0] =	wrdreg $0x0  }
0xa8: {  	s4 =	sshll.u32 s28, $0x1;
	[dreg:$0x2] =	wrdreg s2  }
0xa9: {  	[dreg:$0x3] =	wrdreg s4  }
0xaa: {  	[dreg:$0x4] =	wrdreg $0xC0  }
0xab: {  	_ =	task [dreg:s6], $0x5FFFF  }
0xac: {  	[dreg:$0x1] =	wrdreg $0xFFFFFFFF  }
0xad: {  	[dreg:$0x0] =	wrdreg $0x60  }
0xae: {  	[dreg:$0x2] =	wrdreg s24  }
0xaf: {  	[dreg:$0x3] =	wrdreg $0x9  }
0xb0: {  	_ =	task.clear_ibuf [dreg:s6], $0x4FFFF;
	_ =	strace $0x90000046  }
0xb1: {  	s29 =	simm.s32 $0x9;
	_ =	strace $0x80000048  }
0xb2: {  	_ =	swait.ge [sflag:s29], $0x1  }
0xb3: {  	[sflag:s29] =	ssyncadd.s32 $0xFFFFFFFF  }
0xb4: {  	_ =	strace $0x90000048  }
0xb5: {  	_ =	sfence  }
0xb6: {  	s30 =	sld [smem:$0x0];
	_ =	sdelay $0x2  }
0xb7: {  	s31 =	sshll.u32 s1, $0xD;
	s1 =	sshrl.u32 s1, $0x2  }
0xb8: {  	s3 =	sand.u32 $0x4000, s31;
	s1 =	sadd.s32 s1, s30  }
0xb9: {  	s0 =	sor.u32 s3, s0;
	s1 =	sshll.u32 s1, $0x11  }
0xba: {  	s0 =	sor.u32 s1, s0  }
0xbb: {  	s0 =	sadd.s32 $0x8F2B, s0  }
0xbc: {  	[sflag:s0] =	ssyncadd.remote.s32 $0x1  }
0xbd: {  	_ =	sfence.sel $0xFFFF  }
0xbe: {  	[dreg:$0x0] =	wrdreg $0xFFFFFFFF;
	(pc) =	sbr.abs _section_cstart, $3  }
0xbf: {  	[dreg:$0x1] =	wrdreg $0xFFFFFFFF  }
0xc0: {  	_ =	task.clear_ibuf [dreg:s6], $0x2FFFF;
	_ =	strace $0x9FFFFFFF  }
0xc1: {  	(tm) =	ssettm $0x7FFFFFFF  }
tec
execute0_lowered:
.L_overlay_start_1:
0x0: {  	(tag) =	ssettag $0x1  }
0x1: {  	s1 =	stileid.u32  }
0x2: {  	p0 =	sgt.u32 s1, $0x1  }
.Ltmp0:
0x3: {  	_ = 	snop;
	(pc) =	sbr.rel @p0 .LBB2_37-.Ltmp0, $4  }
0x4: {  	_ = 	snop  }
0x5: {  	s2 =	simm.s32 $0x0  }
0x6: {  	[smem:$0x7FF] =	sst s2  }
0x7: {  	s0 =	rddreg [dreg:$0x0];
	_ =	strace $0x80000047  }
0x8: {  	s1 =	srdreg.scid  }
0x9: {  	s3 =	stileid.u32;
	s19 =	sadd.s32 $0x3E00, s0;
	s11 =	simm.s32 $0x80  }
0xa: {  	s12 =	simm.s32 $0x200;
	s13 =	simm.s32 $0x1;
	s14 =	simm.s32 $0x1400  }
0xb: {  	s15 =	simm.s32 $0x2800;
	s16 =	simm.s32 $0x3C00;
	s18 =	simm.s32 $0x6400  }
0xc: {  	s28 =	simm.s32 $0xED80;
	s29 =	simm.s32 $0x7800;
	s1 =	sand.u32 $0x1, s1  }
0xd: {  	s30 =	simm.s32 $0x8C00;
	s3 =	sshll.u32 s3, $0x5;
	s4 =	sshll.u32 s1, $0x4  }
0xe: {  	s31 =	simm.s32 $0xA000;
	s1 =	ssub.s32 $0x2, s1;
	s3 =	sor.u32 s4, s3  }
0xf: {  	s24 =	sshrl.u32 s1, $0x1;
	s20 =	sadd.s32 s3, s0;
	s26 =	sadd.s32 s19, s3  }
0x10: {  	s25 =	ssub.s32 s1, s24;
	s5 =	sadd.s32 $0x3400, s20;
	[dreg:$0x8] =	wrdreg s26  }
0x11: {  	s19 =	simm.s32 $0xE880;
	s21 =	sadd.s32 $0x2A00, s20;
	[dreg:$0x2] =	wrdreg s5  }
0x12: {  	s24 =	simm.s32 $0xE600;
	s22 =	sadd.s32 $0x2000, s20;
	[dreg:$0x3] =	wrdreg s21  }
0x13: {  	s1 =	simm.s32 $0xC800;
	s23 =	sadd.s32 $0xC00, s20;
	[dreg:$0x4] =	wrdreg s22  }
.Ltmp1:
0x14: {  	s6 =	sadd.s32 $0x1600, s20;
	[dreg:$0x5] =	wrdreg s23;
	(pc) =	sbr.rel .LBB2_2-.Ltmp1, $4  }
0x15: {  	v0 =	vimm.s32 $0x0;
	v1 =	vimm.f32 $0.0e+00;
	v2 =	vimm.f32 $-Inf;
	s0 =	sadd.s32 $0x4800, s20;
	s20 =	simm.s32 $0xDC00;
	[dreg:$0x6] =	wrdreg s6  }
0x16: {  	v3 =	vimm.s32 $0x139F;
	v4 =	vlaneseq.u32;
	vm0 =	vcmask $0x3F18;
	s26 =	simm.s32 $0xEF00;
	[dreg:$0x7] =	wrdreg s0;
	s0 =	smax.u32 s25, $0x1  }
0x17: {  	vm1 =	vcmask $0x3F14;
	vm2 =	vcmask $0x3F10;
	vm3 =	vcmask $0x3F0C;
	s21 =	simm.s32 $0xDE80;
	s22 =	simm.s32 $0xE100;
	s23 =	simm.s32 $0xE380  }
0x18: {  	vm4 =	vcmask $0x3F08;
	vm5 =	vmmov $0x1;
	vm6 =	vmxor vm6, vm6;
	s25 =	simm.s32 $0xEB00;
	[dreg:$0x9] =	wrdreg s0;
	s0 =	simm.s32 $0xB400  }
.LBB2_36:
0x19: {  	s3 =	rddreg [dreg:$0x7]  }
0x1a: {  	[hbm4b:s3+s11] =	stream.strided.scatter [tilespmem:s26], [sflag:$0x1], $0x980, s12, s11, $0x38;
	[tilespmem:$0xF880] =	vst v63  }
0x1b: {  	_ =	swait.ge [sflag:s13], $0x980  }
0x1c: {  	s2 =	sadd.s32 $0x1, s2;
	s17 =	rddreg [dreg:$0x9]  }
0x1d: {  	p0 =	sne.s32 s2, s17  }
.Ltmp2:
0x1e: {  	_ = 	snop;
	(pc) =	sbr.rel @!p0 .LBB2_37-.Ltmp2, $3  }
0x1f: {  	_ =	sdelay $0x1  }
0x20: {  	[sflag:s13] =	ssyncset.done $0x0  }
0x21: {  	[sflag:s13] =	ssyncadd.s32 $0xFFFFF680  }
.LBB2_2:
0x22: {  	s3 =	simm.s32 $0x0;
	s4 =	rddreg [dreg:$0x8]  }
0x23: {  	[tilespmem:s3], [sflag:$0x1] =	stream.strided.gather [hbm4b:s4+s11], $0x1400, s12, s11, $0x38;
	[tilespmem:$0xF880] =	vst v63  }
0x24: {  	_ =	swait.ge [sflag:s13], $0x1400  }
0x25: {  	[sflag:s13] =	ssyncset.done $0x0  }
0x26: {  	s5 =	rddreg [dreg:$0x2];
	[sflag:s13] =	ssyncadd.s32 $0xFFFFEC00  }
0x27: {  	[tilespmem:s14], [sflag:$0x1] =	stream.strided.gather [hbm4b:s5+s11], $0x1400, s12, s11, $0x38;
	[tilespmem:$0xF880] =	vst v63  }
0x28: {  	_ =	swait.ge [sflag:s13], $0x1400  }
0x29: {  	[sflag:s13] =	ssyncset.done $0x0  }
0x2a: {  	s6 =	rddreg [dreg:$0x3];
	[sflag:s13] =	ssyncadd.s32 $0xFFFFEC00  }
0x2b: {  	[tilespmem:s15], [sflag:$0x1] =	stream.strided.gather [hbm4b:s6+s11], $0x1400, s12, s11, $0x38;
	[tilespmem:$0xF880] =	vst v63  }
0x2c: {  	_ =	swait.ge [sflag:s13], $0x1400  }
0x2d: {  	[sflag:s13] =	ssyncset.done $0x0  }
0x2e: {  	s7 =	rddreg [dreg:$0x4];
	[sflag:s13] =	ssyncadd.s32 $0xFFFFEC00  }
0x2f: {  	[tilespmem:s16], [sflag:$0x1] =	stream.strided.gather [hbm4b:s7+s11], $0x1400, s12, s11, $0x38;
	[tilespmem:$0xF880] =	vst v63  }
0x30: {  	_ =	swait.ge [sflag:s13], $0x1400  }
0x31: {  	[sflag:s13] =	ssyncset.done $0x0  }
0x32: {  	s9 =	simm.s32 $0x5000;
	s8 =	rddreg [dreg:$0x5];
	[sflag:s13] =	ssyncadd.s32 $0xFFFFEC00  }
0x33: {  	[tilespmem:s9], [sflag:$0x1] =	stream.strided.gather [hbm4b:s8+s11], $0x1400, s12, s11, $0x38;
	[tilespmem:$0xF880] =	vst v63  }
0x34: {  	_ =	swait.ge [sflag:s13], $0x1400  }
0x35: {  	[sflag:s13] =	ssyncset.done $0x0  }
0x36: {  	s10 =	rddreg [dreg:$0x6];
	[sflag:s13] =	ssyncadd.s32 $0xFFFFEC00  }
0x37: {  	[tilespmem:s18], [sflag:$0x1] =	stream.strided.gather [hbm4b:s10+s11], $0x1400, s12, s11, $0x38;
	[tilespmem:$0xF880] =	vst v63  }
0x38: {  	_ =	swait.ge [sflag:s13], $0x1400  }
0x39: {  	[sflag:s13] =	ssyncset.done $0x0  }
0x3a: {  	s17 =	simm.s32 $0x0;
	[sflag:s13] =	ssyncadd.s32 $0xFFFFEC00  }
0x3b: {  	v5 =	vld [tilespmem:s17+$0x2810]  }
0x3c: {  	v12 =	vld [tilespmem:s17+$0x10]  }
0x3d: {  	v10 =	vld [tilespmem:s17+$0x2800]  }
0x3e: {  	v7 =	vld [tilespmem:s17+$0x0]  }
0x3f: {  	v11 =	vld [tilespmem:s17+$0x1400]  }
0x40: {  	v13 =	vld [tilespmem:s17+$0x3C00]  }
0x41: {  	v14 =	vld [tilespmem:s17+$0x1410]  }
0x42: {  	s3 =	simm.s32 $0x20;
	v9 =	vld [tilespmem:s17+$0x3C10]  }
0x43: {  	v6 =	vld [tilespmem:s3+$0x2810]  }
0x44: {  	v8 =	vld [tilespmem:s3+$0x10];
	v11 =	vmax.f32 v7, v11  }
0x45: {  	v7 =	vld [tilespmem:s3+$0x2800];
	v13 =	vmax.f32 v10, v13;
	v11 =	vmax.f32 v2, v11  }
0x46: {  	s4 =	simm.s32 $0x100;
	v10 =	vld [tilespmem:s3+$0x0];
	v12 =	vmax.f32 v12, v14;
	v11 =	vmax.f32 v11, v13  }
.LBB2_3:
0x47: {  	p0 =	sne.s32 s4, $0x4E00;
	v13 =	vld [tilespmem:s3+$0x1400];
	v11 =	vmax.f32 v11, v12;
	v9 =	vmax.f32 v5, v9  }
0x48: {  	v12 =	vld [tilespmem:s3+$0x3C00];
	v11 =	vmax.f32 v11, v9;
	v5 =	vmov v6  }
0x49: {  	v14 =	vld [tilespmem:s3+$0x1410];
	v15 =	vmov v8  }
.Ltmp3:
0x4a: {  	v9 =	vld [tilespmem:s3+$0x3C10];
	s3 =	sshra.s32 s4, $0x2;
	(pc) =	sbr.rel @p0 .LBB2_3-.Ltmp3, $4  }
0x4b: {  	v6 =	vld [tilespmem:s3+$0x2810]  }
0x4c: {  	v8 =	vld [tilespmem:s3+$0x10];
	v10 =	vmax.f32 v10, v13  }
0x4d: {  	v11 =	vmax.f32 v11, v10;
	v12 =	vmax.f32 v7, v12;
	v7 =	vld [tilespmem:s3+$0x2800]  }
0x4e: {  	s4 =	sadd.s32 $0x80, s4;
	v10 =	vld [tilespmem:s3+$0x0];
	v11 =	vmax.f32 v11, v12;
	v12 =	vmax.f32 v15, v14  }
0x4f: {  	v13 =	vld [tilespmem:s3+$0x1400]  }
0x50: {  	v14 =	vld [tilespmem:s3+$0x3C00]  }
0x51: {  	v15 =	vld [tilespmem:s3+$0x1410]  }
0x52: {  	v16 =	vld [tilespmem:s3+$0x3C10]  }
0x53: {  	v11 =	vmax.f32 v11, v12;
	v5 =	vmax.f32 v5, v9  }
0x54: {  	v5 =	vmax.f32 v11, v5;
	v9 =	vmax.f32 v10, v13  }
0x55: {  	v7 =	vmax.f32 v7, v14;
	v5 =	vmax.f32 v5, v9  }
0x56: {  	v5 =	vmax.f32 v5, v7;
	v7 =	vmax.f32 v8, v15  }
0x57: {  	v6 =	vmax.f32 v6, v16;
	v5 =	vmax.f32 v5, v7  }
0x58: {  	v5 =	vmax.f32 v5, v6  }
0x59: {  	(xrf0) =	vmax.scan.msk.f32 $0xffff, v5;
	_ =	sdelay $0x5  }
0x5a: {  	v5, _, _ =	vpop (xrf0)  }
0x5b: {  	(v2sf) =	vpush v5, $0xF;
	_ =	sdelay $0x9  }
0x5c: {  	s5 =	simm.s32 $0x0  }
0x5d: {  	v11 =	vld [tilespmem:s5+$0x2800]  }
0x5e: {  	v5 =	vld [tilespmem:s5+$0x5000]  }
0x5f: {  	v10 =	vld [tilespmem:s5+$0x1400]  }
0x60: {  	v7 =	vld [tilespmem:s5+$0x6400]  }
0x61: {  	v6 =	vld [tilespmem:s5+$0x5010];
	s17 =	spop (v2sf)  }
0x62: {  	v9 =	vld [tilespmem:s5+$0x0];
	s3 =	sadd.f32 $1.000000000e+00, s17  }
0x63: {  	v13 =	vld [tilespmem:s5+$0x3C00];
	vm7 =	vge.f32 v5, $9.999999770e-03  }
0x64: {  	v8 =	vld [tilespmem:s5+$0x6410];
	v12 =	vnsel vm7, $0xFF800000, v5;
	v5 =	vmov s3  }
0x65: {  	v14 =	vld [tilespmem:s5+$0x10];
	[tilespmem:s5+$0x5000] =	vst v12;
	v12 =	vmul.f32 v7, v5  }
0x66: {  	v15 =	vld [tilespmem:s5+$0x1410];
	vm7 =	vge.f32 v6, $9.999999770e-03  }
0x67: {  	v6 =	vnsel vm7, $0xFF800000, v6;
	v9 =	vadd.f32 v12, v9  }
0x68: {  	v16 =	vld [tilespmem:s5+$0x2810];
	[tilespmem:s5+$0x5010] =	vst v6;
	v10 =	vadd.f32 v10, v12  }
0x69: {  	s4 =	simm.s32 $0x20;
	v17 =	vld [tilespmem:s5+$0x3C10];
	v19 =	vmul.f32 v8, v5;
	v11 =	vadd.f32 v11, v12;
	[tilespmem:s5+$0x7800] =	vst v9  }
0x6a: {  	v12 =	vadd.f32 v13, v12;
	v18 =	vld [tilespmem:s4+$0x5000];
	[tilespmem:s5+$0x8C00] =	vst v10  }
0x6b: {  	v13 =	vadd.f32 v19, v14;
	v14 =	vadd.f32 v15, v19;
	v7 =	vld [tilespmem:s4+$0x5010];
	[tilespmem:s5+$0xA000] =	vst v11  }
0x6c: {  	v11 =	vsub.f32 v11, v9;
	v8 =	vld [tilespmem:s4+$0x6400];
	[tilespmem:s5+$0xB400] =	vst v12;
	v12 =	vsub.f32 v12, v10  }
0x6d: {  	v15 =	vadd.f32 v16, v19;
	v6 =	vld [tilespmem:s4+$0x6410];
	[tilespmem:s5+$0x7810] =	vst v13  }
0x6e: {  	v9 =	vld [tilespmem:s4+$0x0];
	[tilespmem:s5+$0x8C10] =	vst v14;
	v16 =	vmul.f32 v12, v11;
	v12 =	vadd.f32 v17, v19  }
0x6f: {  	v13 =	vsub.f32 v15, v13;
	v10 =	vld [tilespmem:s4+$0x1400];
	[tilespmem:s5+$0xA010] =	vst v15;
	vm7 =	vge.f32 v18, $9.999999770e-03  }
0x70: {  	s6 =	simm.s32 $0x100;
	s7 =	simm.s32 $0x180;
	s3 =	simm.s32 $0x0;
	v11 =	vld [tilespmem:s4+$0x2800];
	v15 =	vnsel vm7, $0xFF800000, v18;
	vm7 =	vge.f32 v7, $9.999999770e-03;
	[tilespmem:s5+$0xC800] =	vst v16;
	v14 =	vsub.f32 v12, v14  }
.LBB2_5:
0x71: {  	p0 =	sne.s32 s7, $0x4E00;
	v8 =	vmul.f32 v8, v5;
	v16 =	vld [tilespmem:s4+$0x3C00];
	[tilespmem:s4+$0x5000] =	vst v15;
	v7 =	vnsel vm7, $0xFF800000, v7  }
0x72: {  	v15 =	vmul.f32 v6, v5;
	v6 =	vld [tilespmem:s4+$0x10];
	[tilespmem:s4+$0x5010] =	vst v7;
	v7 =	vmul.f32 v14, v13  }
0x73: {  	v9 =	vadd.f32 v8, v9;
	v13 =	vld [tilespmem:s4+$0x1410];
	[tilespmem:s5+$0xB410] =	vst v12  }
0x74: {  	v10 =	vadd.f32 v10, v8;
	v12 =	vld [tilespmem:s4+$0x2810];
	[tilespmem:s5+$0xC810] =	vst v7;
	s5 =	smov.u32 s4  }
0x75: {  	s4 =	sshra.s32 s6, $0x2;
	s6 =	smov.u32 s7;
	v11 =	vadd.f32 v11, v8;
	[tilespmem:s5+$0x7800] =	vst v9;
	v14 =	vld [tilespmem:s5+$0x3C10]  }
0x76: {  	v17 =	vld [tilespmem:s4+$0x5000];
	v16 =	vadd.f32 v16, v8;
	[tilespmem:s5+$0x8C00] =	vst v10  }
0x77: {  	v7 =	vld [tilespmem:s4+$0x5010];
	[tilespmem:s5+$0xA000] =	vst v11;
	v11 =	vsub.f32 v11, v9;
	v18 =	vadd.f32 v15, v6  }
.Ltmp4:
0x78: {  	v8 =	vld [tilespmem:s4+$0x6400];
	[tilespmem:s5+$0xB400] =	vst v16;
	v10 =	vsub.f32 v16, v10;
	v16 =	vadd.f32 v13, v15;
	(pc) =	sbr.rel @p0 .LBB2_5-.Ltmp4, $4  }
0x79: {  	v6 =	vld [tilespmem:s4+$0x6410];
	v13 =	vadd.f32 v12, v15;
	[tilespmem:s5+$0x7810] =	vst v18  }
0x7a: {  	v9 =	vld [tilespmem:s4+$0x0];
	v19 =	vmul.f32 v10, v11;
	v12 =	vadd.f32 v14, v15;
	[tilespmem:s5+$0x8C10] =	vst v16  }
0x7b: {  	v10 =	vld [tilespmem:s4+$0x1400];
	vm7 =	vge.f32 v17, $9.999999770e-03;
	[tilespmem:s5+$0xA010] =	vst v13;
	v13 =	vsub.f32 v13, v18  }
0x7c: {  	s7 =	sadd.s32 $0x80, s7;
	v11 =	vld [tilespmem:s4+$0x2800];
	v15 =	vnsel vm7, $0xFF800000, v17;
	vm7 =	vge.f32 v7, $9.999999770e-03;
	[tilespmem:s5+$0xC800] =	vst v19;
	v14 =	vsub.f32 v12, v16  }
0x7d: {  	v16 =	vld [tilespmem:s4+$0x3C00];
	v7 =	vnsel vm7, $0xFF800000, v7  }
0x7e: {  	v48 =	vld [tilespmem:s4+$0x10];
	[tilespmem:s4+$0x5010] =	vst v7;
	v7 =	vmul.f32 v8, v5  }
0x7f: {  	[tilespmem:s4+$0x5000] =	vst v15;
	v49 =	vld [tilespmem:s4+$0x1410];
	v13 =	vmul.f32 v14, v13  }
0x80: {  	[tilespmem:s5+$0xB410] =	vst v12;
	v9 =	vadd.f32 v7, v9  }
0x81: {  	v12 =	vld [tilespmem:s4+$0x2810];
	[tilespmem:s5+$0xC810] =	vst v13;
	v10 =	vadd.f32 v10, v7  }
0x82: {  	s17 =	sshra.s32 s6, $0x2;
	v6 =	vmul.f32 v6, v5;
	v13 =	vld [tilespmem:s4+$0x3C10];
	v11 =	vadd.f32 v11, v7;
	[tilespmem:s4+$0x7800] =	vst v9  }
0x83: {  	v7 =	vadd.f32 v16, v7;
	v50 =	vld [tilespmem:s17+$0x5000];
	[tilespmem:s4+$0x8C00] =	vst v10  }
0x84: {  	v15 =	vadd.f32 v6, v48;
	v8 =	vadd.f32 v49, v6;
	v17 =	vld [tilespmem:s17+$0x5010];
	[tilespmem:s4+$0xA000] =	vst v11  }
0x85: {  	v9 =	vsub.f32 v11, v9;
	v51 =	vld [tilespmem:s17+$0x6400];
	[tilespmem:s4+$0xB400] =	vst v7;
	v7 =	vsub.f32 v7, v10  }
0x86: {  	v53 =	vadd.f32 v12, v6;
	v18 =	vld [tilespmem:s17+$0x6410];
	[tilespmem:s4+$0x7810] =	vst v15  }
0x87: {  	v6 =	vadd.f32 v13, v6;
	v52 =	vld [tilespmem:s17+$0x0];
	[tilespmem:s4+$0x8C10] =	vst v8;
	v7 =	vmul.f32 v7, v9  }
0x88: {  	v10 =	vsub.f32 v53, v15;
	v54 =	vld [tilespmem:s17+$0x1400];
	[tilespmem:s4+$0xA010] =	vst v53;
	vm7 =	vge.f32 v50, $9.999999770e-03  }
0x89: {  	v8 =	vsub.f32 v6, v8;
	v55 =	vld [tilespmem:s17+$0x2800];
	[tilespmem:s4+$0xC800] =	vst v7;
	v7 =	vnsel vm7, $0xFF800000, v50;
	vm7 =	vge.f32 v17, $9.999999770e-03  }
0x8a: {  	v56 =	vld [tilespmem:s17+$0x3C00];
	[tilespmem:s17+$0x5000] =	vst v7;
	v7 =	vnsel vm7, $0xFF800000, v17  }
0x8b: {  	v57 =	vld [tilespmem:s17+$0x10];
	v8 =	vmul.f32 v8, v10;
	[tilespmem:s17+$0x5010] =	vst v7  }
0x8c: {  	v7 =	vld [tilespmem:s17+$0x1410];
	[tilespmem:s4+$0xB410] =	vst v6;
	v6 =	vmul.f32 v51, v5  }
0x8d: {  	v58 =	vld [tilespmem:s17+$0x2810];
	[tilespmem:s4+$0xC810] =	vst v8  }
0x8e: {  	v59 =	vadd.f32 v6, v52;
	v60 =	vld [tilespmem:s17+$0x3C10]  }
0x8f: {  	v5 =	vmul.f32 v18, v5;
	v12 =	vadd.f32 v54, v6;
	v9 =	vadd.f32 v55, v6  }
0x90: {  	v6 =	vadd.f32 v56, v6;
	[tilespmem:s17+$0x7800] =	vst v59  }
0x91: {  	v61 =	vadd.f32 v5, v57;
	[tilespmem:s17+$0x8C00] =	vst v12;
	v8 =	vsub.f32 v9, v59  }
0x92: {  	[tilespmem:s17+$0xA000] =	vst v9;
	v7 =	vadd.f32 v7, v5;
	v62 =	vsub.f32 v6, v12  }
0x93: {  	[tilespmem:s17+$0xB400] =	vst v6;
	v6 =	vadd.f32 v58, v5;
	v5 =	vadd.f32 v60, v5  }
0x94: {  	[tilespmem:s17+$0x7810] =	vst v61  }
0x95: {  	[tilespmem:s17+$0x8C10] =	vst v7;
	v8 =	vmul.f32 v62, v8;
	v63 =	vsub.f32 v6, v61;
	v7 =	vsub.f32 v5, v7  }
0x96: {  	[tilespmem:s17+$0xA010] =	vst v6  }
0x97: {  	[tilespmem:s17+$0xC800] =	vst v8;
	v6 =	vmul.f32 v7, v63  }
0x98: {  	[tilespmem:s17+$0xB410] =	vst v5  }
0x99: {  	s6 =	simm.s32 $0x7F800000;
	s5 =	simm.s32 $0x3C23D70A;
	s4 =	simm.s32 $0x3C23D70A;
	[tilespmem:s17+$0xC810] =	vst v6  }
.LBB2_7:
0x9a: {  	s7 =	sadd.s32 s5, s6  }
0x9b: {  	s9 =	simm.s32 $0x0;
	s7 =	sshra.s32 s7, $0x1  }
0x9c: {  	v6 =	vld [tilespmem:s9+$0x5000];
	v5 =	vmov s7  }
0x9d: {  	v7 =	vimm.s32 $0x0;
	s8 =	simm.s32 $0x80;
	v8 =	vld [tilespmem:s9+$0x5010];
	v5 =	vbroadcast v5, $0x0  }
.LBB2_8:
0x9e: {  	_ = 	snop  }
0x9f: {  	p0 =	sne.s32 s8, $0x4E00  }
.Ltmp5:
0xa0: {  	_ = 	snop;
	(pc) =	sbr.rel @p0 .LBB2_8-.Ltmp5, $4  }
0xa1: {  	vm7 =	vge.f32 v6, v5  }
0xa2: {  	s9 =	sshra.s32 s8, $0x2;
	v9 =	vsel vm7, $0x1, v0;
	vm7 =	vge.f32 v8, v5  }
0xa3: {  	v6 =	vld [tilespmem:s9+$0x5000];
	v7 =	vadd.s32 v9, v7;
	v9 =	vsel vm7, $0x1, v0  }
0xa4: {  	s8 =	sadd.s32 $0x80, s8;
	v8 =	vld [tilespmem:s9+$0x5010];
	v7 =	vadd.s32 v9, v7  }
0xa5: {  	_ =	sdelay $0x2  }
0xa6: {  	vm7 =	vge.f32 v6, v5  }
0xa7: {  	v6 =	vsel vm7, $0x1, v0;
	vm7 =	vge.f32 v8, v5  }
0xa8: {  	v5 =	vadd.s32 v6, v7;
	v6 =	vsel vm7, $0x1, v0  }
0xa9: {  	v5 =	vadd.s32 v6, v5  }
0xaa: {  	(xrf0) =	vadd.scan.msk.s32 $0xffff, v5;
	_ =	sdelay $0x5  }
0xab: {  	v5, _, _ =	vpop (xrf0)  }
0xac: {  	(v2sf) =	vpush v5, $0xF;
	_ =	sdelay $0xb  }
0xad: {  	s3 =	sadd.s32 $0x1, s3  }
0xae: {  	p1 =	sne.s32 s3, $0x12  }
.Ltmp6:
0xaf: {  	_ = 	snop;
	(pc) =	sbr.rel @p1 .LBB2_7-.Ltmp6, $4  }
0xb0: {  	s8 =	spop (v2sf)  }
0xb1: {  	p0 =	sgt.s32 s8, $0x1BF  }
0xb2: {  	s8 =	sadd.s32 $0x1, s7;
	s4 =	smov.u32 @p0 s7;
	s7 =	smov.u32 @p0 s6  }
0xb3: {  	s5 =	smov.u32 @p0 s8;
	s6 =	smov.u32 s7  }
0xb4: {  	s3 =	simm.s32 $0x0;
	s5 =	simm.s32 $0x80  }
.LBB2_11:
0xb5: {  	p0 =	sne.s32 s5, $0x880;
	[tilespmem:s3+$0xEB10] =	vst v3  }
0xb6: {  	[tilespmem:s3+$0xDC00] =	vst v1  }
0xb7: {  	[tilespmem:s3+$0xDE80] =	vst v1  }
0xb8: {  	[tilespmem:s3+$0xE100] =	vst v1  }
0xb9: {  	[tilespmem:s3+$0xE380] =	vst v1  }
0xba: {  	[tilespmem:s3+$0xE600] =	vst v1  }
0xbb: {  	[tilespmem:s3+$0xE880] =	vst v2  }
0xbc: {  	[tilespmem:s3+$0xEB00] =	vst v3  }
0xbd: {  	[tilespmem:s3+$0xDC10] =	vst v1  }
.Ltmp7:
0xbe: {  	[tilespmem:s3+$0xDE90] =	vst v1;
	(pc) =	sbr.rel @p0 .LBB2_11-.Ltmp7, $4  }
0xbf: {  	[tilespmem:s3+$0xE110] =	vst v1  }
0xc0: {  	[tilespmem:s3+$0xE390] =	vst v1  }
0xc1: {  	[tilespmem:s3+$0xE610] =	vst v1  }
0xc2: {  	[tilespmem:s3+$0xE890] =	vst v2;
	s3 =	sshra.s32 s5, $0x2;
	s5 =	sadd.s32 $0x80, s5  }
0xc3: {  	[tilespmem:s3+$0xEB10] =	vst v3  }
0xc4: {  	[tilespmem:s3+$0xDC00] =	vst v1  }
0xc5: {  	[tilespmem:s3+$0xDE80] =	vst v1  }
0xc6: {  	[tilespmem:s3+$0xE100] =	vst v1  }
0xc7: {  	[tilespmem:s3+$0xE380] =	vst v1  }
0xc8: {  	[tilespmem:s3+$0xE600] =	vst v1  }
0xc9: {  	[tilespmem:s3+$0xE880] =	vst v2  }
0xca: {  	[tilespmem:s3+$0xEB00] =	vst v3  }
0xcb: {  	[tilespmem:s3+$0xDC10] =	vst v1  }
0xcc: {  	[tilespmem:s3+$0xDE90] =	vst v1  }
0xcd: {  	[tilespmem:s3+$0xE110] =	vst v1  }
0xce: {  	[tilespmem:s3+$0xE390] =	vst v1  }
0xcf: {  	[tilespmem:s3+$0xE610] =	vst v1  }
0xd0: {  	[tilespmem:s3+$0xE890] =	vst v2;
	s3 =	simm.s32 $0x5000  }
0xd1: {  	v5 =	vld [tilespmem:s3+$0x0];
	_ =	sdelay $0x1  }
0xd2: {  	v6 =	vmov s4  }
0xd3: {  	v6 =	vbroadcast v6, $0x0;
	_ =	sdelay $0x1  }
0xd4: {  	vm8 =	vge.f32 v5, v6  }
0xd5: {  	v7 =	vsel vm8, $0x1, v0  }
0xd6: {  	(xrf0) =	vadd.scan.msk.s32 $0xffff, v7;
	_ =	sdelay $0x5  }
0xd7: {  	v7 =	vimm.s32 $0x0;
	v8, _, _ =	vpop (xrf0)  }
0xd8: {  	v8 =	vadd.s32 v8, v7  }
0xd9: {  	v9 =	vadd.s32 $0xFFFFFFFF, v8  }
0xda: {  	vm7 =	vlt.s32 v9, $0x240  }
0xdb: {  	vm7 =	vmand vm8, vm7;
	_ =	sdelay $0x5  }
0xdc: {  	s4 =	simm.s32 $0x7800;
	[tilespmem:v9+s19+$0x0] =	vst.idx.msk vm7, v5  }
0xdd: {  	v8 =	vld [tilespmem:s4+$0x0];
	_ =	sdelay $0x4  }
0xde: {  	s5 =	simm.s32 $0x8C00;
	[tilespmem:v9+s20+$0x0] =	vst.idx.msk vm7, v8  }
0xdf: {  	v8 =	vld [tilespmem:s5+$0x0];
	_ =	sdelay $0x4  }
0xe0: {  	s6 =	simm.s32 $0xA000;
	[tilespmem:v9+s21+$0x0] =	vst.idx.msk vm7, v8  }
0xe1: {  	v8 =	vld [tilespmem:s6+$0x0];
	_ =	sdelay $0x4  }
0xe2: {  	s10 =	simm.s32 $0xB400;
	[tilespmem:v9+s22+$0x0] =	vst.idx.msk vm7, v8  }
0xe3: {  	v8 =	vld [tilespmem:s10+$0x0];
	_ =	sdelay $0x4  }
0xe4: {  	s17 =	simm.s32 $0xC800;
	[tilespmem:v9+s23+$0x0] =	vst.idx.msk vm7, v8  }
0xe5: {  	v11 =	vld [tilespmem:s17+$0x0];
	_ =	sdelay $0x1  }
0xe6: {  	v10 =	vimm.f32 $-Inf;
	v5 =	vnsel vm7, $0xFF800000, v5  }
0xe7: {  	v8 =	vmpcnt.ones.xlane vm8;
	vm8 =	vgt.f32 v5, v10  }
0xe8: {  	s7 =	simm.s32 $0x0;
	s8 =	simm.s32 $0xB410;
	v5 =	vsel vm8, v5, v10  }
0xe9: {  	s6 =	simm.s32 $0x10;
	v10 =	vor.u32 s7, v4;
	s7 =	simm.s32 $0xA010;
	s17 =	simm.s32 $0xC810;
	v8 =	vadd.s32 v7, v8;
	v7 =	vsel vm8, v9, v7;
	[tilespmem:v9+s24+$0x0] =	vst.idx.msk vm7, v11  }
.LBB2_13:
0xea: {  	[tilespmem:v9+s25+$0x0] =	vst.idx.msk vm7, v10;
	s3 =	sadd.s32 $0x10, s3;
	s4 =	sadd.s32 $0x10, s4;
	s5 =	sadd.s32 $0x10, s5;
	v9 =	vmov v8  }
0xeb: {  	p0 =	sne.s32 s6, $0x1390;
	s9 =	smov.u32 s6;
	s6 =	sadd.s32 $0x10, s6;
	v10 =	vld [tilespmem:s3+$0x0]  }
0xec: {  	_ =	sdelay $0x3  }
0xed: {  	vm7 =	vge.f32 v10, v6  }
0xee: {  	v11 =	vmpcnt.ones.xlane vm7;
	v12 =	vsel vm7, $0x1, v0  }
0xef: {  	(xrf0) =	vadd.scan.msk.s32 $0xffff, v12  }
0xf0: {  	v8 =	vadd.s32 v8, v11;
	_ =	sdelay $0x4  }
0xf1: {  	v11, _, _ =	vpop (xrf0)  }
0xf2: {  	v9 =	vadd.s32 v11, v9  }
0xf3: {  	v9 =	vadd.s32 $0xFFFFFFFF, v9  }
0xf4: {  	vm8 =	vlt.s32 v9, $0x240  }
0xf5: {  	vm7 =	vmand vm7, vm8  }
0xf6: {  	v11 =	vnsel vm7, $0xFF800000, v10  }
0xf7: {  	vm8 =	vgt.f32 v11, v5  }
0xf8: {  	v5 =	vsel vm8, v11, v5;
	v7 =	vsel vm8, v9, v7;
	_ =	sdelay $0x2  }
0xf9: {  	[tilespmem:v9+s19+$0x0] =	vst.idx.msk vm7, v10  }
0xfa: {  	v10 =	vld [tilespmem:s4+$0x0];
	_ =	sdelay $0x4  }
0xfb: {  	[tilespmem:v9+s20+$0x0] =	vst.idx.msk vm7, v10  }
0xfc: {  	v10 =	vld [tilespmem:s5+$0x0];
	_ =	sdelay $0x4  }
0xfd: {  	[tilespmem:v9+s21+$0x0] =	vst.idx.msk vm7, v10  }
0xfe: {  	v10 =	vld [tilespmem:s7+$0x0];
	_ =	sdelay $0x4  }
0xff: {  	[tilespmem:v9+s22+$0x0] =	vst.idx.msk vm7, v10  }
0x100: {  	v10 =	vld [tilespmem:s8+$0x0];
	_ =	sdelay $0x4  }
0x101: {  	[tilespmem:v9+s23+$0x0] =	vst.idx.msk vm7, v10  }
0x102: {  	v11 =	vld [tilespmem:s17+$0x0]  }
.Ltmp8:
0x103: {  	(pc) =	sbr.rel @p0 .LBB2_13-.Ltmp8, $2  }
0x104: {  	_ =	sdelay $0x2  }
0x105: {  	s7 =	sadd.s32 $0x10, s7;
	s8 =	sadd.s32 $0x10, s8;
	v10 =	vor.u32 s9, v4;
	s17 =	sadd.s32 $0x10, s17;
	[tilespmem:v9+s24+$0x0] =	vst.idx.msk vm7, v11  }
0x106: {  	vm8 =	vgt.s32 v8, $0x240  }
0x107: {  	v6 =	vsel vm8, $0x3F800000, v1  }
0x108: {  	(xrf0) =	vmax.scan.msk.f32 $0xffff, v6;
	_ =	sdelay $0x5  }
0x109: {  	v6, _, _ =	vpop (xrf0)  }
0x10a: {  	(v2sf) =	vpush v6, $0xF;
	_ =	sdelay $0xe  }
0x10b: {  	s3 =	spop (v2sf)  }
0x10c: {  	p0 =	sgt.f32 s3, $0.0e+00  }
.Ltmp9:
0x10d: {  	_ = 	snop;
	(pc) =	sbr.rel @!p0 .LBB2_21-.Ltmp9, $2  }
0x10e: {  	_ =	sdelay $0x2  }
0x10f: {  	[tilespmem:v9+s25+$0x0] =	vst.idx.msk vm7, v10  }
0x110: {  	s5 =	simm.s32 $0x5010  }
0x111: {  	v6 =	vld [tilespmem:s5+$0xFFFFFFF0];
	_ =	sdelay $0x1  }
0x112: {  	v5 =	vld [tilespmem:s5+$0x0];
	_ =	sdelay $0x1  }
0x113: {  	v7 =	vimm.f32 $-Inf;
	s6 =	simm.s32 $0x0  }
0x114: {  	v8 =	vimm.s32 $0x0;
	s3 =	simm.s32 $0x10;
	s4 =	simm.s32 $0x30;
	v9 =	vor.u32 s6, v4;
	s5 =	simm.s32 $0x5030;
	vm7 =	vgt.f32 v6, v7  }
.LBB2_16:
0x115: {  	p0 =	sne.s32 s4, $0x1390;
	v7 =	vsel vm7, v6, v7;
	v6 =	vld [tilespmem:s5+$0xFFFFFFF0];
	v8 =	vsel vm7, v9, v8;
	s6 =	smov.u32 s4;
	s4 =	sadd.s32 $0x20, s4  }
.Ltmp10:
0x116: {  	v9 =	vor.u32 s3, v4;
	vm7 =	vgt.f32 v5, v7;
	s3 =	smov.u32 s6;
	(pc) =	sbr.rel @p0 .LBB2_16-.Ltmp10, $3  }
0x117: {  	v7 =	vsel vm7, v5, v7;
	v5 =	vld [tilespmem:s5+$0x0];
	v8 =	vsel vm7, v9, v8;
	_ =	sdelay $0x1  }
0x118: {  	s6 =	sadd.s32 $0xFFFFFFF0, s3  }
0x119: {  	s5 =	sadd.s32 $0x20, s5;
	v9 =	vor.u32 s6, v4;
	vm7 =	vgt.f32 v6, v7  }
0x11a: {  	v6 =	vsel vm7, v6, v7  }
0x11b: {  	v7 =	vsel vm7, v9, v8;
	v8 =	vor.u32 s3, v4;
	vm7 =	vgt.f32 v5, v6  }
0x11c: {  	s3 =	simm.s32 $0x0;
	s17 =	simm.s32 $0x0;
	s4 =	simm.s32 $0x0;
	v5 =	vsel vm7, v5, v6;
	v6 =	vsel vm7, v8, v7  }
.LBB2_18:
0x11d: {  	(xrf0) =	vmax.scan.msk.f32 $0xffff, v5;
	_ =	sdelay $0x5  }
0x11e: {  	v7, _, _ =	vpop (xrf0)  }
0x11f: {  	v8 =	vbroadcast v7, $0xF;
	_ =	sdelay $0x1  }
0x120: {  	vm7 =	veq.f32 v5, v8;
	v5 =	vxor.u32 $0x80000000, v6  }
0x121: {  	v5 =	vnsel vm7, $0xC0000000, v5  }
0x122: {  	(xrf0) =	vmin.scan.msk.u32 $0xffff, v5;
	_ =	sdelay $0x5  }
0x123: {  	(v2sf) =	vpush v7, $0xF;
	v5, _, _ =	vpop (xrf0)  }
0x124: {  	(v2sf) =	vpush v5, $0xF;
	_ =	sdelay $0xd  }
0x125: {  	s5 =	spop (v2sf)  }
0x126: {  	s6 =	spop (v2sf)  }
0x127: {  	s6 =	sxor.u32 $0x80000000, s6  }
0x128: {  	v6 =	vmov s6;
	_ =	sdelay $0x4  }
0x129: {  	v5 =	vld.idx.msk [tilespmem:v6+s18+$0x0], $0xffff;
	_ =	sdelay $0x1  }
0x12a: {  	v7 =	vld.idx.msk [tilespmem:v6+s16+$0x0], $0xffff  }
0x12b: {  	v9 =	vld.idx.msk [tilespmem:v6+s15+$0x0], $0xffff  }
0x12c: {  	p0 =	sgt.f32 s5, $-Inf;
	v10 =	vld.idx.msk [tilespmem:v6+s14+$0x0], $0xffff  }
0x12d: {  	vm7 =	vmmov vm6;
	v11 =	vld.idx.msk [tilespmem:v6+s3+$0x0], $0xffff;
	v5 =	vsel vm0, $0x0, v5  }
0x12e: {  	s10 =	sshll.u32 s4, $0x3;
	vm7 =	vmneg @p0 vm7;
	v5 =	vsel vm1, v5, v8  }
0x12f: {  	vm7 =	vmand vm7, vm5;
	v5 =	vsel vm2, v5, v7;
	v7 =	vadd.s32 s10, v4  }
0x130: {  	v8 =	vmov s17;
	v5 =	vsel vm3, v5, v9  }
0x131: {  	v5 =	vsel vm4, v5, v10  }
0x132: {  	v5 =	vsel vm5, v11, v5  }
0x133: {  	v5 =	vpsel !p0, $0x0, v5  }
0x134: {  	[tilespmem:v7+s26+$0x0] =	vst.idx.msk $0xff, v5  }
0x135: {  	[tilespmem:v8+s28+$0x0] =	vst.idx.msk vm7, v6  }
0x136: {  	v9 =	vld.idx.msk [tilespmem:v6+s29+$0x0], $0xffff  }
0x137: {  	v8 =	vld.idx.msk [tilespmem:v6+s30+$0x0], $0xffff  }
0x138: {  	v7 =	vld.idx.msk [tilespmem:v6+s31+$0x0], $0xffff  }
0x139: {  	s7 =	simm.s32 $0x0;
	v5 =	vld.idx.msk [tilespmem:v6+s0+$0x0], $0xffff  }
0x13a: {  	v10 =	vld [tilespmem:s7+$0x7810]  }
0x13b: {  	v11 =	vld [tilespmem:s7+$0x8C10]  }
0x13c: {  	v12 =	vld [tilespmem:s7+$0x7800]  }
0x13d: {  	v13 =	vld [tilespmem:s7+$0x8C00]  }
0x13e: {  	v14 =	vld [tilespmem:s7+$0xA000]  }
0x13f: {  	v15 =	vld [tilespmem:s7+$0xB400]  }
0x140: {  	v16 =	vld [tilespmem:s7+$0xA010]  }
0x141: {  	v17 =	vld [tilespmem:s7+$0xB410]  }
0x142: {  	v6 =	vld.idx.msk [tilespmem:v6+s1+$0x0], $0xffff  }
0x143: {  	v18 =	vld [tilespmem:s7+$0xC800];
	v10 =	vmax.f32 v9, v10;
	v12 =	vmax.f32 v9, v12  }
0x144: {  	v13 =	vmax.f32 v8, v13;
	v14 =	vmin.f32 v7, v14;
	v15 =	vmin.f32 v5, v15  }
0x145: {  	v19 =	vld [tilespmem:s7+$0xC810];
	v16 =	vmin.f32 v7, v16;
	v12 =	vsub.f32 v14, v12;
	v13 =	vsub.f32 v15, v13  }
0x146: {  	s6 =	simm.s32 $0x20;
	v11 =	vmax.f32 v8, v11;
	v14 =	vmin.f32 v5, v17;
	v10 =	vsub.f32 v16, v10  }
0x147: {  	v20 =	vld [tilespmem:s6+$0xB410];
	v11 =	vsub.f32 v14, v11;
	v12 =	vmax.f32 v12, $0.0e+00;
	v13 =	vmax.f32 v13, $0.0e+00  }
0x148: {  	v15 =	vld [tilespmem:s6+$0x7810];
	v16 =	vadd.f32 v18, v6;
	v17 =	vmul.f32 v13, v12  }
0x149: {  	v18 =	vld [tilespmem:s6+$0xA000];
	v10 =	vmax.f32 v10, $0.0e+00;
	v11 =	vmax.f32 v11, $0.0e+00  }
0x14a: {  	v13 =	vld [tilespmem:s6+$0x7800];
	v26 =	vmul.f32 v11, v10;
	v10 =	vadd.f32 v19, v6;
	v11 =	vsub.f32 v16, v17  }
0x14b: {  	v19 =	vld [tilespmem:s6+$0xB400]  }
0x14c: {  	v16 =	vld [tilespmem:s6+$0x8C00];
	v10 =	vsub.f32 v10, v26;
	v11 =	vadd.f32 $9.999999710e-10, v11  }
0x14d: {  	v12 =	vld [tilespmem:s6+$0xA010]  }
0x14e: {  	v14 =	vld [tilespmem:s6+$0x8C10];
	v10 =	vadd.f32 $9.999999710e-10, v10;
	(erf) = vrcp.f32 v11;
	_ =	sdelay $0x1  }
0x14f: {  	v21 =	vld [tilespmem:s6+$0xC800];
	v11 =	vmax.f32 v9, v15;
	v15 =	vmin.f32 v7, v18;
	(erf) = vrcp.f32 v10  }
0x150: {  	v10 =	vmax.f32 v9, v13;
	v13 =	vmax.f32 v8, v16;
	v16 =	vmin.f32 v5, v19  }
0x151: {  	s5 =	simm.s32 $0x40;
	v23 =	vld [tilespmem:s6+$0xC810];
	v12 =	vmin.f32 v7, v12;
	v18 =	vsub.f32 v15, v10;
	v13 =	vsub.f32 v16, v13  }
0x152: {  	v24 =	vld [tilespmem:s5+$0x7810];
	v14 =	vmax.f32 v8, v14;
	v12 =	vsub.f32 v12, v11;
	v15 =	vmin.f32 v5, v20  }
0x153: {  	v22 =	vld [tilespmem:s7+$0x5000];
	v14 =	vsub.f32 v15, v14;
	v11 =	vmax.f32 v18, $0.0e+00;
	v13 =	vmax.f32 v13, $0.0e+00  }
0x154: {  	v19 =	vld [tilespmem:s5+$0x8C10];
	v16 =	vadd.f32 v21, v6;
	v11 =	vmul.f32 v13, v11  }
0x155: {  	v10 =	vimm.f32 $-Inf;
	v21 =	vld [tilespmem:s5+$0xA000];
	v12 =	vmax.f32 v12, $0.0e+00;
	v14 =	vmax.f32 v14, $0.0e+00  }
0x156: {  	v15 =	vld [tilespmem:s5+$0xA010];
	v12 =	vmul.f32 v14, v12;
	v14 =	vadd.f32 v23, v6;
	v25 =	vsub.f32 v16, v11;
	v20 =	vpop (erf)  }
0x157: {  	v13 =	vimm.s32 $0x0;
	v23 =	vld [tilespmem:s7+$0x5010];
	v16 =	vor.u32 s3, v4;
	v27 =	vmul.f32 v20, v17  }
0x158: {  	s8 =	simm.s32 $0x10;
	v18 =	vld [tilespmem:s5+$0x7800];
	v25 =	vadd.f32 $9.999999710e-10, v25;
	v17 =	vmax.f32 v9, v24;
	v24 =	vsub.f32 v14, v12;
	v28 =	vpop (erf)  }
0x159: {  	s9 =	simm.s32 $0x180;
	v20 =	vld [tilespmem:s5+$0x8C00];
	v14 =	vor.u32 s8, v4;
	s8 =	simm.s32 $0x0;
	v26 =	vmul.f32 v28, v26;
	vm7 =	vgt.f32 v27, $6.000000240e-01  }
.LBB2_19:
0x15a: {  	p1 =	sne.s32 s9, $0x4E00;
	v27 =	vld [tilespmem:s5+$0xB400];
	v28 =	vmax.f32 v8, v19;
	v19 =	vadd.f32 $9.999999710e-10, v24;
	v22 =	vsel vm7, $0xFF800000, v22  }
0x15b: {  	v24 =	vld [tilespmem:s5+$0xB410];
	(erf) = vrcp.f32 v25;
	[tilespmem:s7+$0x5000] =	vst v22;
	vm7 =	vgt.f32 v22, v10;
	vm8 =	vgt.f32 v26, $6.000000240e-01  }
0x15c: {  	v10 =	vsel vm7, v22, v10;
	v13 =	vsel vm7, v16, v13;
	v16 =	vsel vm8, $0xFF800000, v23  }
0x15d: {  	v15 =	vmin.f32 v7, v15;
	v22 =	vld [tilespmem:s5+$0xC800];
	(erf) = vrcp.f32 v19;
	[tilespmem:s7+$0x5010] =	vst v16;
	vm7 =	vgt.f32 v16, v10;
	s7 =	smov.u32 s6;
	s6 =	smov.u32 s5  }
0x15e: {  	v18 =	vmax.f32 v9, v18;
	v10 =	vsel vm7, v16, v10;
	v13 =	vsel vm7, v14, v13  }
0x15f: {  	s5 =	sshra.s32 s9, $0x2;
	v14 =	vmax.f32 v8, v20;
	v16 =	vmin.f32 v7, v21;
	v19 =	vmin.f32 v5, v27;
	v20 =	vld [tilespmem:s6+$0xC810]  }
0x160: {  	v16 =	vsub.f32 v16, v18;
	v21 =	vld [tilespmem:s5+$0x7810];
	v14 =	vsub.f32 v19, v14;
	v18 =	vmin.f32 v5, v24  }
0x161: {  	v17 =	vsub.f32 v15, v17;
	v19 =	vld [tilespmem:s5+$0x8C10];
	v18 =	vsub.f32 v18, v28  }
0x162: {  	v26 =	vmax.f32 v16, $0.0e+00;
	v15 =	vld [tilespmem:s5+$0xA010];
	v14 =	vmax.f32 v14, $0.0e+00;
	v23 =	vadd.f32 v22, v6  }
.Ltmp11:
0x163: {  	v25 =	vmax.f32 v17, $0.0e+00;
	v14 =	vmul.f32 v14, v26;
	v17 =	vmax.f32 v18, $0.0e+00;
	v22 =	vld [tilespmem:s7+$0x5000];
	(pc) =	sbr.rel @p1 .LBB2_19-.Ltmp11, $4  }
0x164: {  	s8 =	sadd.s32 $0x20, s8;
	v18 =	vld [tilespmem:s5+$0x7800];
	v27 =	vmul.f32 v17, v25;
	v24 =	vadd.f32 v20, v6;
	v16 =	vpop (erf)  }
0x165: {  	s10 =	sadd.s32 $0x10, s8;
	v25 =	vsub.f32 v23, v14;
	v26 =	vmul.f32 v16, v11;
	v16 =	vor.u32 s8, v4;
	v23 =	vld [tilespmem:s7+$0x5010];
	v11 =	vmovc v14  }
0x166: {  	v17 =	vmax.f32 v9, v21;
	v14 =	vor.u32 s10, v4;
	v20 =	vld [tilespmem:s5+$0x8C00];
	v24 =	vsub.f32 v24, v27;
	v28 =	vpop (erf)  }
0x167: {  	s9 =	sadd.s32 $0x80, s9;
	v21 =	vld [tilespmem:s5+$0xA000];
	v25 =	vadd.f32 $9.999999710e-10, v25;
	vm7 =	vgt.f32 v26, $6.000000240e-01;
	v26 =	vmul.f32 v28, v12;
	v12 =	vmovc v27  }
0x168: {  	v27 =	vld [tilespmem:s5+$0xB400];
	_ =	sdelay $0x1  }
0x169: {  	v22 =	vsel vm7, $0xFF800000, v22;
	v28 =	vld [tilespmem:s5+$0xB410]  }
0x16a: {  	v19 =	vmax.f32 v8, v19;
	[tilespmem:s7+$0x5000] =	vst v22;
	vm7 =	vgt.f32 v26, $6.000000240e-01  }
0x16b: {  	v24 =	vadd.f32 $9.999999710e-10, v24;
	v9 =	vmax.f32 v9, v18;
	v23 =	vsel vm7, $0xFF800000, v23;
	v46 =	vld [tilespmem:s5+$0xC800]  }
0x16c: {  	v8 =	vmax.f32 v8, v20;
	v47 =	vmin.f32 v7, v21;
	v48 =	vmin.f32 v5, v27  }
0x16d: {  	[tilespmem:s7+$0x5010] =	vst v23;
	v7 =	vmin.f32 v7, v15;
	v9 =	vsub.f32 v47, v9;
	v8 =	vsub.f32 v48, v8  }
0x16e: {  	(erf) = vrcp.f32 v25;
	v49 =	vld [tilespmem:s5+$0xC810];
	v5 =	vmin.f32 v5, v28;
	v7 =	vsub.f32 v7, v17  }
0x16f: {  	v5 =	vsub.f32 v5, v19;
	v9 =	vmax.f32 v9, $0.0e+00;
	v8 =	vmax.f32 v8, $0.0e+00  }
0x170: {  	(erf) = vrcp.f32 v24;
	v50 =	vadd.f32 v46, v6;
	v8 =	vmul.f32 v8, v9  }
0x171: {  	v7 =	vmax.f32 v7, $0.0e+00;
	v5 =	vmax.f32 v5, $0.0e+00  }
0x172: {  	v5 =	vmul.f32 v5, v7;
	v7 =	vsub.f32 v50, v8  }
0x173: {  	v6 =	vadd.f32 v49, v6  }
0x174: {  	v7 =	vadd.f32 $9.999999710e-10, v7  }
0x175: {  	v6 =	vsub.f32 v6, v5;
	_ =	sdelay $0x1  }
0x176: {  	v51 =	vld [tilespmem:s6+$0x5000];
	v6 =	vadd.f32 $9.999999710e-10, v6;
	(erf) = vrcp.f32 v7  }
0x177: {  	v52 =	vld [tilespmem:s6+$0x5010];
	v7 =	vpop (erf)  }
0x178: {  	(erf) = vrcp.f32 v6;
	v7 =	vmul.f32 v7, v11;
	v53 =	vpop (erf)  }
0x179: {  	v6 =	vmul.f32 v53, v12  }
0x17a: {  	vm7 =	vgt.f32 v7, $6.000000240e-01  }
0x17b: {  	v7 =	vsel vm7, $0xFF800000, v51;
	vm7 =	vgt.f32 v6, $6.000000240e-01  }
0x17c: {  	vm8 =	vgt.f32 v22, v10;
	[tilespmem:s6+$0x5000] =	vst v7;
	v6 =	vsel vm7, $0xFF800000, v52  }
0x17d: {  	v54 =	vsel vm8, v22, v10;
	[tilespmem:s6+$0x5010] =	vst v6  }
0x17e: {  	s9 =	sadd.s32 $0x20, s8;
	vm7 =	vgt.f32 v23, v54;
	v56 =	vld [tilespmem:s5+$0x5000]  }
0x17f: {  	v58 =	vor.u32 s9, v4;
	v55 =	vsel vm8, v16, v13;
	v9 =	vsel vm7, v23, v54;
	v57 =	vpop (erf)  }
0x180: {  	v10 =	vsel vm7, v14, v55;
	vm7 =	vgt.f32 v7, v9;
	v59 =	vld [tilespmem:s5+$0x5010];
	v8 =	vmul.f32 v57, v8  }
0x181: {  	s4 =	sadd.s32 $0x1, s4;
	s7 =	simm.s32 $0x1;
	v7 =	vsel vm7, v7, v9;
	v60 =	vsel vm7, v58, v10;
	v61 =	vpop (erf)  }
0x182: {  	s10 =	sadd.s32 $0x10, s9;
	s7 =	simm.s32 @!p0 $0x0;
	p0 =	seq.s32 s4, $0x12C;
	vm7 =	vgt.f32 v6, v7;
	vm8 =	vgt.f32 v8, $6.000000240e-01;
	v5 =	vmul.f32 v61, v5  }
.Ltmp12:
0x183: {  	v8 =	vor.u32 s10, v4;
	v6 =	vsel vm7, v6, v7;
	v7 =	vsel vm8, $0xFF800000, v56;
	(pc) =	sbr.rel @!p0 .LBB2_18-.Ltmp12, $4  }
.Ltmp13:
0x184: {  	s6 =	sadd.s32 $0x20, s9;
	v8 =	vsel vm7, v8, v60;
	vm8 =	vgt.f32 v5, $6.000000240e-01;
	vm7 =	vgt.f32 v7, v6;
	(pc) =	sbr.rel @p0 .LBB2_36-.Ltmp13, $4  }
0x185: {  	v5 =	vor.u32 s6, v4;
	s6 =	sadd.s32 $0x10, s6;
	v62 =	vsel vm8, $0xFF800000, v59;
	v6 =	vsel vm7, v7, v6  }
0x186: {  	v63 =	vor.u32 s6, v4;
	[tilespmem:s5+$0x5000] =	vst v7;
	v7 =	vsel vm7, v5, v8;
	vm7 =	vgt.f32 v62, v6  }
0x187: {  	s17 =	sadd.s32 s7, s17;
	[tilespmem:s5+$0x5010] =	vst v62;
	v5 =	vsel vm7, v62, v6;
	v6 =	vsel vm7, v63, v7  }
0x188: {  	_ = 	snop  }
.LBB2_21:
0x189: {  	vm7 =	vlt.f32 v5, $-Inf;
	vm8 =	vgt.f32 v5, $-Inf  }
0x18a: {  	vm7 =	vmor vm8, vm7  }
0x18b: {  	v6 =	vsel vm7, $0x3F800000, v1  }
0x18c: {  	(xrf0) =	vmax.scan.msk.f32 $0xffff, v6;
	_ =	sdelay $0x5  }
0x18d: {  	v6, _, _ =	vpop (xrf0)  }
0x18e: {  	(v2sf) =	vpush v6, $0xF;
	_ =	sdelay $0xe  }
0x18f: {  	s3 =	spop (v2sf)  }
0x190: {  	p0 =	sgt.f32 s3, $0.0e+00  }
.Ltmp14:
0x191: {  	_ = 	snop;
	(pc) =	sbr.rel @!p0 .LBB2_30-.Ltmp14, $2  }
0x192: {  	_ =	sdelay $0x2  }
0x193: {  	s17 =	simm.s32 $0x0;
	s4 =	simm.s32 $0x0  }
.LBB2_22:
0x194: {  	(xrf0) =	vmax.scan.msk.f32 $0xffff, v5;
	_ =	sdelay $0x5  }
0x195: {  	v6, _, _ =	vpop (xrf0)  }
0x196: {  	v6 =	vbroadcast v6, $0xF;
	_ =	sdelay $0x1  }
0x197: {  	vm7 =	veq.f32 v5, v6;
	v5 =	vxor.u32 $0x80000000, v7  }
0x198: {  	v5 =	vnsel vm7, $0xC0000000, v5  }
0x199: {  	(xrf0) =	vmin.scan.msk.u32 $0xffff, v5;
	_ =	sdelay $0x5  }
0x19a: {  	v5, _, _ =	vpop (xrf0)  }
0x19b: {  	(v2sf) =	vpush v5, $0xF;
	_ =	sdelay $0xe  }
0x19c: {  	s3 =	spop (v2sf)  }
0x19d: {  	s3 =	sxor.u32 $0x80000000, s3  }
0x19e: {  	v10 =	vmov s3;
	_ =	sdelay $0x4  }
0x19f: {  	v5 =	vld.idx.msk [tilespmem:v10+s25+$0x0], $0xffff;
	_ =	sdelay $0x7  }
0x1a0: {  	v7 =	vld.idx.msk [tilespmem:v5+s18+$0x0], $0xffff;
	_ =	sdelay $0x1  }
0x1a1: {  	v8 =	vld.idx.msk [tilespmem:v5+s16+$0x0], $0xffff  }
0x1a2: {  	v9 =	vld.idx.msk [tilespmem:v5+s15+$0x0], $0xffff  }
0x1a3: {  	v11 =	vld.idx.msk [tilespmem:v5+s14+$0x0], $0xffff  }
0x1a4: {  	s10 =	sshll.u32 s4, $0x3;
	v12 =	vld.idx.msk [tilespmem:v5+s17+$0x0], $0xffff;
	v7 =	vsel vm0, $0x0, v7  }
0x1a5: {  	s3 =	smov.u32 s4;
	v6 =	vsel vm1, v7, v6;
	v7 =	vadd.s32 s10, v4  }
0x1a6: {  	v6 =	vsel vm2, v6, v8;
	v8 =	vmov s3  }
0x1a7: {  	v6 =	vsel vm3, v6, v9  }
0x1a8: {  	v6 =	vsel vm4, v6, v11  }
0x1a9: {  	v6 =	vsel vm5, v12, v6  }
0x1aa: {  	[tilespmem:v7+s26+$0x0] =	vst.idx.msk $0xff, v6  }
0x1ab: {  	[tilespmem:v8+s28+$0x0] =	vst.idx.msk $0x1, v5  }
0x1ac: {  	v9 =	vld.idx.msk [tilespmem:v10+s20+$0x0], $0xffff  }
0x1ad: {  	v8 =	vld.idx.msk [tilespmem:v10+s21+$0x0], $0xffff  }
0x1ae: {  	v7 =	vld.idx.msk [tilespmem:v10+s22+$0x0], $0xffff  }
0x1af: {  	s6 =	simm.s32 $0x0;
	v5 =	vld.idx.msk [tilespmem:v10+s23+$0x0], $0xffff  }
0x1b0: {  	v11 =	vld [tilespmem:s6+$0xDC10]  }
0x1b1: {  	v12 =	vld [tilespmem:s6+$0xDE90]  }
0x1b2: {  	v13 =	vld [tilespmem:s6+$0xDC00]  }
0x1b3: {  	v14 =	vld [tilespmem:s6+$0xDE80]  }
0x1b4: {  	v15 =	vld [tilespmem:s6+$0xE100]  }
0x1b5: {  	v16 =	vld [tilespmem:s6+$0xE380]  }
0x1b6: {  	v17 =	vld [tilespmem:s6+$0xE110]  }
0x1b7: {  	v18 =	vld [tilespmem:s6+$0xE390];
	_ =	sdelay $0x1  }
0x1b8: {  	v6 =	vld.idx.msk [tilespmem:v10+s24+$0x0], $0xffff;
	v10 =	vmax.f32 v9, v11;
	v13 =	vmax.f32 v9, v13  }
0x1b9: {  	v11 =	vld [tilespmem:s6+$0xE600];
	v14 =	vmax.f32 v8, v14;
	v15 =	vmin.f32 v7, v15;
	v16 =	vmin.f32 v5, v16  }
0x1ba: {  	v17 =	vmin.f32 v7, v17;
	v12 =	vmax.f32 v8, v12;
	v13 =	vsub.f32 v15, v13  }
0x1bb: {  	v19 =	vld [tilespmem:s6+$0xE610];
	v14 =	vsub.f32 v16, v14;
	v15 =	vmin.f32 v5, v18;
	v10 =	vsub.f32 v17, v10  }
0x1bc: {  	s5 =	simm.s32 $0x20;
	v12 =	vsub.f32 v15, v12  }
0x1bd: {  	v17 =	vld [tilespmem:s5+$0xDC00];
	v13 =	vmax.f32 v13, $0.0e+00;
	v14 =	vmax.f32 v14, $0.0e+00;
	v10 =	vmax.f32 v10, $0.0e+00  }
0x1be: {  	v18 =	vld [tilespmem:s5+$0xE100];
	v14 =	vmul.f32 v14, v13;
	v12 =	vmax.f32 v12, $0.0e+00;
	v11 =	vadd.f32 v11, v6  }
0x1bf: {  	v26 =	vmul.f32 v12, v10;
	v12 =	vld [tilespmem:s5+$0xDE80]  }
0x1c0: {  	v10 =	vadd.f32 v19, v6;
	v19 =	vld [tilespmem:s5+$0xE380];
	v11 =	vsub.f32 v11, v14  }
0x1c1: {  	v15 =	vld [tilespmem:s5+$0xDE90]  }
0x1c2: {  	v20 =	vld [tilespmem:s5+$0xE390];
	v10 =	vsub.f32 v10, v26;
	v11 =	vadd.f32 $9.999999710e-10, v11  }
0x1c3: {  	v16 =	vld [tilespmem:s5+$0xDC10]  }
0x1c4: {  	v13 =	vld [tilespmem:s5+$0xE110];
	v10 =	vadd.f32 $9.999999710e-10, v10;
	(erf) = vrcp.f32 v11  }
0x1c5: {  	v12 =	vmax.f32 v8, v12;
	v11 =	vmax.f32 v9, v17;
	v17 =	vmin.f32 v5, v19  }
0x1c6: {  	v21 =	vld [tilespmem:s5+$0xE600];
	(erf) = vrcp.f32 v10;
	v10 =	vmax.f32 v8, v15;
	v15 =	vmin.f32 v7, v18  }
0x1c7: {  	v12 =	vsub.f32 v17, v12;
	v17 =	vmin.f32 v5, v20;
	v15 =	vsub.f32 v15, v11  }
0x1c8: {  	s4 =	simm.s32 $0x40;
	v23 =	vld [tilespmem:s5+$0xE610];
	v16 =	vmax.f32 v9, v16;
	v10 =	vsub.f32 v17, v10  }
0x1c9: {  	v24 =	vld [tilespmem:s4+$0xDC10];
	v13 =	vmin.f32 v7, v13;
	v12 =	vmax.f32 v12, $0.0e+00;
	v15 =	vmax.f32 v15, $0.0e+00  }
0x1ca: {  	v22 =	vld [tilespmem:s6+$0xE880];
	v13 =	vsub.f32 v13, v16;
	v12 =	vmul.f32 v12, v15;
	v15 =	vmax.f32 v10, $0.0e+00  }
0x1cb: {  	v16 =	vld [tilespmem:s4+$0xE110];
	v17 =	vadd.f32 v21, v6  }
0x1cc: {  	v19 =	vld [tilespmem:s4+$0xDE90];
	v13 =	vmax.f32 v13, $0.0e+00;
	v11 =	vimm.f32 $-Inf  }
0x1cd: {  	v18 =	vld [tilespmem:s4+$0xDC00];
	v21 =	vadd.f32 v23, v6;
	v13 =	vmul.f32 v15, v13;
	v25 =	vsub.f32 v17, v12;
	v15 =	vpop (erf)  }
0x1ce: {  	v23 =	vld [tilespmem:s6+$0xE890];
	v10 =	vimm.s32 $0x0;
	v17 =	vmax.f32 v9, v24;
	v27 =	vmul.f32 v15, v14  }
0x1cf: {  	s7 =	simm.s32 $0x10;
	v20 =	vld [tilespmem:s4+$0xDE80];
	v24 =	vsub.f32 v21, v13;
	v25 =	vadd.f32 $9.999999710e-10, v25;
	v15 =	vor.u32 s17, v4;
	v28 =	vpop (erf)  }
0x1d0: {  	s8 =	simm.s32 $0x180;
	v21 =	vld [tilespmem:s4+$0xE100];
	v14 =	vor.u32 s7, v4;
	s7 =	simm.s32 $0x0;
	v26 =	vmul.f32 v28, v26;
	vm7 =	vgt.f32 v27, $6.000000240e-01  }
.LBB2_23:
0x1d1: {  	p0 =	sne.s32 s8, $0x880;
	v27 =	vld [tilespmem:s4+$0xE380];
	v28 =	vmax.f32 v8, v19;
	v19 =	vadd.f32 $9.999999710e-10, v24;
	v22 =	vsel vm7, $0xFF800000, v22  }
0x1d2: {  	v24 =	vld [tilespmem:s4+$0xE390];
	(erf) = vrcp.f32 v25;
	[tilespmem:s6+$0xE880] =	vst v22;
	vm7 =	vgt.f32 v22, v11;
	vm8 =	vgt.f32 v26, $6.000000240e-01  }
0x1d3: {  	v11 =	vsel vm7, v22, v11;
	v10 =	vsel vm7, v15, v10;
	v15 =	vsel vm8, $0xFF800000, v23  }
0x1d4: {  	v16 =	vmin.f32 v7, v16;
	v22 =	vld [tilespmem:s4+$0xE600];
	(erf) = vrcp.f32 v19;
	[tilespmem:s6+$0xE890] =	vst v15;
	vm7 =	vgt.f32 v15, v11;
	s6 =	smov.u32 s5;
	s5 =	smov.u32 s4  }
0x1d5: {  	v18 =	vmax.f32 v9, v18;
	v11 =	vsel vm7, v15, v11;
	v10 =	vsel vm7, v14, v10  }
0x1d6: {  	s4 =	sshra.s32 s8, $0x2;
	v14 =	vmax.f32 v8, v20;
	v15 =	vmin.f32 v7, v21;
	v19 =	vmin.f32 v5, v27;
	v20 =	vld [tilespmem:s5+$0xE610]  }
0x1d7: {  	v15 =	vsub.f32 v15, v18;
	v21 =	vld [tilespmem:s4+$0xDC10];
	v14 =	vsub.f32 v19, v14;
	v18 =	vmin.f32 v5, v24  }
0x1d8: {  	v17 =	vsub.f32 v16, v17;
	v19 =	vld [tilespmem:s4+$0xDE90];
	v18 =	vsub.f32 v18, v28  }
0x1d9: {  	v26 =	vmax.f32 v15, $0.0e+00;
	v16 =	vld [tilespmem:s4+$0xE110];
	v14 =	vmax.f32 v14, $0.0e+00;
	v23 =	vadd.f32 v22, v6  }
.Ltmp15:
0x1da: {  	v25 =	vmax.f32 v17, $0.0e+00;
	v14 =	vmul.f32 v14, v26;
	v17 =	vmax.f32 v18, $0.0e+00;
	v22 =	vld [tilespmem:s6+$0xE880];
	(pc) =	sbr.rel @p0 .LBB2_23-.Ltmp15, $4  }
0x1db: {  	s7 =	sadd.s32 $0x20, s7;
	v18 =	vld [tilespmem:s4+$0xDC00];
	v27 =	vmul.f32 v17, v25;
	v24 =	vadd.f32 v20, v6;
	v15 =	vpop (erf)  }
0x1dc: {  	s9 =	sadd.s32 $0x10, s7;
	v25 =	vsub.f32 v23, v14;
	v26 =	vmul.f32 v15, v12;
	v15 =	vor.u32 s7, v4;
	v23 =	vld [tilespmem:s6+$0xE890];
	v12 =	vmovc v14  }
0x1dd: {  	v17 =	vmax.f32 v9, v21;
	v14 =	vor.u32 s9, v4;
	v20 =	vld [tilespmem:s4+$0xDE80];
	v24 =	vsub.f32 v24, v27;
	v28 =	vpop (erf)  }
0x1de: {  	s8 =	sadd.s32 $0x80, s8;
	v21 =	vld [tilespmem:s4+$0xE100];
	v25 =	vadd.f32 $9.999999710e-10, v25;
	vm7 =	vgt.f32 v26, $6.000000240e-01;
	v26 =	vmul.f32 v28, v13;
	v13 =	vmovc v27  }
0x1df: {  	v27 =	vld [tilespmem:s4+$0xE380];
	_ =	sdelay $0x1  }
0x1e0: {  	v22 =	vsel vm7, $0xFF800000, v22;
	v28 =	vld [tilespmem:s4+$0xE390]  }
0x1e1: {  	v19 =	vmax.f32 v8, v19;
	[tilespmem:s6+$0xE880] =	vst v22;
	vm7 =	vgt.f32 v26, $6.000000240e-01  }
0x1e2: {  	v24 =	vadd.f32 $9.999999710e-10, v24;
	v9 =	vmax.f32 v9, v18;
	v23 =	vsel vm7, $0xFF800000, v23;
	v47 =	vld [tilespmem:s4+$0xE600]  }
0x1e3: {  	v8 =	vmax.f32 v8, v20;
	v48 =	vmin.f32 v7, v21;
	v49 =	vmin.f32 v5, v27  }
0x1e4: {  	[tilespmem:s6+$0xE890] =	vst v23;
	v7 =	vmin.f32 v7, v16;
	v9 =	vsub.f32 v48, v9;
	v8 =	vsub.f32 v49, v8  }
0x1e5: {  	(erf) = vrcp.f32 v25;
	v50 =	vld [tilespmem:s4+$0xE610];
	v5 =	vmin.f32 v5, v28;
	v7 =	vsub.f32 v7, v17  }
0x1e6: {  	v5 =	vsub.f32 v5, v19;
	v9 =	vmax.f32 v9, $0.0e+00;
	v8 =	vmax.f32 v8, $0.0e+00  }
0x1e7: {  	(erf) = vrcp.f32 v24;
	v51 =	vadd.f32 v47, v6;
	v8 =	vmul.f32 v8, v9  }
0x1e8: {  	v7 =	vmax.f32 v7, $0.0e+00;
	v5 =	vmax.f32 v5, $0.0e+00  }
0x1e9: {  	v5 =	vmul.f32 v5, v7;
	v7 =	vsub.f32 v51, v8  }
0x1ea: {  	v6 =	vadd.f32 v50, v6  }
0x1eb: {  	v7 =	vadd.f32 $9.999999710e-10, v7  }
0x1ec: {  	v6 =	vsub.f32 v6, v5;
	_ =	sdelay $0x1  }
0x1ed: {  	v52 =	vld [tilespmem:s5+$0xE880];
	v6 =	vadd.f32 $9.999999710e-10, v6;
	(erf) = vrcp.f32 v7  }
0x1ee: {  	v53 =	vld [tilespmem:s5+$0xE890];
	v7 =	vpop (erf)  }
0x1ef: {  	(erf) = vrcp.f32 v6;
	v7 =	vmul.f32 v7, v12;
	v54 =	vpop (erf)  }
0x1f0: {  	v6 =	vmul.f32 v54, v13  }
0x1f1: {  	vm7 =	vgt.f32 v7, $6.000000240e-01  }
0x1f2: {  	v7 =	vsel vm7, $0xFF800000, v52;
	vm7 =	vgt.f32 v6, $6.000000240e-01  }
0x1f3: {  	vm8 =	vgt.f32 v22, v11;
	[tilespmem:s5+$0xE880] =	vst v7;
	v6 =	vsel vm7, $0xFF800000, v53  }
0x1f4: {  	v55 =	vsel vm8, v22, v11;
	[tilespmem:s5+$0xE890] =	vst v6  }
0x1f5: {  	vm7 =	vgt.f32 v23, v55;
	v56 =	vld [tilespmem:s4+$0xE880]  }
0x1f6: {  	v9 =	vsel vm7, v23, v55;
	v57 =	vpop (erf)  }
0x1f7: {  	vm9 =	vgt.f32 v7, v9;
	v58 =	vld [tilespmem:s4+$0xE890];
	v8 =	vmul.f32 v57, v8  }
0x1f8: {  	v7 =	vsel vm9, v7, v9;
	v59 =	vpop (erf)  }
0x1f9: {  	vm10 =	vgt.f32 v6, v7;
	vm11 =	vgt.f32 v8, $6.000000240e-01;
	v5 =	vmul.f32 v59, v5  }
0x1fa: {  	v6 =	vsel vm10, v6, v7;
	v7 =	vsel vm11, $0xFF800000, v56  }
0x1fb: {  	vm12 =	vgt.f32 v5, $6.000000240e-01;
	vm11 =	vgt.f32 v7, v6  }
0x1fc: {  	v5 =	vsel vm11, v7, v6;
	v6 =	vsel vm12, $0xFF800000, v58  }
0x1fd: {  	vm12 =	vgt.f32 v6, v5  }
0x1fe: {  	v5 =	vsel vm12, v6, v5  }
0x1ff: {  	vm13 =	vlt.f32 v5, $-Inf;
	vm14 =	vgt.f32 v5, $-Inf  }
0x200: {  	vm13 =	vmor vm14, vm13  }
0x201: {  	v8 =	vsel vm13, $0x3F800000, v1  }
0x202: {  	(xrf0) =	vmax.scan.msk.f32 $0xffff, v8;
	_ =	sdelay $0x5  }
0x203: {  	v8, _, _ =	vpop (xrf0)  }
0x204: {  	(v2sf) =	vpush v8, $0xF;
	_ =	sdelay $0xe  }
0x205: {  	s9 =	sadd.s32 $0x20, s7;
	p0 =	sgt.u32 s3, $0x12A;
	s7 =	spop (v2sf)  }
0x206: {  	p1 =	sgt.f32 @!p0 s7, $0.0e+00;
	_ =	sdelay $0x1  }
0x207: {  	v8 =	vsel vm8, v15, v10;
	p0 =	por p0, !p1  }
.Ltmp16:
0x208: {  	v60 =	vor.u32 s9, v4;
	s10 =	sadd.s32 $0x10, s9;
	v8 =	vsel vm7, v14, v8;
	(pc) =	sbr.rel @!p0 .LBB2_22-.Ltmp16, $4  }
0x209: {  	v61 =	vor.u32 s10, v4;
	s5 =	sadd.s32 $0x20, s9;
	v8 =	vsel vm9, v60, v8  }
0x20a: {  	v62 =	vor.u32 s5, v4;
	s5 =	sadd.s32 $0x10, s5;
	v8 =	vsel vm10, v61, v8  }
0x20b: {  	v63 =	vor.u32 s5, v4;
	[tilespmem:s4+$0xE880] =	vst v7;
	v7 =	vsel vm11, v62, v8  }
0x20c: {  	[tilespmem:s4+$0xE890] =	vst v6;
	s4 =	sadd.s32 $0x1, s3;
	v7 =	vsel vm12, v63, v7  }
0x20d: {  	p0 =	slt.u32 s3, $0x12B  }
.Ltmp17:
0x20e: {  	_ = 	snop;
	(pc) =	sbr.rel @!p0 .LBB2_36-.Ltmp17, $2  }
0x20f: {  	_ =	sdelay $0x2  }
0x210: {  	s17 =	simm.s32 $0x0  }
.LBB2_26:
0x211: {  	v5 =	vmov s17;
	_ =	sdelay $0x4  }
0x212: {  	v5 =	vld.idx.msk [tilespmem:v5+s28+$0x0], $0xffff  }
0x213: {  	s5 =	simm.s32 $0x0  }
0x214: {  	v10 =	vld [tilespmem:s5+$0x7800]  }
0x215: {  	v11 =	vld [tilespmem:s5+$0x8C00]  }
0x216: {  	v12 =	vld [tilespmem:s5+$0xA000]  }
0x217: {  	v13 =	vld [tilespmem:s5+$0xB400]  }
0x218: {  	v14 =	vld [tilespmem:s5+$0x7810]  }
0x219: {  	v15 =	vld [tilespmem:s5+$0x8C10]  }
0x21a: {  	v9 =	vld.idx.msk [tilespmem:v5+s29+$0x0], $0xffff  }
0x21b: {  	v7 =	vld.idx.msk [tilespmem:v5+s30+$0x0], $0xffff  }
0x21c: {  	v8 =	vld.idx.msk [tilespmem:v5+s31+$0x0], $0xffff  }
0x21d: {  	v6 =	vld.idx.msk [tilespmem:v5+s0+$0x0], $0xffff  }
0x21e: {  	v16 =	vld [tilespmem:s5+$0xA010]  }
0x21f: {  	v17 =	vld [tilespmem:s5+$0xB410]  }
0x220: {  	v18 =	vld [tilespmem:s5+$0xC800]  }
0x221: {  	v5 =	vld.idx.msk [tilespmem:v5+s1+$0x0], $0xffff;
	v10 =	vmax.f32 v9, v10  }
0x222: {  	v11 =	vmax.f32 v7, v11;
	v12 =	vmin.f32 v8, v12;
	v13 =	vmin.f32 v6, v13  }
0x223: {  	s6 =	simm.s32 $0x20;
	v19 =	vld [tilespmem:s5+$0xC810];
	v14 =	vmax.f32 v9, v14;
	v10 =	vsub.f32 v12, v10;
	v11 =	vsub.f32 v13, v11  }
0x224: {  	v20 =	vld [tilespmem:s6+$0x7800];
	v13 =	vmax.f32 v7, v15;
	v15 =	vmin.f32 v8, v16;
	v16 =	vmin.f32 v6, v17  }
0x225: {  	v21 =	vld [tilespmem:s6+$0x8C10];
	v14 =	vsub.f32 v15, v14;
	v13 =	vsub.f32 v16, v13  }
0x226: {  	v12 =	vld [tilespmem:s6+$0x8C00];
	v16 =	vadd.f32 v18, v5;
	v10 =	vmax.f32 v10, $0.0e+00;
	v11 =	vmax.f32 v11, $0.0e+00  }
0x227: {  	v17 =	vld [tilespmem:s6+$0xA000];
	v11 =	vmul.f32 v11, v10;
	v10 =	vmax.f32 v14, $0.0e+00;
	v13 =	vmax.f32 v13, $0.0e+00  }
0x228: {  	v15 =	vld [tilespmem:s6+$0xB400];
	v10 =	vmul.f32 v13, v10;
	v13 =	vadd.f32 v19, v5  }
0x229: {  	v18 =	vld [tilespmem:s6+$0x7810];
	v14 =	vsub.f32 v16, v11  }
0x22a: {  	v19 =	vld [tilespmem:s6+$0xB410];
	v13 =	vsub.f32 v13, v10  }
0x22b: {  	v16 =	vld [tilespmem:s6+$0xA010];
	v14 =	vadd.f32 $9.999999710e-10, v14  }
0x22c: {  	v22 =	vld [tilespmem:s6+$0xC800];
	v24 =	vadd.f32 $9.999999710e-10, v13  }
0x22d: {  	s7 =	simm.s32 $0x40;
	v23 =	vld [tilespmem:s6+$0xC810];
	v12 =	vmax.f32 v7, v12;
	v15 =	vmin.f32 v6, v15;
	(erf) = vrcp.f32 v14  }
0x22e: {  	v25 =	vld [tilespmem:s7+$0x7800];
	v20 =	vmax.f32 v9, v20;
	v12 =	vsub.f32 v15, v12;
	(erf) = vrcp.f32 v24  }
0x22f: {  	v26 =	vld [tilespmem:s7+$0x8C00];
	v13 =	vmax.f32 v9, v18;
	v18 =	vmax.f32 v7, v21;
	v14 =	vmin.f32 v8, v17  }
0x230: {  	v17 =	vld [tilespmem:s7+$0xA000];
	v15 =	vmin.f32 v6, v19;
	v16 =	vmin.f32 v8, v16;
	v14 =	vsub.f32 v14, v20  }
0x231: {  	v19 =	vld [tilespmem:s7+$0xA010];
	v15 =	vsub.f32 v15, v18;
	v13 =	vsub.f32 v16, v13  }
0x232: {  	v21 =	vadd.f32 v22, v5;
	v12 =	vmax.f32 v12, $0.0e+00;
	v20 =	vld [tilespmem:s7+$0xB400];
	v16 =	vmax.f32 v14, $0.0e+00  }
0x233: {  	v18 =	vld [tilespmem:s7+$0x7810];
	v15 =	vmax.f32 v15, $0.0e+00;
	v12 =	vmul.f32 v12, v16;
	v13 =	vmax.f32 v13, $0.0e+00  }
0x234: {  	v14 =	vld [tilespmem:s7+$0x8C10];
	v16 =	vadd.f32 v23, v5;
	v13 =	vmul.f32 v15, v13  }
0x235: {  	v15 =	vld [tilespmem:s5+$0x5000];
	v23 =	vsub.f32 v21, v12  }
0x236: {  	s8 =	simm.s32 $0x180;
	v22 =	vmax.f32 v7, v26;
	v21 =	vmax.f32 v9, v25;
	v24 =	vsub.f32 v16, v13;
	v16 =	vld [tilespmem:s5+$0x5010];
	v25 =	vpop (erf)  }
.LBB2_27:
0x237: {  	p0 =	sne.s32 s8, $0x4E00;
	v26 =	vmin.f32 v8, v17;
	v27 =	vld [tilespmem:s7+$0xB410];
	v17 =	vadd.f32 $9.999999710e-10, v23;
	v23 =	vmul.f32 v25, v11;
	v11 =	vpop (erf)  }
0x238: {  	v20 =	vmin.f32 v6, v20;
	v25 =	vld [tilespmem:s7+$0xC800];
	v24 =	vadd.f32 $9.999999710e-10, v24;
	v28 =	vmul.f32 v11, v10;
	v11 =	vmovc v12;
	v10 =	vmovc v13  }
0x239: {  	s9 =	sshra.s32 s8, $0x2;
	v12 =	vmax.f32 v9, v18;
	v29 =	vld [tilespmem:s7+$0xC810];
	(erf) = vrcp.f32 v17;
	vm7 =	vgt.f32 v23, $6.000000240e-01  }
0x23a: {  	v30 =	vld [tilespmem:s9+$0x7800];
	(erf) = vrcp.f32 v24;
	v13 =	vsel vm7, $0xFF800000, v15;
	vm7 =	vgt.f32 v28, $6.000000240e-01  }
0x23b: {  	v14 =	vmax.f32 v7, v14;
	v15 =	vmin.f32 v8, v19;
	v24 =	vld [tilespmem:s9+$0x8C00];
	[tilespmem:s5+$0x5000] =	vst v13;
	v13 =	vsel vm7, $0xFF800000, v16  }
0x23c: {  	v19 =	vsub.f32 v20, v22;
	v16 =	vsub.f32 v26, v21;
	v17 =	vld [tilespmem:s9+$0xA000];
	v18 =	vmin.f32 v6, v27;
	[tilespmem:s5+$0x5010] =	vst v13;
	s5 =	smov.u32 s6;
	s6 =	smov.u32 s7;
	s7 =	smov.u32 s9  }
0x23d: {  	v13 =	vsub.f32 v15, v12;
	v20 =	vld [tilespmem:s7+$0xB400];
	v15 =	vsub.f32 v18, v14  }
.Ltmp18:
0x23e: {  	v12 =	vmax.f32 v16, $0.0e+00;
	v16 =	vmax.f32 v19, $0.0e+00;
	v21 =	vadd.f32 v25, v5;
	v18 =	vld [tilespmem:s7+$0x7810];
	(pc) =	sbr.rel @p0 .LBB2_27-.Ltmp18, $4  }
0x23f: {  	v12 =	vmul.f32 v16, v12;
	v13 =	vmax.f32 v13, $0.0e+00;
	v14 =	vld [tilespmem:s7+$0x8C10];
	v15 =	vmax.f32 v15, $0.0e+00  }
0x240: {  	v16 =	vadd.f32 v29, v5;
	v19 =	vld [tilespmem:s7+$0xA010];
	v13 =	vmul.f32 v15, v13  }
0x241: {  	v23 =	vsub.f32 v21, v12;
	v15 =	vld [tilespmem:s5+$0x5000]  }
0x242: {  	s8 =	sadd.s32 $0x80, s8;
	v21 =	vmax.f32 v9, v30;
	v22 =	vmax.f32 v7, v24;
	v24 =	vsub.f32 v16, v13;
	v16 =	vld [tilespmem:s5+$0x5010];
	v25 =	vpop (erf)  }
0x243: {  	v26 =	vld [tilespmem:s7+$0xB410];
	_ =	sdelay $0x1  }
0x244: {  	v17 =	vmin.f32 v8, v17;
	v23 =	vadd.f32 $9.999999710e-10, v23;
	v48 =	vld [tilespmem:s7+$0xC800]  }
0x245: {  	v11 =	vmul.f32 v25, v11;
	v20 =	vmin.f32 v6, v20;
	v9 =	vmax.f32 v9, v18  }
0x246: {  	v49 =	vld [tilespmem:s7+$0xC810];
	v24 =	vadd.f32 $9.999999710e-10, v24;
	v7 =	vmax.f32 v7, v14;
	v51 =	vsub.f32 v17, v21  }
0x247: {  	v52 =	vsub.f32 v20, v22;
	v50 =	vmin.f32 v8, v19;
	v6 =	vmin.f32 v6, v26  }
0x248: {  	(erf) = vrcp.f32 v23;
	v8 =	vsub.f32 v50, v9;
	v6 =	vsub.f32 v6, v7  }
0x249: {  	(erf) = vrcp.f32 v24;
	v53 =	vmax.f32 v52, $0.0e+00;
	v54 =	vadd.f32 v48, v5  }
0x24a: {  	v8 =	vmax.f32 v8, $0.0e+00;
	v7 =	vmax.f32 v51, $0.0e+00;
	v6 =	vmax.f32 v6, $0.0e+00  }
0x24b: {  	v55 =	vpop (erf);
	v5 =	vadd.f32 v49, v5;
	v7 =	vmul.f32 v53, v7;
	v6 =	vmul.f32 v6, v8  }
0x24c: {  	v56 =	vmul.f32 v55, v10  }
0x24d: {  	vm7 =	vgt.f32 v11, $6.000000240e-01;
	v57 =	vsub.f32 v54, v7;
	v5 =	vsub.f32 v5, v6  }
0x24e: {  	v58 =	vsel vm7, $0xFF800000, v15;
	vm7 =	vgt.f32 v56, $6.000000240e-01  }
0x24f: {  	[tilespmem:s5+$0x5000] =	vst v58;
	v9 =	vsel vm7, $0xFF800000, v16;
	v8 =	vadd.f32 $9.999999710e-10, v57;
	v5 =	vadd.f32 $9.999999710e-10, v5  }
0x250: {  	[tilespmem:s5+$0x5010] =	vst v9  }
0x251: {  	v9 =	vld [tilespmem:s6+$0x5000];
	(erf) = vrcp.f32 v8  }
0x252: {  	v59 =	vld [tilespmem:s6+$0x5010];
	v60 =	vpop (erf);
	(erf) = vrcp.f32 v5  }
0x253: {  	v10 =	vmul.f32 v60, v12;
	v5 =	vpop (erf)  }
0x254: {  	v5 =	vmul.f32 v5, v13  }
0x255: {  	vm7 =	vgt.f32 v10, $6.000000240e-01  }
0x256: {  	v9 =	vsel vm7, $0xFF800000, v9;
	vm7 =	vgt.f32 v5, $6.000000240e-01  }
0x257: {  	[tilespmem:s6+$0x5000] =	vst v9;
	v5 =	vsel vm7, $0xFF800000, v59  }
0x258: {  	[tilespmem:s6+$0x5010] =	vst v5  }
0x259: {  	v5 =	vld [tilespmem:s7+$0x5000]  }
0x25a: {  	v62 =	vpop (erf);
	v61 =	vld [tilespmem:s7+$0x5010]  }
0x25b: {  	p0 =	seq.s32 s17, s3;
	v7 =	vmul.f32 v62, v7;
	v63 =	vpop (erf)  }
.Ltmp19:
0x25c: {  	v6 =	vmul.f32 v63, v6;
	(pc) =	sbr.rel @!p0 .LBB2_26-.Ltmp19, $4  }
0x25d: {  	vm7 =	vgt.f32 v7, $6.000000240e-01  }
0x25e: {  	v5 =	vsel vm7, $0xFF800000, v5;
	vm7 =	vgt.f32 v6, $6.000000240e-01  }
0x25f: {  	s10 =	sadd.s32 $0x1, s17;
	[tilespmem:s7+$0x5000] =	vst v5;
	v5 =	vsel vm7, $0xFF800000, v61  }
0x260: {  	s17 =	smov.u32 s10;
	[tilespmem:s7+$0x5010] =	vst v5  }
0x261: {  	s17 =	smov.u32 s4  }
.LBB2_30:
0x262: {  	s5 =	simm.s32 $0x5010  }
0x263: {  	v6 =	vld [tilespmem:s5+$0xFFFFFFF0];
	_ =	sdelay $0x1  }
0x264: {  	v5 =	vld [tilespmem:s5+$0x0];
	_ =	sdelay $0x1  }
0x265: {  	v7 =	vimm.f32 $-Inf;
	s6 =	simm.s32 $0x0  }
0x266: {  	v8 =	vimm.s32 $0x0;
	s3 =	simm.s32 $0x10;
	s4 =	simm.s32 $0x30;
	v9 =	vor.u32 s6, v4;
	s5 =	simm.s32 $0x5030;
	vm7 =	vgt.f32 v6, v7  }
.LBB2_31:
0x267: {  	p0 =	seq.s32 s4, $0x1390;
	v7 =	vsel vm7, v6, v7;
	v6 =	vld [tilespmem:s5+$0xFFFFFFF0];
	v8 =	vsel vm7, v9, v8;
	s6 =	smov.u32 s4;
	s4 =	sadd.s32 $0x20, s4  }
.Ltmp20:
0x268: {  	v9 =	vor.u32 s3, v4;
	vm7 =	vgt.f32 v5, v7;
	s3 =	smov.u32 s6;
	(pc) =	sbr.rel @!p0 .LBB2_31-.Ltmp20, $3  }
0x269: {  	v7 =	vsel vm7, v5, v7;
	v5 =	vld [tilespmem:s5+$0x0];
	v8 =	vsel vm7, v9, v8;
	_ =	sdelay $0x1  }
0x26a: {  	s6 =	sadd.s32 $0xFFFFFFF0, s3  }
0x26b: {  	s5 =	sadd.s32 $0x20, s5;
	v9 =	vor.u32 s6, v4;
	vm7 =	vgt.f32 v6, v7  }
0x26c: {  	p0 =	slt.u32 s17, $0x12C  }
.Ltmp21:
0x26d: {  	_ = 	snop;
	(pc) =	sbr.rel @!p0 .LBB2_36-.Ltmp21, $4  }
0x26e: {  	_ = 	snop  }
0x26f: {  	v6 =	vsel vm7, v6, v7  }
0x270: {  	v7 =	vsel vm7, v9, v8;
	v8 =	vor.u32 s3, v4;
	vm7 =	vgt.f32 v5, v6  }
0x271: {  	s3 =	smov.u32 s17;
	v5 =	vsel vm7, v5, v6;
	v6 =	vsel vm7, v8, v7  }
.LBB2_33:
0x272: {  	(xrf0) =	vmax.scan.msk.f32 $0xffff, v5;
	_ =	sdelay $0x5  }
0x273: {  	v7, _, _ =	vpop (xrf0)  }
0x274: {  	v8 =	vbroadcast v7, $0xF;
	_ =	sdelay $0x1  }
0x275: {  	vm7 =	veq.f32 v5, v8;
	v5 =	vxor.u32 $0x80000000, v6  }
0x276: {  	v5 =	vnsel vm7, $0xC0000000, v5  }
0x277: {  	(xrf0) =	vmin.scan.msk.u32 $0xffff, v5;
	_ =	sdelay $0x5  }
0x278: {  	(v2sf) =	vpush v7, $0xF;
	v5, _, _ =	vpop (xrf0)  }
0x279: {  	(v2sf) =	vpush v5, $0xF;
	_ =	sdelay $0xd  }
0x27a: {  	s4 =	spop (v2sf)  }
0x27b: {  	s5 =	spop (v2sf)  }
0x27c: {  	s5 =	sxor.u32 $0x80000000, s5  }
0x27d: {  	v6 =	vmov s5;
	_ =	sdelay $0x4  }
0x27e: {  	v5 =	vld.idx.msk [tilespmem:v6+s18+$0x0], $0xffff;
	_ =	sdelay $0x1  }
0x27f: {  	v7 =	vld.idx.msk [tilespmem:v6+s16+$0x0], $0xffff  }
0x280: {  	v9 =	vld.idx.msk [tilespmem:v6+s15+$0x0], $0xffff  }
0x281: {  	p0 =	sgt.f32 s4, $-Inf;
	s4 =	simm.s32 $0x0;
	v10 =	vld.idx.msk [tilespmem:v6+s14+$0x0], $0xffff  }
0x282: {  	vm7 =	vmmov vm6;
	v11 =	vld.idx.msk [tilespmem:v6+s4+$0x0], $0xffff;
	v5 =	vsel vm0, $0x0, v5  }
0x283: {  	s10 =	sshll.u32 s3, $0x3;
	vm7 =	vmneg @p0 vm7;
	v5 =	vsel vm1, v5, v8  }
0x284: {  	vm7 =	vmand vm7, vm5;
	v5 =	vsel vm2, v5, v7;
	v7 =	vadd.s32 s10, v4  }
0x285: {  	v8 =	vmov s17;
	v5 =	vsel vm3, v5, v9  }
0x286: {  	v5 =	vsel vm4, v5, v10  }
0x287: {  	v5 =	vsel vm5, v11, v5  }
0x288: {  	v5 =	vpsel !p0, $0x0, v5  }
0x289: {  	[tilespmem:v7+s26+$0x0] =	vst.idx.msk $0xff, v5  }
0x28a: {  	[tilespmem:v8+s28+$0x0] =	vst.idx.msk vm7, v6  }
0x28b: {  	v9 =	vld.idx.msk [tilespmem:v6+s29+$0x0], $0xffff  }
0x28c: {  	v8 =	vld.idx.msk [tilespmem:v6+s30+$0x0], $0xffff  }
0x28d: {  	v7 =	vld.idx.msk [tilespmem:v6+s31+$0x0], $0xffff  }
0x28e: {  	s7 =	simm.s32 $0x0;
	v5 =	vld.idx.msk [tilespmem:v6+s0+$0x0], $0xffff  }
0x28f: {  	v10 =	vld [tilespmem:s7+$0x7810]  }
0x290: {  	v11 =	vld [tilespmem:s7+$0x8C10]  }
0x291: {  	v12 =	vld [tilespmem:s7+$0x7800]  }
0x292: {  	v13 =	vld [tilespmem:s7+$0x8C00]  }
0x293: {  	v14 =	vld [tilespmem:s7+$0xA000]  }
0x294: {  	v15 =	vld [tilespmem:s7+$0xB400]  }
0x295: {  	v16 =	vld [tilespmem:s7+$0xA010]  }
0x296: {  	v17 =	vld [tilespmem:s7+$0xB410]  }
0x297: {  	v6 =	vld.idx.msk [tilespmem:v6+s1+$0x0], $0xffff  }
0x298: {  	v18 =	vld [tilespmem:s7+$0xC800];
	v10 =	vmax.f32 v9, v10;
	v12 =	vmax.f32 v9, v12  }
0x299: {  	v13 =	vmax.f32 v8, v13;
	v14 =	vmin.f32 v7, v14;
	v15 =	vmin.f32 v5, v15  }
0x29a: {  	v19 =	vld [tilespmem:s7+$0xC810];
	v16 =	vmin.f32 v7, v16;
	v12 =	vsub.f32 v14, v12;
	v13 =	vsub.f32 v15, v13  }
0x29b: {  	s6 =	simm.s32 $0x20;
	v11 =	vmax.f32 v8, v11;
	v14 =	vmin.f32 v5, v17;
	v10 =	vsub.f32 v16, v10  }
0x29c: {  	v20 =	vld [tilespmem:s6+$0xB410];
	v11 =	vsub.f32 v14, v11;
	v12 =	vmax.f32 v12, $0.0e+00;
	v13 =	vmax.f32 v13, $0.0e+00  }
0x29d: {  	v15 =	vld [tilespmem:s6+$0x7810];
	v16 =	vadd.f32 v18, v6;
	v17 =	vmul.f32 v13, v12  }
0x29e: {  	v18 =	vld [tilespmem:s6+$0xA000];
	v10 =	vmax.f32 v10, $0.0e+00;
	v11 =	vmax.f32 v11, $0.0e+00  }
0x29f: {  	v13 =	vld [tilespmem:s6+$0x7800];
	v26 =	vmul.f32 v11, v10;
	v10 =	vadd.f32 v19, v6;
	v11 =	vsub.f32 v16, v17  }
0x2a0: {  	v19 =	vld [tilespmem:s6+$0xB400]  }
0x2a1: {  	v16 =	vld [tilespmem:s6+$0x8C00];
	v10 =	vsub.f32 v10, v26;
	v11 =	vadd.f32 $9.999999710e-10, v11  }
0x2a2: {  	v12 =	vld [tilespmem:s6+$0xA010]  }
0x2a3: {  	v14 =	vld [tilespmem:s6+$0x8C10];
	v10 =	vadd.f32 $9.999999710e-10, v10;
	(erf) = vrcp.f32 v11;
	_ =	sdelay $0x1  }
0x2a4: {  	v21 =	vld [tilespmem:s6+$0xC800];
	v11 =	vmax.f32 v9, v15;
	v15 =	vmin.f32 v7, v18;
	(erf) = vrcp.f32 v10  }
0x2a5: {  	v10 =	vmax.f32 v9, v13;
	v13 =	vmax.f32 v8, v16;
	v16 =	vmin.f32 v5, v19  }
0x2a6: {  	s5 =	simm.s32 $0x40;
	v23 =	vld [tilespmem:s6+$0xC810];
	v12 =	vmin.f32 v7, v12;
	v18 =	vsub.f32 v15, v10;
	v13 =	vsub.f32 v16, v13  }
0x2a7: {  	v24 =	vld [tilespmem:s5+$0x7810];
	v14 =	vmax.f32 v8, v14;
	v12 =	vsub.f32 v12, v11;
	v15 =	vmin.f32 v5, v20  }
0x2a8: {  	v22 =	vld [tilespmem:s7+$0x5000];
	v14 =	vsub.f32 v15, v14;
	v11 =	vmax.f32 v18, $0.0e+00;
	v13 =	vmax.f32 v13, $0.0e+00  }
0x2a9: {  	v19 =	vld [tilespmem:s5+$0x8C10];
	v16 =	vadd.f32 v21, v6;
	v11 =	vmul.f32 v13, v11  }
0x2aa: {  	v10 =	vimm.f32 $-Inf;
	v21 =	vld [tilespmem:s5+$0xA000];
	v12 =	vmax.f32 v12, $0.0e+00;
	v14 =	vmax.f32 v14, $0.0e+00  }
0x2ab: {  	v15 =	vld [tilespmem:s5+$0xA010];
	v12 =	vmul.f32 v14, v12;
	v14 =	vadd.f32 v23, v6;
	v25 =	vsub.f32 v16, v11;
	v20 =	vpop (erf)  }
0x2ac: {  	v13 =	vimm.s32 $0x0;
	v23 =	vld [tilespmem:s7+$0x5010];
	v16 =	vor.u32 s4, v4;
	v27 =	vmul.f32 v20, v17  }
0x2ad: {  	s8 =	simm.s32 $0x10;
	v18 =	vld [tilespmem:s5+$0x7800];
	v25 =	vadd.f32 $9.999999710e-10, v25;
	v17 =	vmax.f32 v9, v24;
	v24 =	vsub.f32 v14, v12;
	v28 =	vpop (erf)  }
0x2ae: {  	v20 =	vld [tilespmem:s5+$0x8C00];
	v14 =	vor.u32 s8, v4;
	s8 =	simm.s32 $0x180;
	v26 =	vmul.f32 v28, v26;
	vm7 =	vgt.f32 v27, $6.000000240e-01  }
.LBB2_34:
0x2af: {  	p1 =	sne.s32 s8, $0x4E00;
	v27 =	vld [tilespmem:s5+$0xB400];
	v28 =	vmax.f32 v8, v19;
	v19 =	vadd.f32 $9.999999710e-10, v24;
	v22 =	vsel vm7, $0xFF800000, v22  }
0x2b0: {  	v24 =	vld [tilespmem:s5+$0xB410];
	(erf) = vrcp.f32 v25;
	[tilespmem:s7+$0x5000] =	vst v22;
	vm7 =	vgt.f32 v22, v10;
	vm8 =	vgt.f32 v26, $6.000000240e-01  }
0x2b1: {  	v10 =	vsel vm7, v22, v10;
	v13 =	vsel vm7, v16, v13;
	v16 =	vsel vm8, $0xFF800000, v23  }
0x2b2: {  	v15 =	vmin.f32 v7, v15;
	v22 =	vld [tilespmem:s5+$0xC800];
	(erf) = vrcp.f32 v19;
	[tilespmem:s7+$0x5010] =	vst v16;
	vm7 =	vgt.f32 v16, v10;
	s7 =	smov.u32 s6;
	s6 =	smov.u32 s5  }
0x2b3: {  	v18 =	vmax.f32 v9, v18;
	v10 =	vsel vm7, v16, v10;
	v13 =	vsel vm7, v14, v13  }
0x2b4: {  	s5 =	sshra.s32 s8, $0x2;
	v14 =	vmax.f32 v8, v20;
	v16 =	vmin.f32 v7, v21;
	v19 =	vmin.f32 v5, v27;
	v20 =	vld [tilespmem:s6+$0xC810]  }
0x2b5: {  	v16 =	vsub.f32 v16, v18;
	v21 =	vld [tilespmem:s5+$0x7810];
	v14 =	vsub.f32 v19, v14;
	v18 =	vmin.f32 v5, v24  }
0x2b6: {  	v17 =	vsub.f32 v15, v17;
	v19 =	vld [tilespmem:s5+$0x8C10];
	v18 =	vsub.f32 v18, v28  }
0x2b7: {  	v26 =	vmax.f32 v16, $0.0e+00;
	v15 =	vld [tilespmem:s5+$0xA010];
	v14 =	vmax.f32 v14, $0.0e+00;
	v23 =	vadd.f32 v22, v6  }
.Ltmp22:
0x2b8: {  	v25 =	vmax.f32 v17, $0.0e+00;
	v14 =	vmul.f32 v14, v26;
	v17 =	vmax.f32 v18, $0.0e+00;
	v22 =	vld [tilespmem:s7+$0x5000];
	(pc) =	sbr.rel @p1 .LBB2_34-.Ltmp22, $4  }
0x2b9: {  	s4 =	sadd.s32 $0x20, s4;
	v18 =	vld [tilespmem:s5+$0x7800];
	v27 =	vmul.f32 v17, v25;
	v24 =	vadd.f32 v20, v6;
	v16 =	vpop (erf)  }
0x2ba: {  	s9 =	sadd.s32 $0x10, s4;
	v25 =	vsub.f32 v23, v14;
	v26 =	vmul.f32 v16, v11;
	v16 =	vor.u32 s4, v4;
	v23 =	vld [tilespmem:s7+$0x5010];
	v11 =	vmovc v14  }
0x2bb: {  	v17 =	vmax.f32 v9, v21;
	v14 =	vor.u32 s9, v4;
	v20 =	vld [tilespmem:s5+$0x8C00];
	v24 =	vsub.f32 v24, v27;
	v28 =	vpop (erf)  }
0x2bc: {  	s8 =	sadd.s32 $0x80, s8;
	v21 =	vld [tilespmem:s5+$0xA000];
	v25 =	vadd.f32 $9.999999710e-10, v25;
	vm7 =	vgt.f32 v26, $6.000000240e-01;
	v26 =	vmul.f32 v28, v12;
	v12 =	vmovc v27  }
0x2bd: {  	v27 =	vld [tilespmem:s5+$0xB400];
	_ =	sdelay $0x1  }
0x2be: {  	v22 =	vsel vm7, $0xFF800000, v22;
	v28 =	vld [tilespmem:s5+$0xB410]  }
0x2bf: {  	v19 =	vmax.f32 v8, v19;
	[tilespmem:s7+$0x5000] =	vst v22;
	vm7 =	vgt.f32 v26, $6.000000240e-01  }
0x2c0: {  	v24 =	vadd.f32 $9.999999710e-10, v24;
	v9 =	vmax.f32 v9, v18;
	v23 =	vsel vm7, $0xFF800000, v23;
	v46 =	vld [tilespmem:s5+$0xC800]  }
0x2c1: {  	v8 =	vmax.f32 v8, v20;
	v47 =	vmin.f32 v7, v21;
	v48 =	vmin.f32 v5, v27  }
0x2c2: {  	[tilespmem:s7+$0x5010] =	vst v23;
	v7 =	vmin.f32 v7, v15;
	v9 =	vsub.f32 v47, v9;
	v8 =	vsub.f32 v48, v8  }
0x2c3: {  	(erf) = vrcp.f32 v25;
	v49 =	vld [tilespmem:s5+$0xC810];
	v5 =	vmin.f32 v5, v28;
	v7 =	vsub.f32 v7, v17  }
0x2c4: {  	v5 =	vsub.f32 v5, v19;
	v9 =	vmax.f32 v9, $0.0e+00;
	v8 =	vmax.f32 v8, $0.0e+00  }
0x2c5: {  	(erf) = vrcp.f32 v24;
	v50 =	vadd.f32 v46, v6;
	v8 =	vmul.f32 v8, v9  }
0x2c6: {  	v7 =	vmax.f32 v7, $0.0e+00;
	v5 =	vmax.f32 v5, $0.0e+00  }
0x2c7: {  	v5 =	vmul.f32 v5, v7;
	v7 =	vsub.f32 v50, v8  }
0x2c8: {  	v6 =	vadd.f32 v49, v6  }
0x2c9: {  	v7 =	vadd.f32 $9.999999710e-10, v7  }
0x2ca: {  	v6 =	vsub.f32 v6, v5;
	_ =	sdelay $0x1  }
0x2cb: {  	v51 =	vld [tilespmem:s6+$0x5000];
	v6 =	vadd.f32 $9.999999710e-10, v6;
	(erf) = vrcp.f32 v7  }
0x2cc: {  	v52 =	vld [tilespmem:s6+$0x5010];
	v7 =	vpop (erf)  }
0x2cd: {  	(erf) = vrcp.f32 v6;
	v7 =	vmul.f32 v7, v11;
	v53 =	vpop (erf)  }
0x2ce: {  	v6 =	vmul.f32 v53, v12  }
0x2cf: {  	vm7 =	vgt.f32 v7, $6.000000240e-01  }
0x2d0: {  	v7 =	vsel vm7, $0xFF800000, v51;
	vm7 =	vgt.f32 v6, $6.000000240e-01  }
0x2d1: {  	vm8 =	vgt.f32 v22, v10;
	[tilespmem:s6+$0x5000] =	vst v7;
	v6 =	vsel vm7, $0xFF800000, v52  }
0x2d2: {  	v54 =	vsel vm8, v22, v10;
	[tilespmem:s6+$0x5010] =	vst v6  }
0x2d3: {  	s4 =	sadd.s32 $0x20, s4;
	vm7 =	vgt.f32 v23, v54;
	v56 =	vld [tilespmem:s5+$0x5000]  }
0x2d4: {  	v58 =	vor.u32 s4, v4;
	v55 =	vsel vm8, v16, v13;
	v9 =	vsel vm7, v23, v54;
	v57 =	vpop (erf)  }
0x2d5: {  	v10 =	vsel vm7, v14, v55;
	vm7 =	vgt.f32 v7, v9;
	v59 =	vld [tilespmem:s5+$0x5010];
	v8 =	vmul.f32 v57, v8  }
0x2d6: {  	s3 =	sadd.s32 $0x1, s3;
	s6 =	simm.s32 $0x1;
	v7 =	vsel vm7, v7, v9;
	v60 =	vsel vm7, v58, v10;
	v61 =	vpop (erf)  }
0x2d7: {  	s10 =	sadd.s32 $0x10, s4;
	s6 =	simm.s32 @!p0 $0x0;
	p0 =	sne.s32 s3, $0x12C;
	vm7 =	vgt.f32 v6, v7;
	vm8 =	vgt.f32 v8, $6.000000240e-01;
	v5 =	vmul.f32 v61, v5  }
.Ltmp23:
0x2d8: {  	v8 =	vor.u32 s10, v4;
	v6 =	vsel vm7, v6, v7;
	v7 =	vsel vm8, $0xFF800000, v56;
	(pc) =	sbr.rel @p0 .LBB2_33-.Ltmp23, $4  }
.Ltmp24:
0x2d9: {  	s4 =	sadd.s32 $0x20, s4;
	v8 =	vsel vm7, v8, v60;
	vm8 =	vgt.f32 v5, $6.000000240e-01;
	vm7 =	vgt.f32 v7, v6;
	(pc) =	sbr.rel @!p0 .LBB2_36-.Ltmp24, $4  }
0x2da: {  	v5 =	vor.u32 s4, v4;
	s4 =	sadd.s32 $0x10, s4;
	v62 =	vsel vm8, $0xFF800000, v59;
	v6 =	vsel vm7, v7, v6  }
0x2db: {  	v63 =	vor.u32 s4, v4;
	[tilespmem:s5+$0x5000] =	vst v7;
	v7 =	vsel vm7, v5, v8;
	vm7 =	vgt.f32 v62, v6  }
0x2dc: {  	s17 =	sadd.s32 s6, s17;
	[tilespmem:s5+$0x5010] =	vst v62;
	v5 =	vsel vm7, v62, v6;
	v6 =	vsel vm7, v63, v7  }
0x2dd: {  	_ = 	snop  }
.LBB2_37:
0x2de: {  	_ =	sfence.sel $0x180000  }
0x2df: {  	[bflag:$0x0] =	sbarrier.arrive $0xFFFF  }
0x2e0: {  	_ =	strace $0x90000047  }
0x2e1: {  	s0 =	stileid.u32;
	[bflag:$0x2] =	sbarrier.arrive $0xFFFF  }
0x2e2: {  	p0 =	sne.s32 s0, $0x0;
	s0 =	rddreg [dreg:$0x1]  }
0x2e3: {  	s0 =	sadd.s32 @!p0 $0x100000, s0  }
0x2e4: {  	[sflag:s0] =	ssyncadd.tile.s32 @!p0 $0x1;
	_ =	shalt  }
.Lfunc_end2:
_tile_overlayer_lowered:
.L_overlay_start_2:
0x2e5: {  	(tag) =	ssettag $0x2  }
0x2e6: {  	s0 =	rddreg [dreg:$0x0];
	s2 =	stileid.u32  }
0x2e7: {  	s1 =	rddreg [dreg:$0x1];
	p0 =	sne.s32 s2, $0x0  }
0x2e8: {  	s3 =	rddreg [dreg:$0x2];
	[bflag:$0x3] =	sbarrier.arrive $0xFFFF;
	s2 =	simm.s32 @!p0 $0x1C01  }
0x2e9: {  	[timem:s3], [sflag:s2] =	dma.local @!p0 [hbm:s0], s1  }
0x2ea: {  	s0 =	simm.s32 @!p0 $0x1  }
0x2eb: {  	_ =	swait.ge @!p0 [sflag:s0], s1  }
0x2ec: {  	s1 =	ssub.s32 @!p0 $0x0, s1;
	[sflag:s0] =	ssyncset.done @!p0 $0x0  }
0x2ed: {  	[sflag:s0] =	ssyncadd.s32 @!p0 s1  }
0x2ee: {  	[bflag:$0x3] =	sbarrier.arrive $0xFFFF  }
0x2ef: {  	_ =	shalt  }

</sc_bundles>
